<compile_context>
chip_gen: v7x
topology: tpu7x:2x2x1
jax: 0.10.2.dev20260603
libtpu: 0.0.44.dev20260713+nightly
codegen_flags: <defaults>
</compile_context>

<pallas_src>
import functools

import jax
import jax.numpy as jnp
from jax import lax
from jax.experimental import pallas as pl
from jax.experimental.pallas import tpu as pltpu
from jax.experimental.pallas import tpu_sc as plsc

B, N, C_IN, M, K, OUT = 8, 8192, 64, 2048, 32, 128
D_CAT = 3 + C_IN
EPS = 1e-5
BM = 256
BMT = 256
PW = 8
TW = 80
IDX_MASK = 8191
NW = 32
GCH = 128


def _topk_body(xyzp_ref, ct_ref, out_ref, res_ref):
    b = pl.program_id(0)
    x = xyzp_ref[0]
    c = ct_ref[0]
    xn2 = jnp.sum(x * x, axis=1, keepdims=True)
    cn2 = jnp.sum(c * c, axis=0, keepdims=True)
    dot = jnp.dot(x, c, preferred_element_type=jnp.float32)
    d2 = jnp.maximum(xn2 + cn2 - 2.0 * dot, 0.0)
    bits = lax.bitcast_convert_type(d2, jnp.int32)
    rows = lax.broadcasted_iota(jnp.int32, (N, BMT), 0)
    keys = (bits & jnp.int32(~IDX_MASK)) | rows
    base = b * N
    maxi = jnp.int32(0x7FFFFFFF)

    kr = keys.reshape(32, 32, 8, BMT)
    m1 = jnp.full((32, 8, BMT), maxi)
    m2, m3, m4 = m1, m1, m1
    for step in range(32):
        v = kr[:, step]
        m1, v = jnp.minimum(m1, v), jnp.maximum(m1, v)
        m2, v = jnp.minimum(m2, v), jnp.maximum(m2, v)
        m3, v = jnp.minimum(m3, v), jnp.maximum(m3, v)
        m4 = jnp.minimum(m4, v)
    cand2 = jnp.stack([m1, m2, m3, m4]).reshape(1024, BMT)

    def sbody(k, prev):
        m = jnp.min(jnp.where(cand2 > prev, cand2, maxi), axis=0)
        res_ref[pl.ds(k, 1), :] = m.reshape(1, BMT)
        return m

    mlast = lax.fori_loop(0, K, sbody, jnp.full((BMT,), -1, jnp.int32))

    count = jnp.sum((keys <= mlast).astype(jnp.int32), axis=0)
    ok = jnp.all(count == K)

    @pl.when(ok)
    def _():
        out_ref[0] = (res_ref[...] & IDX_MASK) + base

    @pl.when(jnp.logical_not(ok))
    def _():
        def fbody(k, prev):
            m = jnp.min(jnp.where(keys > prev, keys, maxi), axis=0)
            out_ref[0, pl.ds(k, 1), :] = ((m & IDX_MASK) + base).reshape(1, BMT)
            return m

        lax.fori_loop(0, K, fbody, jnp.full((BMT,), -1, jnp.int32))


def _topk(xyzp, centers_t):
    return pl.pallas_call(
        _topk_body,
        grid=(B, M // BMT),
        in_specs=[
            pl.BlockSpec((1, N, PW), lambda b, mb: (b, 0, 0)),
            pl.BlockSpec((1, PW, BMT), lambda b, mb: (b, 0, mb)),
        ],
        out_specs=pl.BlockSpec((1, K, BMT), lambda b, mb: (b, 0, mb)),
        out_shape=jax.ShapeDtypeStruct((B, K, M), jnp.int32),
        scratch_shapes=[pltpu.VMEM((K, BMT), jnp.int32)],
    )(xyzp, centers_t)


def _gather(table, idx2):
    tot = B * K * M

    @functools.partial(
        pl.kernel,
        out_type=jax.ShapeDtypeStruct((tot, TW), jnp.float32),
        mesh=plsc.VectorSubcoreMesh(core_axis_name="c", subcore_axis_name="s"),
        compiler_params=pltpu.CompilerParams(use_tc_tiling_on_sc=False),
        scratch_types=[
            pltpu.VMEM((GCH, 128), jnp.int32),
            pltpu.VMEM((2, 128, TW), jnp.float32),
            pltpu.SemaphoreType.DMA,
            pltpu.SemaphoreType.DMA,
        ],
    )
    def k(table_hbm, idx_hbm, out_hbm, idx_v, rows_v, sem0, sem1):
        wid = lax.axis_index("s") * 2 + lax.axis_index("c")
        pltpu.sync_copy(idx_hbm.at[pl.ds(wid * GCH, GCH), :], idx_v)
        base = wid * GCH * 128

        sems = (sem0, sem1)

        def start(j, buf):
            return pltpu.async_copy(
                table_hbm.at[idx_v.at[j]], rows_v.at[buf], sems[buf])

        def store(j, buf):
            pltpu.sync_copy(rows_v.at[buf],
                            out_hbm.at[pl.ds(base + j * 128, 128), :])

        def body(i, carry):
            jb = i * 16
            pend = start(jb, 0)
            for t in range(16):
                nxt = start(jb + t + 1, (t + 1) % 2) if t < 15 else None
                pend.wait()
                store(jb + t, t % 2)
                pend = nxt
            return carry

        lax.fori_loop(0, GCH // 16, body, 0)

    return k(table, idx2)


def _mlp_body(g_ref, cpad_ref, wf_ref, bf_ref, wa1_ref, wa2_ref, ba_ref, out_ref):
    g = g_ref[0]
    g2 = g.reshape(K * BM, TW)
    cpad = cpad_ref[0]
    wf = wf_ref[...]
    wa1 = wa1_ref[...]
    wa2 = wa2_ref[...]
    bf = bf_ref[...]
    ba = ba_ref[...]

    raw_f = jnp.dot(g2, wf, preferred_element_type=jnp.float32)
    corr_f = jnp.dot(cpad, wf[0:PW, :], preferred_element_type=jnp.float32)
    f3 = jnp.maximum(raw_f.reshape(K, BM, OUT) - corr_f[None] + bf[None], 0.0)
    fmean = jnp.mean(f3, axis=0)

    raw_a = jnp.dot(g2, wa1, preferred_element_type=jnp.float32)
    corr_a = jnp.dot(cpad, wa1[0:PW, :], preferred_element_type=jnp.float32)
    t = jnp.dot((f3 - fmean[None]).reshape(K * BM, OUT), wa2,
                preferred_element_type=jnp.float32)
    alpha = jnp.maximum(
        raw_a.reshape(K, BM, OUT) - corr_a[None] + t.reshape(K, BM, OUT) + ba[None],
        0.0)

    amax = jnp.max(alpha, axis=0)
    e = jnp.exp(alpha - amax[None])
    s = jnp.sum(e, axis=0)
    fr = jnp.sum(e * f3, axis=0) / s
    out_ref[0] = fr


def _mlp(g, cpad, wf, bf, wa1, wa2, ba):
    return pl.pallas_call(
        _mlp_body,
        grid=(B, M // BM),
        in_specs=[
            pl.BlockSpec((1, K, BM, TW), lambda b, mb: (b, 0, mb, 0)),
            pl.BlockSpec((1, BM, PW), lambda b, mb: (b, mb, 0)),
            pl.BlockSpec((TW, OUT), lambda b, mb: (0, 0)),
            pl.BlockSpec((1, OUT), lambda b, mb: (0, 0)),
            pl.BlockSpec((TW, OUT), lambda b, mb: (0, 0)),
            pl.BlockSpec((OUT, OUT), lambda b, mb: (0, 0)),
            pl.BlockSpec((1, OUT), lambda b, mb: (0, 0)),
        ],
        out_specs=pl.BlockSpec((1, BM, OUT), lambda b, mb: (b, mb, 0)),
        out_shape=jax.ShapeDtypeStruct((B, M, OUT), jnp.float32),
    )(g, cpad, wf, bf, wa1, wa2, ba)


def kernel(xyz, feat_in, Wf, bf, gf, betaf, Wa, ba, ga, betaa):
    idx_center = jnp.linspace(0.0, N - 1, M).astype(jnp.int32)
    centers = xyz[:, idx_center, :]

    xyzp = jnp.concatenate(
        [xyz, jnp.zeros((B, N, PW - 3), jnp.float32)], axis=-1)
    cpad = xyzp[:, idx_center, :]

    centers_t = jnp.transpose(cpad, (0, 2, 1))

    idx = _topk(xyzp, centers_t)
    idx2 = idx.reshape(NW * GCH, 128)

    feat_t = jnp.transpose(feat_in, (0, 2, 1))
    table = jnp.concatenate(
        [xyz, feat_t, jnp.zeros((B, N, TW - D_CAT), jnp.float32)],
        axis=-1).reshape(B * N, TW)

    g = _gather(table, idx2).reshape(B, K, M, TW)

    scale_f = gf / jnp.sqrt(1.0 + EPS)
    scale_a = ga / jnp.sqrt(1.0 + EPS)
    wf_eff = Wf * scale_f[:, None]
    bf_eff = (bf * scale_f + betaf).reshape(1, OUT)
    wa_eff = Wa * scale_a[:, None]
    ba_eff = (ba * scale_a + betaa).reshape(1, OUT)

    wf_pad = jnp.zeros((TW, OUT), jnp.float32).at[:D_CAT].set(wf_eff.T)
    wa1_pad = jnp.zeros((TW, OUT), jnp.float32).at[:D_CAT].set(wa_eff[:, :D_CAT].T)
    wa2 = wa_eff[:, D_CAT:].T

    f_out = _mlp(g, cpad, wf_pad, bf_eff, wa1_pad, wa2, ba_eff)
    f_region = jnp.transpose(f_out, (0, 2, 1))
    return centers, f_region

# --- scband reference (transcript-rebuilt; emitter-appended) ---
"""Pipeline reference for scband-sa-wslfa-5583457485366 (READ-ONLY COPY).

The authoritative reference and input builder live on the scoring server;
editing this copy changes nothing except your own understanding.
"""

import jax, jax.numpy as jnp
import numpy as np

B, N, C_IN, M, K, OUT = 8, 8192, 64, 2048, 32, 128
D_CAT = 3 + C_IN
D_ALPHA = D_CAT + OUT
EPS = 1e-5


def setup_inputs(seed: int = 0) -> dict:
    key = jax.random.key(seed)
    ks = jax.random.split(key, 6)
    xyz = jax.random.normal(ks[0], (B, N, 3), dtype=jnp.float32)
    feat_in = jax.random.normal(ks[1], (B, C_IN, N), dtype=jnp.float32)
    Wf = jax.random.normal(ks[2], (OUT, D_CAT), dtype=jnp.float32) * (1.0 / np.sqrt(D_CAT))
    bf = jnp.zeros((OUT,), jnp.float32)
    gf = jnp.ones((OUT,), jnp.float32)
    betaf = jnp.zeros((OUT,), jnp.float32)
    Wa = jax.random.normal(ks[3], (OUT, D_ALPHA), dtype=jnp.float32) * (1.0 / np.sqrt(D_ALPHA))
    ba = jnp.zeros((OUT,), jnp.float32)
    ga = jnp.ones((OUT,), jnp.float32)
    betaa = jnp.zeros((OUT,), jnp.float32)
    return {"xyz": xyz, "feat_in": feat_in, "Wf": Wf, "bf": bf, "gf": gf, "betaf": betaf,
            "Wa": Wa, "ba": ba, "ga": ga, "betaa": betaa}


def _bn_eval(x, gamma, beta):
    # BatchNorm2d in eval mode with running_mean=0, running_var=1
    scale = gamma / jnp.sqrt(1.0 + EPS)
    return x * scale[None, :, None, None] + beta[None, :, None, None]


def reference(xyz, feat_in, Wf, bf, gf, betaf, Wa, ba, ga, betaa):
    Bn, Nn, _ = xyz.shape
    # fps_uniform: equispaced indices (same for every batch element)
    idx_center = jnp.linspace(0.0, Nn - 1, M).astype(jnp.int32)  # (M,)
    centers = xyz[:, idx_center, :]  # (B, M, 3)
    # squared euclidean distance (monotone in cdist) for knn
    cn2 = jnp.sum(centers * centers, axis=-1)  # (B, M)
    xn2 = jnp.sum(xyz * xyz, axis=-1)          # (B, N)
    d2 = cn2[:, :, None] + xn2[:, None, :] - 2.0 * jnp.einsum('bmd,bnd->bmn', centers, xyz)
    _, idx_knn = jax.lax.top_k(-d2, K)  # (B, M, K) smallest distances
    bidx = jnp.arange(Bn)[:, None, None]
    neigh_xyz = xyz[bidx, idx_knn]                       # (B, M, K, 3)
    local_xyz = neigh_xyz - centers[:, :, None, :]
    feat_T = jnp.transpose(feat_in, (0, 2, 1))           # (B, N, C)
    neigh_f = feat_T[bidx, idx_knn]                      # (B, M, K, C)
    cat = jnp.concatenate([local_xyz, neigh_f], axis=-1)  # (B, M, K, D_CAT)
    cat = jnp.transpose(cat, (0, 3, 1, 2))                # (B, D_CAT, M, K)
    # mlp_feat: 1x1 conv + BN + ReLU
    f_prime = jnp.einsum('oc,bcmk->bomk', Wf, cat) + bf[None, :, None, None]
    f_prime = jax.nn.relu(_bn_eval(f_prime, gf, betaf))   # (B, OUT, M, K)
    f_mean = jnp.mean(f_prime, axis=-1, keepdims=True)
    alpha_in = jnp.concatenate([cat, f_prime - f_mean], axis=1)  # (B, D_ALPHA, M, K)
    alpha = jnp.einsum('oc,bcmk->bomk', Wa, alpha_in) + ba[None, :, None, None]
    alpha = jax.nn.relu(_bn_eval(alpha, ga, betaa))
    w = jax.nn.softmax(alpha, axis=-1)
    f_region = jnp.sum(w * f_prime, axis=-1)  # (B, OUT, M)
    return centers, f_region

if __name__ == "__main__":
    import jax
    _d = setup_inputs()
    print(jax.jit(kernel)(*tuple(_d.values())))

</pallas_src>

<mosaic_0001>
#map = affine_map<(d0, d1) -> (0, 0)>
module attributes {stable_mosaic.version = 14 : i64} {
  func.func @k(%arg0: i32, %arg1: i32, %arg2: memref<65536x80xf32, #tpu.memory_space<hbm>>, %arg3: memref<4096x128xi32, #tpu.memory_space<hbm>>, %arg4: memref<524288x80xf32, #tpu.memory_space<hbm>>, %arg5: memref<128x128xi32, #tpu.memory_space<vmem>>, %arg6: memref<2x128x80xf32, #tpu.memory_space<vmem>>, %arg7: memref<!tpu.dma_semaphore, #tpu.memory_space<semaphore_mem>>, %arg8: memref<!tpu.dma_semaphore, #tpu.memory_space<semaphore_mem>>) attributes {dimension_semantics = [#tpu.dimension_semantics<core_parallel>, #tpu.dimension_semantics<subcore_parallel>], iteration_bounds = array<i64: 2, 16>, scalar_prefetch = 0 : i64, scratch_operands = 4 : i64, tpu.core_type = #tpu.core_type<sc_vector_subcore>, window_params = [{transform_indices = #map}, {transform_indices = #map}, {transform_indices = #map}]} {
    %mul3A = arith.constant 2 : i32
    %mul3A_0 = arith.muli %arg1, %mul3A : i32
    %add3A = arith.addi %mul3A_0, %arg0 : i32
    %mul3A_1 = arith.constant 128 : i32
    %mul3A_2 = arith.muli %add3A, %mul3A_1 : i32
    "tpu.region"() ({
      %run_scoped3A = tpu.sem_alloc : memref<!tpu.dma_semaphore, #tpu.memory_space<semaphore_mem>>
      %dma_start3A = arith.constant 0 : i32
      %dma_start3A_12 = tpu.memref_slice %arg3[%mul3A_2, %dma_start3A] : memref<4096x128xi32, #tpu.memory_space<hbm>> -> memref<128x128xi32, #tpu.memory_space<hbm>>
      %dma_start3A_13 = arith.constant 0 : i32
      %dma_start3A_14 = tpu.memref_slice %arg3[%mul3A_2, %dma_start3A_13] : memref<4096x128xi32, #tpu.memory_space<hbm>> -> memref<128x128xi32, #tpu.memory_space<hbm>>
      tpu.enqueue_dma source(%dma_start3A_14 : memref<128x128xi32, #tpu.memory_space<hbm>>) target(%arg5 : memref<128x128xi32, #tpu.memory_space<vmem>>) target_semaphore(%run_scoped3A : memref<!tpu.dma_semaphore, #tpu.memory_space<semaphore_mem>>)
      %dma_wait3A = arith.constant 0 : i32
      %dma_wait3A_15 = tpu.memref_slice %arg3[%mul3A_2, %dma_wait3A] : memref<4096x128xi32, #tpu.memory_space<hbm>> -> memref<128x128xi32, #tpu.memory_space<hbm>>
      %dma_wait3A_16 = arith.constant 0 : i32
      %dma_wait3A_17 = tpu.memref_slice %arg3[%mul3A_2, %dma_wait3A_16] : memref<4096x128xi32, #tpu.memory_space<hbm>> -> memref<128x128xi32, #tpu.memory_space<hbm>>
      tpu.wait_dma2 semaphore(%run_scoped3A : memref<!tpu.dma_semaphore, #tpu.memory_space<semaphore_mem>>) src(%dma_wait3A_17 : memref<128x128xi32, #tpu.memory_space<hbm>>) dst(%arg5 : memref<128x128xi32, #tpu.memory_space<vmem>>)
      tpu.yield
    }) : () -> ()
    %mul3A_3 = arith.constant 128 : i32
    %mul3A_4 = arith.muli %add3A, %mul3A_3 : i32
    %mul3A_5 = arith.constant 128 : i32
    %mul3A_6 = arith.muli %mul3A_4, %mul3A_5 : i32
    %scan3A = arith.constant 0 : i32
    %scan3A_7 = arith.constant 0 : i32
    %scan3A_8 = arith.constant 8 : i32
    %scan3A_9 = arith.addi %scan3A_7, %scan3A_8 : i32
    %scan3A_10 = arith.constant 1 : i32
    scf.for %scan3A_12 = %scan3A_7 to %scan3A_9 step %scan3A_10  : i32 {
      %mul3A_13 = arith.constant 16 : i32
      %mul3A_14 = arith.muli %scan3A_12, %mul3A_13 : i32
      %dma_start3A = arith.constant 0 : i32
      %dma_start3A_15 = arith.constant 0 : i32
      %dma_start3A_16 = arith.constant 0 : i32
      %dma_start3A_17 = tpu.memref_slice %arg6[%dma_start3A, %dma_start3A_15, %dma_start3A_16] : memref<2x128x80xf32, #tpu.memory_space<vmem>> -> memref<1x128x80xf32, #tpu.memory_space<vmem>>
      %dma_start3A_18 = tpu.memref_squeeze %dma_start3A_17 : memref<1x128x80xf32, #tpu.memory_space<vmem>> -> memref<128x80xf32, #tpu.memory_space<vmem>>
      %dma_start3A_19 = arith.constant 0 : i32
      %dma_start3A_20 = tpu.memref_slice %arg5[%mul3A_14, %dma_start3A_19] : memref<128x128xi32, #tpu.memory_space<vmem>> -> memref<1x128xi32, #tpu.memory_space<vmem>>
      %dma_start3A_21 = tpu.memref_squeeze %dma_start3A_20 : memref<1x128xi32, #tpu.memory_space<vmem>> -> memref<128xi32, #tpu.memory_space<vmem>>
      %dma_start3A_22 = arith.constant 0 : i32
      %dma_start3A_23 = arith.constant 0 : i32
      %dma_start3A_24 = tpu.memref_slice %arg2[%dma_start3A_22, %dma_start3A_23] : memref<65536x80xf32, #tpu.memory_space<hbm>> -> memref<65536x80xf32, #tpu.memory_space<hbm>>
      tpu.enqueue_indirect_dma source(%dma_start3A_24 : memref<65536x80xf32, #tpu.memory_space<hbm>>) target(%dma_start3A_18 : memref<128x80xf32, #tpu.memory_space<vmem>>) offsets(%dma_start3A_21 : memref<128xi32, #tpu.memory_space<vmem>>) semaphore(%arg7 : memref<!tpu.dma_semaphore, #tpu.memory_space<semaphore_mem>>)
      %add3A_25 = arith.constant 0 : i32
      %add3A_26 = arith.addi %mul3A_14, %add3A_25 : i32
      %add3A_27 = arith.constant 1 : i32
      %add3A_28 = arith.addi %add3A_26, %add3A_27 : i32
      %dma_start3A_29 = arith.constant 1 : i32
      %dma_start3A_30 = arith.constant 0 : i32
      %dma_start3A_31 = arith.constant 0 : i32
      %dma_start3A_32 = tpu.memref_slice %arg6[%dma_start3A_29, %dma_start3A_30, %dma_start3A_31] : memref<2x128x80xf32, #tpu.memory_space<vmem>> -> memref<1x128x80xf32, #tpu.memory_space<vmem>>
      %dma_start3A_33 = tpu.memref_squeeze %dma_start3A_32 : memref<1x128x80xf32, #tpu.memory_space<vmem>> -> memref<128x80xf32, #tpu.memory_space<vmem>>
      %dma_start3A_34 = arith.constant 0 : i32
      %dma_start3A_35 = tpu.memref_slice %arg5[%add3A_28, %dma_start3A_34] : memref<128x128xi32, #tpu.memory_space<vmem>> -> memref<1x128xi32, #tpu.memory_space<vmem>>
      %dma_start3A_36 = tpu.memref_squeeze %dma_start3A_35 : memref<1x128xi32, #tpu.memory_space<vmem>> -> memref<128xi32, #tpu.memory_space<vmem>>
      %dma_start3A_37 = arith.constant 0 : i32
      %dma_start3A_38 = arith.constant 0 : i32
      %dma_start3A_39 = tpu.memref_slice %arg2[%dma_start3A_37, %dma_start3A_38] : memref<65536x80xf32, #tpu.memory_space<hbm>> -> memref<65536x80xf32, #tpu.memory_space<hbm>>
      tpu.enqueue_indirect_dma source(%dma_start3A_39 : memref<65536x80xf32, #tpu.memory_space<hbm>>) target(%dma_start3A_33 : memref<128x80xf32, #tpu.memory_space<vmem>>) offsets(%dma_start3A_36 : memref<128xi32, #tpu.memory_space<vmem>>) semaphore(%arg8 : memref<!tpu.dma_semaphore, #tpu.memory_space<semaphore_mem>>)
      %dma_wait3A = arith.constant 0 : i32
      %dma_wait3A_40 = arith.constant 0 : i32
      %dma_wait3A_41 = arith.constant 0 : i32
      %dma_wait3A_42 = tpu.memref_slice %arg6[%dma_wait3A, %dma_wait3A_40, %dma_wait3A_41] : memref<2x128x80xf32, #tpu.memory_space<vmem>> -> memref<1x128x80xf32, #tpu.memory_space<vmem>>
      %dma_wait3A_43 = tpu.memref_squeeze %dma_wait3A_42 : memref<1x128x80xf32, #tpu.memory_space<vmem>> -> memref<128x80xf32, #tpu.memory_space<vmem>>
      %dma_wait3A_44 = arith.constant 0 : i32
      %dma_wait3A_45 = tpu.memref_slice %arg5[%mul3A_14, %dma_wait3A_44] : memref<128x128xi32, #tpu.memory_space<vmem>> -> memref<1x128xi32, #tpu.memory_space<vmem>>
      %dma_wait3A_46 = tpu.memref_squeeze %dma_wait3A_45 : memref<1x128xi32, #tpu.memory_space<vmem>> -> memref<128xi32, #tpu.memory_space<vmem>>
      %dma_wait3A_47 = arith.constant 0 : i32
      %dma_wait3A_48 = arith.constant 0 : i32
      %dma_wait3A_49 = tpu.memref_slice %arg2[%dma_wait3A_47, %dma_wait3A_48] : memref<65536x80xf32, #tpu.memory_space<hbm>> -> memref<65536x80xf32, #tpu.memory_space<hbm>>
      tpu.wait_indirect_dma semaphore(%arg7 : memref<!tpu.dma_semaphore, #tpu.memory_space<semaphore_mem>>) src(%dma_wait3A_49 : memref<65536x80xf32, #tpu.memory_space<hbm>>) dst(%dma_wait3A_43 : memref<128x80xf32, #tpu.memory_space<vmem>>)
      %add3A_50 = arith.constant 0 : i32
      %add3A_51 = arith.addi %mul3A_14, %add3A_50 : i32
      %mul3A_52 = arith.constant 128 : i32
      %mul3A_53 = arith.muli %add3A_51, %mul3A_52 : i32
      %add3A_54 = arith.addi %mul3A_6, %mul3A_53 : i32
      %run_scoped3A = arith.constant 0 : i32
      "tpu.region"() ({
        %run_scoped3A_520 = tpu.sem_alloc : memref<!tpu.dma_semaphore, #tpu.memory_space<semaphore_mem>>
        %dma_start3A_521 = arith.constant 0 : i32
        %dma_start3A_522 = arith.constant 0 : i32
        %dma_start3A_523 = tpu.memref_slice %arg6[%run_scoped3A, %dma_start3A_521, %dma_start3A_522] : memref<2x128x80xf32, #tpu.memory_space<vmem>> -> memref<1x128x80xf32, #tpu.memory_space<vmem>>
        %dma_start3A_524 = tpu.memref_squeeze %dma_start3A_523 : memref<1x128x80xf32, #tpu.memory_space<vmem>> -> memref<128x80xf32, #tpu.memory_space<vmem>>
        %dma_start3A_525 = arith.constant 0 : i32
        %dma_start3A_526 = tpu.memref_slice %arg4[%add3A_54, %dma_start3A_525] : memref<524288x80xf32, #tpu.memory_space<hbm>> -> memref<128x80xf32, #tpu.memory_space<hbm>>
        %dma_start3A_527 = arith.constant 0 : i32
        %dma_start3A_528 = tpu.memref_slice %arg4[%add3A_54, %dma_start3A_527] : memref<524288x80xf32, #tpu.memory_space<hbm>> -> memref<128x80xf32, #tpu.memory_space<hbm>>
        %dma_start3A_529 = arith.constant 0 : i32
        %dma_start3A_530 = arith.constant 0 : i32
        %dma_start3A_531 = tpu.memref_slice %arg6[%run_scoped3A, %dma_start3A_529, %dma_start3A_530] : memref<2x128x80xf32, #tpu.memory_space<vmem>> -> memref<1x128x80xf32, #tpu.memory_space<vmem>>
        %dma_start3A_532 = tpu.memref_squeeze %dma_start3A_531 : memref<1x128x80xf32, #tpu.memory_space<vmem>> -> memref<128x80xf32, #tpu.memory_space<vmem>>
        tpu.enqueue_dma source(%dma_start3A_532 : memref<128x80xf32, #tpu.memory_space<vmem>>) target(%dma_start3A_528 : memref<128x80xf32, #tpu.memory_space<hbm>>) target_semaphore(%run_scoped3A_520 : memref<!tpu.dma_semaphore, #tpu.memory_space<semaphore_mem>>)
        %dma_wait3A_533 = arith.constant 0 : i32
        %dma_wait3A_534 = arith.constant 0 : i32
        %dma_wait3A_535 = tpu.memref_slice %arg6[%run_scoped3A, %dma_wait3A_533, %dma_wait3A_534] : memref<2x128x80xf32, #tpu.memory_space<vmem>> -> memref<1x128x80xf32, #tpu.memory_space<vmem>>
        %dma_wait3A_536 = tpu.memref_squeeze %dma_wait3A_535 : memref<1x128x80xf32, #tpu.memory_space<vmem>> -> memref<128x80xf32, #tpu.memory_space<vmem>>
        %dma_wait3A_537 = arith.constant 0 : i32
        %dma_wait3A_538 = tpu.memref_slice %arg4[%add3A_54, %dma_wait3A_537] : memref<524288x80xf32, #tpu.memory_space<hbm>> -> memref<128x80xf32, #tpu.memory_space<hbm>>
        %dma_wait3A_539 = arith.constant 0 : i32
        %dma_wait3A_540 = tpu.memref_slice %arg4[%add3A_54, %dma_wait3A_539] : memref<524288x80xf32, #tpu.memory_space<hbm>> -> memref<128x80xf32, #tpu.memory_space<hbm>>
        %dma_wait3A_541 = arith.constant 0 : i32
        %dma_wait3A_542 = arith.constant 0 : i32
        %dma_wait3A_543 = tpu.memref_slice %arg6[%run_scoped3A, %dma_wait3A_541, %dma_wait3A_542] : memref<2x128x80xf32, #tpu.memory_space<vmem>> -> memref<1x128x80xf32, #tpu.memory_space<vmem>>
        %dma_wait3A_544 = tpu.memref_squeeze %dma_wait3A_543 : memref<1x128x80xf32, #tpu.memory_space<vmem>> -> memref<128x80xf32, #tpu.memory_space<vmem>>
        tpu.wait_dma2 semaphore(%run_scoped3A_520 : memref<!tpu.dma_semaphore, #tpu.memory_space<semaphore_mem>>) src(%dma_wait3A_544 : memref<128x80xf32, #tpu.memory_space<vmem>>) dst(%dma_wait3A_540 : memref<128x80xf32, #tpu.memory_space<hbm>>)
        tpu.yield
      }) : () -> ()
      %add3A_55 = arith.constant 1 : i32
      %add3A_56 = arith.addi %mul3A_14, %add3A_55 : i32
      %add3A_57 = arith.constant 1 : i32
      %add3A_58 = arith.addi %add3A_56, %add3A_57 : i32
      %dma_start3A_59 = arith.constant 0 : i32
      %dma_start3A_60 = arith.constant 0 : i32
      %dma_start3A_61 = arith.constant 0 : i32
      %dma_start3A_62 = tpu.memref_slice %arg6[%dma_start3A_59, %dma_start3A_60, %dma_start3A_61] : memref<2x128x80xf32, #tpu.memory_space<vmem>> -> memref<1x128x80xf32, #tpu.memory_space<vmem>>
      %dma_start3A_63 = tpu.memref_squeeze %dma_start3A_62 : memref<1x128x80xf32, #tpu.memory_space<vmem>> -> memref<128x80xf32, #tpu.memory_space<vmem>>
      %dma_start3A_64 = arith.constant 0 : i32
      %dma_start3A_65 = tpu.memref_slice %arg5[%add3A_58, %dma_start3A_64] : memref<128x128xi32, #tpu.memory_space<vmem>> -> memref<1x128xi32, #tpu.memory_space<vmem>>
      %dma_start3A_66 = tpu.memref_squeeze %dma_start3A_65 : memref<1x128xi32, #tpu.memory_space<vmem>> -> memref<128xi32, #tpu.memory_space<vmem>>
      %dma_start3A_67 = arith.constant 0 : i32
      %dma_start3A_68 = arith.constant 0 : i32
      %dma_start3A_69 = tpu.memref_slice %arg2[%dma_start3A_67, %dma_start3A_68] : memref<65536x80xf32, #tpu.memory_space<hbm>> -> memref<65536x80xf32, #tpu.memory_space<hbm>>
      tpu.enqueue_indirect_dma source(%dma_start3A_69 : memref<65536x80xf32, #tpu.memory_space<hbm>>) target(%dma_start3A_63 : memref<128x80xf32, #tpu.memory_space<vmem>>) offsets(%dma_start3A_66 : memref<128xi32, #tpu.memory_space<vmem>>) semaphore(%arg7 : memref<!tpu.dma_semaphore, #tpu.memory_space<semaphore_mem>>)
      %dma_wait3A_70 = arith.constant 1 : i32
      %dma_wait3A_71 = arith.constant 0 : i32
      %dma_wait3A_72 = arith.constant 0 : i32
      %dma_wait3A_73 = tpu.memref_slice %arg6[%dma_wait3A_70, %dma_wait3A_71, %dma_wait3A_72] : memref<2x128x80xf32, #tpu.memory_space<vmem>> -> memref<1x128x80xf32, #tpu.memory_space<vmem>>
      %dma_wait3A_74 = tpu.memref_squeeze %dma_wait3A_73 : memref<1x128x80xf32, #tpu.memory_space<vmem>> -> memref<128x80xf32, #tpu.memory_space<vmem>>
      %dma_wait3A_75 = arith.constant 0 : i32
      %dma_wait3A_76 = tpu.memref_slice %arg5[%add3A_28, %dma_wait3A_75] : memref<128x128xi32, #tpu.memory_space<vmem>> -> memref<1x128xi32, #tpu.memory_space<vmem>>
      %dma_wait3A_77 = tpu.memref_squeeze %dma_wait3A_76 : memref<1x128xi32, #tpu.memory_space<vmem>> -> memref<128xi32, #tpu.memory_space<vmem>>
      %dma_wait3A_78 = arith.constant 0 : i32
      %dma_wait3A_79 = arith.constant 0 : i32
      %dma_wait3A_80 = tpu.memref_slice %arg2[%dma_wait3A_78, %dma_wait3A_79] : memref<65536x80xf32, #tpu.memory_space<hbm>> -> memref<65536x80xf32, #tpu.memory_space<hbm>>
      tpu.wait_indirect_dma semaphore(%arg8 : memref<!tpu.dma_semaphore, #tpu.memory_space<semaphore_mem>>) src(%dma_wait3A_80 : memref<65536x80xf32, #tpu.memory_space<hbm>>) dst(%dma_wait3A_74 : memref<128x80xf32, #tpu.memory_space<vmem>>)
      %add3A_81 = arith.constant 1 : i32
      %add3A_82 = arith.addi %mul3A_14, %add3A_81 : i32
      %mul3A_83 = arith.constant 128 : i32
      %mul3A_84 = arith.muli %add3A_82, %mul3A_83 : i32
      %add3A_85 = arith.addi %mul3A_6, %mul3A_84 : i32
      %run_scoped3A_86 = arith.constant 1 : i32
      "tpu.region"() ({
        %run_scoped3A_520 = tpu.sem_alloc : memref<!tpu.dma_semaphore, #tpu.memory_space<semaphore_mem>>
        %dma_start3A_521 = arith.constant 0 : i32
        %dma_start3A_522 = arith.constant 0 : i32
        %dma_start3A_523 = tpu.memref_slice %arg6[%run_scoped3A_86, %dma_start3A_521, %dma_start3A_522] : memref<2x128x80xf32, #tpu.memory_space<vmem>> -> memref<1x128x80xf32, #tpu.memory_space<vmem>>
        %dma_start3A_524 = tpu.memref_squeeze %dma_start3A_523 : memref<1x128x80xf32, #tpu.memory_space<vmem>> -> memref<128x80xf32, #tpu.memory_space<vmem>>
        %dma_start3A_525 = arith.constant 0 : i32
        %dma_start3A_526 = tpu.memref_slice %arg4[%add3A_85, %dma_start3A_525] : memref<524288x80xf32, #tpu.memory_space<hbm>> -> memref<128x80xf32, #tpu.memory_space<hbm>>
        %dma_start3A_527 = arith.constant 0 : i32
        %dma_start3A_528 = tpu.memref_slice %arg4[%add3A_85, %dma_start3A_527] : memref<524288x80xf32, #tpu.memory_space<hbm>> -> memref<128x80xf32, #tpu.memory_space<hbm>>
        %dma_start3A_529 = arith.constant 0 : i32
        %dma_start3A_530 = arith.constant 0 : i32
        %dma_start3A_531 = tpu.memref_slice %arg6[%run_scoped3A_86, %dma_start3A_529, %dma_start3A_530] : memref<2x128x80xf32, #tpu.memory_space<vmem>> -> memref<1x128x80xf32, #tpu.memory_space<vmem>>
        %dma_start3A_532 = tpu.memref_squeeze %dma_start3A_531 : memref<1x128x80xf32, #tpu.memory_space<vmem>> -> memref<128x80xf32, #tpu.memory_space<vmem>>
        tpu.enqueue_dma source(%dma_start3A_532 : memref<128x80xf32, #tpu.memory_space<vmem>>) target(%dma_start3A_528 : memref<128x80xf32, #tpu.memory_space<hbm>>) target_semaphore(%run_scoped3A_520 : memref<!tpu.dma_semaphore, #tpu.memory_space<semaphore_mem>>)
        %dma_wait3A_533 = arith.constant 0 : i32
        %dma_wait3A_534 = arith.constant 0 : i32
        %dma_wait3A_535 = tpu.memref_slice %arg6[%run_scoped3A_86, %dma_wait3A_533, %dma_wait3A_534] : memref<2x128x80xf32, #tpu.memory_space<vmem>> -> memref<1x128x80xf32, #tpu.memory_space<vmem>>
        %dma_wait3A_536 = tpu.memref_squeeze %dma_wait3A_535 : memref<1x128x80xf32, #tpu.memory_space<vmem>> -> memref<128x80xf32, #tpu.memory_space<vmem>>
        %dma_wait3A_537 = arith.constant 0 : i32
        %dma_wait3A_538 = tpu.memref_slice %arg4[%add3A_85, %dma_wait3A_537] : memref<524288x80xf32, #tpu.memory_space<hbm>> -> memref<128x80xf32, #tpu.memory_space<hbm>>
        %dma_wait3A_539 = arith.constant 0 : i32
        %dma_wait3A_540 = tpu.memref_slice %arg4[%add3A_85, %dma_wait3A_539] : memref<524288x80xf32, #tpu.memory_space<hbm>> -> memref<128x80xf32, #tpu.memory_space<hbm>>
        %dma_wait3A_541 = arith.constant 0 : i32
        %dma_wait3A_542 = arith.constant 0 : i32
        %dma_wait3A_543 = tpu.memref_slice %arg6[%run_scoped3A_86, %dma_wait3A_541, %dma_wait3A_542] : memref<2x128x80xf32, #tpu.memory_space<vmem>> -> memref<1x128x80xf32, #tpu.memory_space<vmem>>
        %dma_wait3A_544 = tpu.memref_squeeze %dma_wait3A_543 : memref<1x128x80xf32, #tpu.memory_space<vmem>> -> memref<128x80xf32, #tpu.memory_space<vmem>>
        tpu.wait_dma2 semaphore(%run_scoped3A_520 : memref<!tpu.dma_semaphore, #tpu.memory_space<semaphore_mem>>) src(%dma_wait3A_544 : memref<128x80xf32, #tpu.memory_space<vmem>>) dst(%dma_wait3A_540 : memref<128x80xf32, #tpu.memory_space<hbm>>)
        tpu.yield
      }) : () -> ()
      %add3A_87 = arith.constant 2 : i32
      %add3A_88 = arith.addi %mul3A_14, %add3A_87 : i32
      %add3A_89 = arith.constant 1 : i32
      %add3A_90 = arith.addi %add3A_88, %add3A_89 : i32
      %dma_start3A_91 = arith.constant 1 : i32
      %dma_start3A_92 = arith.constant 0 : i32
      %dma_start3A_93 = arith.constant 0 : i32
      %dma_start3A_94 = tpu.memref_slice %arg6[%dma_start3A_91, %dma_start3A_92, %dma_start3A_93] : memref<2x128x80xf32, #tpu.memory_space<vmem>> -> memref<1x128x80xf32, #tpu.memory_space<vmem>>
      %dma_start3A_95 = tpu.memref_squeeze %dma_start3A_94 : memref<1x128x80xf32, #tpu.memory_space<vmem>> -> memref<128x80xf32, #tpu.memory_space<vmem>>
      %dma_start3A_96 = arith.constant 0 : i32
      %dma_start3A_97 = tpu.memref_slice %arg5[%add3A_90, %dma_start3A_96] : memref<128x128xi32, #tpu.memory_space<vmem>> -> memref<1x128xi32, #tpu.memory_space<vmem>>
      %dma_start3A_98 = tpu.memref_squeeze %dma_start3A_97 : memref<1x128xi32, #tpu.memory_space<vmem>> -> memref<128xi32, #tpu.memory_space<vmem>>
      %dma_start3A_99 = arith.constant 0 : i32
      %dma_start3A_100 = arith.constant 0 : i32
      %dma_start3A_101 = tpu.memref_slice %arg2[%dma_start3A_99, %dma_start3A_100] : memref<65536x80xf32, #tpu.memory_space<hbm>> -> memref<65536x80xf32, #tpu.memory_space<hbm>>
      tpu.enqueue_indirect_dma source(%dma_start3A_101 : memref<65536x80xf32, #tpu.memory_space<hbm>>) target(%dma_start3A_95 : memref<128x80xf32, #tpu.memory_space<vmem>>) offsets(%dma_start3A_98 : memref<128xi32, #tpu.memory_space<vmem>>) semaphore(%arg8 : memref<!tpu.dma_semaphore, #tpu.memory_space<semaphore_mem>>)
      %dma_wait3A_102 = arith.constant 0 : i32
      %dma_wait3A_103 = arith.constant 0 : i32
      %dma_wait3A_104 = arith.constant 0 : i32
      %dma_wait3A_105 = tpu.memref_slice %arg6[%dma_wait3A_102, %dma_wait3A_103, %dma_wait3A_104] : memref<2x128x80xf32, #tpu.memory_space<vmem>> -> memref<1x128x80xf32, #tpu.memory_space<vmem>>
      %dma_wait3A_106 = tpu.memref_squeeze %dma_wait3A_105 : memref<1x128x80xf32, #tpu.memory_space<vmem>> -> memref<128x80xf32, #tpu.memory_space<vmem>>
      %dma_wait3A_107 = arith.constant 0 : i32
      %dma_wait3A_108 = tpu.memref_slice %arg5[%add3A_58, %dma_wait3A_107] : memref<128x128xi32, #tpu.memory_space<vmem>> -> memref<1x128xi32, #tpu.memory_space<vmem>>
      %dma_wait3A_109 = tpu.memref_squeeze %dma_wait3A_108 : memref<1x128xi32, #tpu.memory_space<vmem>> -> memref<128xi32, #tpu.memory_space<vmem>>
      %dma_wait3A_110 = arith.constant 0 : i32
      %dma_wait3A_111 = arith.constant 0 : i32
      %dma_wait3A_112 = tpu.memref_slice %arg2[%dma_wait3A_110, %dma_wait3A_111] : memref<65536x80xf32, #tpu.memory_space<hbm>> -> memref<65536x80xf32, #tpu.memory_space<hbm>>
      tpu.wait_indirect_dma semaphore(%arg7 : memref<!tpu.dma_semaphore, #tpu.memory_space<semaphore_mem>>) src(%dma_wait3A_112 : memref<65536x80xf32, #tpu.memory_space<hbm>>) dst(%dma_wait3A_106 : memref<128x80xf32, #tpu.memory_space<vmem>>)
      %add3A_113 = arith.constant 2 : i32
      %add3A_114 = arith.addi %mul3A_14, %add3A_113 : i32
      %mul3A_115 = arith.constant 128 : i32
      %mul3A_116 = arith.muli %add3A_114, %mul3A_115 : i32
      %add3A_117 = arith.addi %mul3A_6, %mul3A_116 : i32
      %run_scoped3A_118 = arith.constant 0 : i32
      "tpu.region"() ({
        %run_scoped3A_520 = tpu.sem_alloc : memref<!tpu.dma_semaphore, #tpu.memory_space<semaphore_mem>>
        %dma_start3A_521 = arith.constant 0 : i32
        %dma_start3A_522 = arith.constant 0 : i32
        %dma_start3A_523 = tpu.memref_slice %arg6[%run_scoped3A_118, %dma_start3A_521, %dma_start3A_522] : memref<2x128x80xf32, #tpu.memory_space<vmem>> -> memref<1x128x80xf32, #tpu.memory_space<vmem>>
        %dma_start3A_524 = tpu.memref_squeeze %dma_start3A_523 : memref<1x128x80xf32, #tpu.memory_space<vmem>> -> memref<128x80xf32, #tpu.memory_space<vmem>>
        %dma_start3A_525 = arith.constant 0 : i32
        %dma_start3A_526 = tpu.memref_slice %arg4[%add3A_117, %dma_start3A_525] : memref<524288x80xf32, #tpu.memory_space<hbm>> -> memref<128x80xf32, #tpu.memory_space<hbm>>
        %dma_start3A_527 = arith.constant 0 : i32
        %dma_start3A_528 = tpu.memref_slice %arg4[%add3A_117, %dma_start3A_527] : memref<524288x80xf32, #tpu.memory_space<hbm>> -> memref<128x80xf32, #tpu.memory_space<hbm>>
        %dma_start3A_529 = arith.constant 0 : i32
        %dma_start3A_530 = arith.constant 0 : i32
        %dma_start3A_531 = tpu.memref_slice %arg6[%run_scoped3A_118, %dma_start3A_529, %dma_start3A_530] : memref<2x128x80xf32, #tpu.memory_space<vmem>> -> memref<1x128x80xf32, #tpu.memory_space<vmem>>
        %dma_start3A_532 = tpu.memref_squeeze %dma_start3A_531 : memref<1x128x80xf32, #tpu.memory_space<vmem>> -> memref<128x80xf32, #tpu.memory_space<vmem>>
        tpu.enqueue_dma source(%dma_start3A_532 : memref<128x80xf32, #tpu.memory_space<vmem>>) target(%dma_start3A_528 : memref<128x80xf32, #tpu.memory_space<hbm>>) target_semaphore(%run_scoped3A_520 : memref<!tpu.dma_semaphore, #tpu.memory_space<semaphore_mem>>)
        %dma_wait3A_533 = arith.constant 0 : i32
        %dma_wait3A_534 = arith.constant 0 : i32
        %dma_wait3A_535 = tpu.memref_slice %arg6[%run_scoped3A_118, %dma_wait3A_533, %dma_wait3A_534] : memref<2x128x80xf32, #tpu.memory_space<vmem>> -> memref<1x128x80xf32, #tpu.memory_space<vmem>>
        %dma_wait3A_536 = tpu.memref_squeeze %dma_wait3A_535 : memref<1x128x80xf32, #tpu.memory_space<vmem>> -> memref<128x80xf32, #tpu.memory_space<vmem>>
        %dma_wait3A_537 = arith.constant 0 : i32
        %dma_wait3A_538 = tpu.memref_slice %arg4[%add3A_117, %dma_wait3A_537] : memref<524288x80xf32, #tpu.memory_space<hbm>> -> memref<128x80xf32, #tpu.memory_space<hbm>>
        %dma_wait3A_539 = arith.constant 0 : i32
        %dma_wait3A_540 = tpu.memref_slice %arg4[%add3A_117, %dma_wait3A_539] : memref<524288x80xf32, #tpu.memory_space<hbm>> -> memref<128x80xf32, #tpu.memory_space<hbm>>
        %dma_wait3A_541 = arith.constant 0 : i32
        %dma_wait3A_542 = arith.constant 0 : i32
        %dma_wait3A_543 = tpu.memref_slice %arg6[%run_scoped3A_118, %dma_wait3A_541, %dma_wait3A_542] : memref<2x128x80xf32, #tpu.memory_space<vmem>> -> memref<1x128x80xf32, #tpu.memory_space<vmem>>
        %dma_wait3A_544 = tpu.memref_squeeze %dma_wait3A_543 : memref<1x128x80xf32, #tpu.memory_space<vmem>> -> memref<128x80xf32, #tpu.memory_space<vmem>>
        tpu.wait_dma2 semaphore(%run_scoped3A_520 : memref<!tpu.dma_semaphore, #tpu.memory_space<semaphore_mem>>) src(%dma_wait3A_544 : memref<128x80xf32, #tpu.memory_space<vmem>>) dst(%dma_wait3A_540 : memref<128x80xf32, #tpu.memory_space<hbm>>)
        tpu.yield
      }) : () -> ()
      %add3A_119 = arith.constant 3 : i32
      %add3A_120 = arith.addi %mul3A_14, %add3A_119 : i32
      %add3A_121 = arith.constant 1 : i32
      %add3A_122 = arith.addi %add3A_120, %add3A_121 : i32
      %dma_start3A_123 = arith.constant 0 : i32
      %dma_start3A_124 = arith.constant 0 : i32
      %dma_start3A_125 = arith.constant 0 : i32
      %dma_start3A_126 = tpu.memref_slice %arg6[%dma_start3A_123, %dma_start3A_124, %dma_start3A_125] : memref<2x128x80xf32, #tpu.memory_space<vmem>> -> memref<1x128x80xf32, #tpu.memory_space<vmem>>
      %dma_start3A_127 = tpu.memref_squeeze %dma_start3A_126 : memref<1x128x80xf32, #tpu.memory_space<vmem>> -> memref<128x80xf32, #tpu.memory_space<vmem>>
      %dma_start3A_128 = arith.constant 0 : i32
      %dma_start3A_129 = tpu.memref_slice %arg5[%add3A_122, %dma_start3A_128] : memref<128x128xi32, #tpu.memory_space<vmem>> -> memref<1x128xi32, #tpu.memory_space<vmem>>
      %dma_start3A_130 = tpu.memref_squeeze %dma_start3A_129 : memref<1x128xi32, #tpu.memory_space<vmem>> -> memref<128xi32, #tpu.memory_space<vmem>>
      %dma_start3A_131 = arith.constant 0 : i32
      %dma_start3A_132 = arith.constant 0 : i32
      %dma_start3A_133 = tpu.memref_slice %arg2[%dma_start3A_131, %dma_start3A_132] : memref<65536x80xf32, #tpu.memory_space<hbm>> -> memref<65536x80xf32, #tpu.memory_space<hbm>>
      tpu.enqueue_indirect_dma source(%dma_start3A_133 : memref<65536x80xf32, #tpu.memory_space<hbm>>) target(%dma_start3A_127 : memref<128x80xf32, #tpu.memory_space<vmem>>) offsets(%dma_start3A_130 : memref<128xi32, #tpu.memory_space<vmem>>) semaphore(%arg7 : memref<!tpu.dma_semaphore, #tpu.memory_space<semaphore_mem>>)
      %dma_wait3A_134 = arith.constant 1 : i32
      %dma_wait3A_135 = arith.constant 0 : i32
      %dma_wait3A_136 = arith.constant 0 : i32
      %dma_wait3A_137 = tpu.memref_slice %arg6[%dma_wait3A_134, %dma_wait3A_135, %dma_wait3A_136] : memref<2x128x80xf32, #tpu.memory_space<vmem>> -> memref<1x128x80xf32, #tpu.memory_space<vmem>>
      %dma_wait3A_138 = tpu.memref_squeeze %dma_wait3A_137 : memref<1x128x80xf32, #tpu.memory_space<vmem>> -> memref<128x80xf32, #tpu.memory_space<vmem>>
      %dma_wait3A_139 = arith.constant 0 : i32
      %dma_wait3A_140 = tpu.memref_slice %arg5[%add3A_90, %dma_wait3A_139] : memref<128x128xi32, #tpu.memory_space<vmem>> -> memref<1x128xi32, #tpu.memory_space<vmem>>
      %dma_wait3A_141 = tpu.memref_squeeze %dma_wait3A_140 : memref<1x128xi32, #tpu.memory_space<vmem>> -> memref<128xi32, #tpu.memory_space<vmem>>
      %dma_wait3A_142 = arith.constant 0 : i32
      %dma_wait3A_143 = arith.constant 0 : i32
      %dma_wait3A_144 = tpu.memref_slice %arg2[%dma_wait3A_142, %dma_wait3A_143] : memref<65536x80xf32, #tpu.memory_space<hbm>> -> memref<65536x80xf32, #tpu.memory_space<hbm>>
      tpu.wait_indirect_dma semaphore(%arg8 : memref<!tpu.dma_semaphore, #tpu.memory_space<semaphore_mem>>) src(%dma_wait3A_144 : memref<65536x80xf32, #tpu.memory_space<hbm>>) dst(%dma_wait3A_138 : memref<128x80xf32, #tpu.memory_space<vmem>>)
      %add3A_145 = arith.constant 3 : i32
      %add3A_146 = arith.addi %mul3A_14, %add3A_145 : i32
      %mul3A_147 = arith.constant 128 : i32
      %mul3A_148 = arith.muli %add3A_146, %mul3A_147 : i32
      %add3A_149 = arith.addi %mul3A_6, %mul3A_148 : i32
      %run_scoped3A_150 = arith.constant 1 : i32
      "tpu.region"() ({
        %run_scoped3A_520 = tpu.sem_alloc : memref<!tpu.dma_semaphore, #tpu.memory_space<semaphore_mem>>
        %dma_start3A_521 = arith.constant 0 : i32
        %dma_start3A_522 = arith.constant 0 : i32
        %dma_start3A_523 = tpu.memref_slice %arg6[%run_scoped3A_150, %dma_start3A_521, %dma_start3A_522] : memref<2x128x80xf32, #tpu.memory_space<vmem>> -> memref<1x128x80xf32, #tpu.memory_space<vmem>>
        %dma_start3A_524 = tpu.memref_squeeze %dma_start3A_523 : memref<1x128x80xf32, #tpu.memory_space<vmem>> -> memref<128x80xf32, #tpu.memory_space<vmem>>
        %dma_start3A_525 = arith.constant 0 : i32
        %dma_start3A_526 = tpu.memref_slice %arg4[%add3A_149, %dma_start3A_525] : memref<524288x80xf32, #tpu.memory_space<hbm>> -> memref<128x80xf32, #tpu.memory_space<hbm>>
        %dma_start3A_527 = arith.constant 0 : i32
        %dma_start3A_528 = tpu.memref_slice %arg4[%add3A_149, %dma_start3A_527] : memref<524288x80xf32, #tpu.memory_space<hbm>> -> memref<128x80xf32, #tpu.memory_space<hbm>>
        %dma_start3A_529 = arith.constant 0 : i32
        %dma_start3A_530 = arith.constant 0 : i32
        %dma_start3A_531 = tpu.memref_slice %arg6[%run_scoped3A_150, %dma_start3A_529, %dma_start3A_530] : memref<2x128x80xf32, #tpu.memory_space<vmem>> -> memref<1x128x80xf32, #tpu.memory_space<vmem>>
        %dma_start3A_532 = tpu.memref_squeeze %dma_start3A_531 : memref<1x128x80xf32, #tpu.memory_space<vmem>> -> memref<128x80xf32, #tpu.memory_space<vmem>>
        tpu.enqueue_dma source(%dma_start3A_532 : memref<128x80xf32, #tpu.memory_space<vmem>>) target(%dma_start3A_528 : memref<128x80xf32, #tpu.memory_space<hbm>>) target_semaphore(%run_scoped3A_520 : memref<!tpu.dma_semaphore, #tpu.memory_space<semaphore_mem>>)
        %dma_wait3A_533 = arith.constant 0 : i32
        %dma_wait3A_534 = arith.constant 0 : i32
        %dma_wait3A_535 = tpu.memref_slice %arg6[%run_scoped3A_150, %dma_wait3A_533, %dma_wait3A_534] : memref<2x128x80xf32, #tpu.memory_space<vmem>> -> memref<1x128x80xf32, #tpu.memory_space<vmem>>
        %dma_wait3A_536 = tpu.memref_squeeze %dma_wait3A_535 : memref<1x128x80xf32, #tpu.memory_space<vmem>> -> memref<128x80xf32, #tpu.memory_space<vmem>>
        %dma_wait3A_537 = arith.constant 0 : i32
        %dma_wait3A_538 = tpu.memref_slice %arg4[%add3A_149, %dma_wait3A_537] : memref<524288x80xf32, #tpu.memory_space<hbm>> -> memref<128x80xf32, #tpu.memory_space<hbm>>
        %dma_wait3A_539 = arith.constant 0 : i32
        %dma_wait3A_540 = tpu.memref_slice %arg4[%add3A_149, %dma_wait3A_539] : memref<524288x80xf32, #tpu.memory_space<hbm>> -> memref<128x80xf32, #tpu.memory_space<hbm>>
        %dma_wait3A_541 = arith.constant 0 : i32
        %dma_wait3A_542 = arith.constant 0 : i32
        %dma_wait3A_543 = tpu.memref_slice %arg6[%run_scoped3A_150, %dma_wait3A_541, %dma_wait3A_542] : memref<2x128x80xf32, #tpu.memory_space<vmem>> -> memref<1x128x80xf32, #tpu.memory_space<vmem>>
        %dma_wait3A_544 = tpu.memref_squeeze %dma_wait3A_543 : memref<1x128x80xf32, #tpu.memory_space<vmem>> -> memref<128x80xf32, #tpu.memory_space<vmem>>
        tpu.wait_dma2 semaphore(%run_scoped3A_520 : memref<!tpu.dma_semaphore, #tpu.memory_space<semaphore_mem>>) src(%dma_wait3A_544 : memref<128x80xf32, #tpu.memory_space<vmem>>) dst(%dma_wait3A_540 : memref<128x80xf32, #tpu.memory_space<hbm>>)
        tpu.yield
      }) : () -> ()
      %add3A_151 = arith.constant 4 : i32
      %add3A_152 = arith.addi %mul3A_14, %add3A_151 : i32
      %add3A_153 = arith.constant 1 : i32
      %add3A_154 = arith.addi %add3A_152, %add3A_153 : i32
      %dma_start3A_155 = arith.constant 1 : i32
      %dma_start3A_156 = arith.constant 0 : i32
      %dma_start3A_157 = arith.constant 0 : i32
      %dma_start3A_158 = tpu.memref_slice %arg6[%dma_start3A_155, %dma_start3A_156, %dma_start3A_157] : memref<2x128x80xf32, #tpu.memory_space<vmem>> -> memref<1x128x80xf32, #tpu.memory_space<vmem>>
      %dma_start3A_159 = tpu.memref_squeeze %dma_start3A_158 : memref<1x128x80xf32, #tpu.memory_space<vmem>> -> memref<128x80xf32, #tpu.memory_space<vmem>>
      %dma_start3A_160 = arith.constant 0 : i32
      %dma_start3A_161 = tpu.memref_slice %arg5[%add3A_154, %dma_start3A_160] : memref<128x128xi32, #tpu.memory_space<vmem>> -> memref<1x128xi32, #tpu.memory_space<vmem>>
      %dma_start3A_162 = tpu.memref_squeeze %dma_start3A_161 : memref<1x128xi32, #tpu.memory_space<vmem>> -> memref<128xi32, #tpu.memory_space<vmem>>
      %dma_start3A_163 = arith.constant 0 : i32
      %dma_start3A_164 = arith.constant 0 : i32
      %dma_start3A_165 = tpu.memref_slice %arg2[%dma_start3A_163, %dma_start3A_164] : memref<65536x80xf32, #tpu.memory_space<hbm>> -> memref<65536x80xf32, #tpu.memory_space<hbm>>
      tpu.enqueue_indirect_dma source(%dma_start3A_165 : memref<65536x80xf32, #tpu.memory_space<hbm>>) target(%dma_start3A_159 : memref<128x80xf32, #tpu.memory_space<vmem>>) offsets(%dma_start3A_162 : memref<128xi32, #tpu.memory_space<vmem>>) semaphore(%arg8 : memref<!tpu.dma_semaphore, #tpu.memory_space<semaphore_mem>>)
      %dma_wait3A_166 = arith.constant 0 : i32
      %dma_wait3A_167 = arith.constant 0 : i32
      %dma_wait3A_168 = arith.constant 0 : i32
      %dma_wait3A_169 = tpu.memref_slice %arg6[%dma_wait3A_166, %dma_wait3A_167, %dma_wait3A_168] : memref<2x128x80xf32, #tpu.memory_space<vmem>> -> memref<1x128x80xf32, #tpu.memory_space<vmem>>
      %dma_wait3A_170 = tpu.memref_squeeze %dma_wait3A_169 : memref<1x128x80xf32, #tpu.memory_space<vmem>> -> memref<128x80xf32, #tpu.memory_space<vmem>>
      %dma_wait3A_171 = arith.constant 0 : i32
      %dma_wait3A_172 = tpu.memref_slice %arg5[%add3A_122, %dma_wait3A_171] : memref<128x128xi32, #tpu.memory_space<vmem>> -> memref<1x128xi32, #tpu.memory_space<vmem>>
      %dma_wait3A_173 = tpu.memref_squeeze %dma_wait3A_172 : memref<1x128xi32, #tpu.memory_space<vmem>> -> memref<128xi32, #tpu.memory_space<vmem>>
      %dma_wait3A_174 = arith.constant 0 : i32
      %dma_wait3A_175 = arith.constant 0 : i32
      %dma_wait3A_176 = tpu.memref_slice %arg2[%dma_wait3A_174, %dma_wait3A_175] : memref<65536x80xf32, #tpu.memory_space<hbm>> -> memref<65536x80xf32, #tpu.memory_space<hbm>>
      tpu.wait_indirect_dma semaphore(%arg7 : memref<!tpu.dma_semaphore, #tpu.memory_space<semaphore_mem>>) src(%dma_wait3A_176 : memref<65536x80xf32, #tpu.memory_space<hbm>>) dst(%dma_wait3A_170 : memref<128x80xf32, #tpu.memory_space<vmem>>)
      %add3A_177 = arith.constant 4 : i32
      %add3A_178 = arith.addi %mul3A_14, %add3A_177 : i32
      %mul3A_179 = arith.constant 128 : i32
      %mul3A_180 = arith.muli %add3A_178, %mul3A_179 : i32
      %add3A_181 = arith.addi %mul3A_6, %mul3A_180 : i32
      %run_scoped3A_182 = arith.constant 0 : i32
      "tpu.region"() ({
        %run_scoped3A_520 = tpu.sem_alloc : memref<!tpu.dma_semaphore, #tpu.memory_space<semaphore_mem>>
        %dma_start3A_521 = arith.constant 0 : i32
        %dma_start3A_522 = arith.constant 0 : i32
        %dma_start3A_523 = tpu.memref_slice %arg6[%run_scoped3A_182, %dma_start3A_521, %dma_start3A_522] : memref<2x128x80xf32, #tpu.memory_space<vmem>> -> memref<1x128x80xf32, #tpu.memory_space<vmem>>
        %dma_start3A_524 = tpu.memref_squeeze %dma_start3A_523 : memref<1x128x80xf32, #tpu.memory_space<vmem>> -> memref<128x80xf32, #tpu.memory_space<vmem>>
        %dma_start3A_525 = arith.constant 0 : i32
        %dma_start3A_526 = tpu.memref_slice %arg4[%add3A_181, %dma_start3A_525] : memref<524288x80xf32, #tpu.memory_space<hbm>> -> memref<128x80xf32, #tpu.memory_space<hbm>>
        %dma_start3A_527 = arith.constant 0 : i32
        %dma_start3A_528 = tpu.memref_slice %arg4[%add3A_181, %dma_start3A_527] : memref<524288x80xf32, #tpu.memory_space<hbm>> -> memref<128x80xf32, #tpu.memory_space<hbm>>
        %dma_start3A_529 = arith.constant 0 : i32
        %dma_start3A_530 = arith.constant 0 : i32
        %dma_start3A_531 = tpu.memref_slice %arg6[%run_scoped3A_182, %dma_start3A_529, %dma_start3A_530] : memref<2x128x80xf32, #tpu.memory_space<vmem>> -> memref<1x128x80xf32, #tpu.memory_space<vmem>>
        %dma_start3A_532 = tpu.memref_squeeze %dma_start3A_531 : memref<1x128x80xf32, #tpu.memory_space<vmem>> -> memref<128x80xf32, #tpu.memory_space<vmem>>
        tpu.enqueue_dma source(%dma_start3A_532 : memref<128x80xf32, #tpu.memory_space<vmem>>) target(%dma_start3A_528 : memref<128x80xf32, #tpu.memory_space<hbm>>) target_semaphore(%run_scoped3A_520 : memref<!tpu.dma_semaphore, #tpu.memory_space<semaphore_mem>>)
        %dma_wait3A_533 = arith.constant 0 : i32
        %dma_wait3A_534 = arith.constant 0 : i32
        %dma_wait3A_535 = tpu.memref_slice %arg6[%run_scoped3A_182, %dma_wait3A_533, %dma_wait3A_534] : memref<2x128x80xf32, #tpu.memory_space<vmem>> -> memref<1x128x80xf32, #tpu.memory_space<vmem>>
        %dma_wait3A_536 = tpu.memref_squeeze %dma_wait3A_535 : memref<1x128x80xf32, #tpu.memory_space<vmem>> -> memref<128x80xf32, #tpu.memory_space<vmem>>
        %dma_wait3A_537 = arith.constant 0 : i32
        %dma_wait3A_538 = tpu.memref_slice %arg4[%add3A_181, %dma_wait3A_537] : memref<524288x80xf32, #tpu.memory_space<hbm>> -> memref<128x80xf32, #tpu.memory_space<hbm>>
        %dma_wait3A_539 = arith.constant 0 : i32
        %dma_wait3A_540 = tpu.memref_slice %arg4[%add3A_181, %dma_wait3A_539] : memref<524288x80xf32, #tpu.memory_space<hbm>> -> memref<128x80xf32, #tpu.memory_space<hbm>>
        %dma_wait3A_541 = arith.constant 0 : i32
        %dma_wait3A_542 = arith.constant 0 : i32
        %dma_wait3A_543 = tpu.memref_slice %arg6[%run_scoped3A_182, %dma_wait3A_541, %dma_wait3A_542] : memref<2x128x80xf32, #tpu.memory_space<vmem>> -> memref<1x128x80xf32, #tpu.memory_space<vmem>>
        %dma_wait3A_544 = tpu.memref_squeeze %dma_wait3A_543 : memref<1x128x80xf32, #tpu.memory_space<vmem>> -> memref<128x80xf32, #tpu.memory_space<vmem>>
        tpu.wait_dma2 semaphore(%run_scoped3A_520 : memref<!tpu.dma_semaphore, #tpu.memory_space<semaphore_mem>>) src(%dma_wait3A_544 : memref<128x80xf32, #tpu.memory_space<vmem>>) dst(%dma_wait3A_540 : memref<128x80xf32, #tpu.memory_space<hbm>>)
        tpu.yield
      }) : () -> ()
      %add3A_183 = arith.constant 5 : i32
      %add3A_184 = arith.addi %mul3A_14, %add3A_183 : i32
      %add3A_185 = arith.constant 1 : i32
      %add3A_186 = arith.addi %add3A_184, %add3A_185 : i32
      %dma_start3A_187 = arith.constant 0 : i32
      %dma_start3A_188 = arith.constant 0 : i32
      %dma_start3A_189 = arith.constant 0 : i32
      %dma_start3A_190 = tpu.memref_slice %arg6[%dma_start3A_187, %dma_start3A_188, %dma_start3A_189] : memref<2x128x80xf32, #tpu.memory_space<vmem>> -> memref<1x128x80xf32, #tpu.memory_space<vmem>>
      %dma_start3A_191 = tpu.memref_squeeze %dma_start3A_190 : memref<1x128x80xf32, #tpu.memory_space<vmem>> -> memref<128x80xf32, #tpu.memory_space<vmem>>
      %dma_start3A_192 = arith.constant 0 : i32
      %dma_start3A_193 = tpu.memref_slice %arg5[%add3A_186, %dma_start3A_192] : memref<128x128xi32, #tpu.memory_space<vmem>> -> memref<1x128xi32, #tpu.memory_space<vmem>>
      %dma_start3A_194 = tpu.memref_squeeze %dma_start3A_193 : memref<1x128xi32, #tpu.memory_space<vmem>> -> memref<128xi32, #tpu.memory_space<vmem>>
      %dma_start3A_195 = arith.constant 0 : i32
      %dma_start3A_196 = arith.constant 0 : i32
      %dma_start3A_197 = tpu.memref_slice %arg2[%dma_start3A_195, %dma_start3A_196] : memref<65536x80xf32, #tpu.memory_space<hbm>> -> memref<65536x80xf32, #tpu.memory_space<hbm>>
      tpu.enqueue_indirect_dma source(%dma_start3A_197 : memref<65536x80xf32, #tpu.memory_space<hbm>>) target(%dma_start3A_191 : memref<128x80xf32, #tpu.memory_space<vmem>>) offsets(%dma_start3A_194 : memref<128xi32, #tpu.memory_space<vmem>>) semaphore(%arg7 : memref<!tpu.dma_semaphore, #tpu.memory_space<semaphore_mem>>)
      %dma_wait3A_198 = arith.constant 1 : i32
      %dma_wait3A_199 = arith.constant 0 : i32
      %dma_wait3A_200 = arith.constant 0 : i32
      %dma_wait3A_201 = tpu.memref_slice %arg6[%dma_wait3A_198, %dma_wait3A_199, %dma_wait3A_200] : memref<2x128x80xf32, #tpu.memory_space<vmem>> -> memref<1x128x80xf32, #tpu.memory_space<vmem>>
      %dma_wait3A_202 = tpu.memref_squeeze %dma_wait3A_201 : memref<1x128x80xf32, #tpu.memory_space<vmem>> -> memref<128x80xf32, #tpu.memory_space<vmem>>
      %dma_wait3A_203 = arith.constant 0 : i32
      %dma_wait3A_204 = tpu.memref_slice %arg5[%add3A_154, %dma_wait3A_203] : memref<128x128xi32, #tpu.memory_space<vmem>> -> memref<1x128xi32, #tpu.memory_space<vmem>>
      %dma_wait3A_205 = tpu.memref_squeeze %dma_wait3A_204 : memref<1x128xi32, #tpu.memory_space<vmem>> -> memref<128xi32, #tpu.memory_space<vmem>>
      %dma_wait3A_206 = arith.constant 0 : i32
      %dma_wait3A_207 = arith.constant 0 : i32
      %dma_wait3A_208 = tpu.memref_slice %arg2[%dma_wait3A_206, %dma_wait3A_207] : memref<65536x80xf32, #tpu.memory_space<hbm>> -> memref<65536x80xf32, #tpu.memory_space<hbm>>
      tpu.wait_indirect_dma semaphore(%arg8 : memref<!tpu.dma_semaphore, #tpu.memory_space<semaphore_mem>>) src(%dma_wait3A_208 : memref<65536x80xf32, #tpu.memory_space<hbm>>) dst(%dma_wait3A_202 : memref<128x80xf32, #tpu.memory_space<vmem>>)
      %add3A_209 = arith.constant 5 : i32
      %add3A_210 = arith.addi %mul3A_14, %add3A_209 : i32
      %mul3A_211 = arith.constant 128 : i32
      %mul3A_212 = arith.muli %add3A_210, %mul3A_211 : i32
      %add3A_213 = arith.addi %mul3A_6, %mul3A_212 : i32
      %run_scoped3A_214 = arith.constant 1 : i32
      "tpu.region"() ({
        %run_scoped3A_520 = tpu.sem_alloc : memref<!tpu.dma_semaphore, #tpu.memory_space<semaphore_mem>>
        %dma_start3A_521 = arith.constant 0 : i32
        %dma_start3A_522 = arith.constant 0 : i32
        %dma_start3A_523 = tpu.memref_slice %arg6[%run_scoped3A_214, %dma_start3A_521, %dma_start3A_522] : memref<2x128x80xf32, #tpu.memory_space<vmem>> -> memref<1x128x80xf32, #tpu.memory_space<vmem>>
        %dma_start3A_524 = tpu.memref_squeeze %dma_start3A_523 : memref<1x128x80xf32, #tpu.memory_space<vmem>> -> memref<128x80xf32, #tpu.memory_space<vmem>>
        %dma_start3A_525 = arith.constant 0 : i32
        %dma_start3A_526 = tpu.memref_slice %arg4[%add3A_213, %dma_start3A_525] : memref<524288x80xf32, #tpu.memory_space<hbm>> -> memref<128x80xf32, #tpu.memory_space<hbm>>
        %dma_start3A_527 = arith.constant 0 : i32
        %dma_start3A_528 = tpu.memref_slice %arg4[%add3A_213, %dma_start3A_527] : memref<524288x80xf32, #tpu.memory_space<hbm>> -> memref<128x80xf32, #tpu.memory_space<hbm>>
        %dma_start3A_529 = arith.constant 0 : i32
        %dma_start3A_530 = arith.constant 0 : i32
        %dma_start3A_531 = tpu.memref_slice %arg6[%run_scoped3A_214, %dma_start3A_529, %dma_start3A_530] : memref<2x128x80xf32, #tpu.memory_space<vmem>> -> memref<1x128x80xf32, #tpu.memory_space<vmem>>
        %dma_start3A_532 = tpu.memref_squeeze %dma_start3A_531 : memref<1x128x80xf32, #tpu.memory_space<vmem>> -> memref<128x80xf32, #tpu.memory_space<vmem>>
        tpu.enqueue_dma source(%dma_start3A_532 : memref<128x80xf32, #tpu.memory_space<vmem>>) target(%dma_start3A_528 : memref<128x80xf32, #tpu.memory_space<hbm>>) target_semaphore(%run_scoped3A_520 : memref<!tpu.dma_semaphore, #tpu.memory_space<semaphore_mem>>)
        %dma_wait3A_533 = arith.constant 0 : i32
        %dma_wait3A_534 = arith.constant 0 : i32
        %dma_wait3A_535 = tpu.memref_slice %arg6[%run_scoped3A_214, %dma_wait3A_533, %dma_wait3A_534] : memref<2x128x80xf32, #tpu.memory_space<vmem>> -> memref<1x128x80xf32, #tpu.memory_space<vmem>>
        %dma_wait3A_536 = tpu.memref_squeeze %dma_wait3A_535 : memref<1x128x80xf32, #tpu.memory_space<vmem>> -> memref<128x80xf32, #tpu.memory_space<vmem>>
        %dma_wait3A_537 = arith.constant 0 : i32
        %dma_wait3A_538 = tpu.memref_slice %arg4[%add3A_213, %dma_wait3A_537] : memref<524288x80xf32, #tpu.memory_space<hbm>> -> memref<128x80xf32, #tpu.memory_space<hbm>>
        %dma_wait3A_539 = arith.constant 0 : i32
        %dma_wait3A_540 = tpu.memref_slice %arg4[%add3A_213, %dma_wait3A_539] : memref<524288x80xf32, #tpu.memory_space<hbm>> -> memref<128x80xf32, #tpu.memory_space<hbm>>
        %dma_wait3A_541 = arith.constant 0 : i32
        %dma_wait3A_542 = arith.constant 0 : i32
        %dma_wait3A_543 = tpu.memref_slice %arg6[%run_scoped3A_214, %dma_wait3A_541, %dma_wait3A_542] : memref<2x128x80xf32, #tpu.memory_space<vmem>> -> memref<1x128x80xf32, #tpu.memory_space<vmem>>
        %dma_wait3A_544 = tpu.memref_squeeze %dma_wait3A_543 : memref<1x128x80xf32, #tpu.memory_space<vmem>> -> memref<128x80xf32, #tpu.memory_space<vmem>>
        tpu.wait_dma2 semaphore(%run_scoped3A_520 : memref<!tpu.dma_semaphore, #tpu.memory_space<semaphore_mem>>) src(%dma_wait3A_544 : memref<128x80xf32, #tpu.memory_space<vmem>>) dst(%dma_wait3A_540 : memref<128x80xf32, #tpu.memory_space<hbm>>)
        tpu.yield
      }) : () -> ()
      %add3A_215 = arith.constant 6 : i32
      %add3A_216 = arith.addi %mul3A_14, %add3A_215 : i32
      %add3A_217 = arith.constant 1 : i32
      %add3A_218 = arith.addi %add3A_216, %add3A_217 : i32
      %dma_start3A_219 = arith.constant 1 : i32
      %dma_start3A_220 = arith.constant 0 : i32
      %dma_start3A_221 = arith.constant 0 : i32
      %dma_start3A_222 = tpu.memref_slice %arg6[%dma_start3A_219, %dma_start3A_220, %dma_start3A_221] : memref<2x128x80xf32, #tpu.memory_space<vmem>> -> memref<1x128x80xf32, #tpu.memory_space<vmem>>
      %dma_start3A_223 = tpu.memref_squeeze %dma_start3A_222 : memref<1x128x80xf32, #tpu.memory_space<vmem>> -> memref<128x80xf32, #tpu.memory_space<vmem>>
      %dma_start3A_224 = arith.constant 0 : i32
      %dma_start3A_225 = tpu.memref_slice %arg5[%add3A_218, %dma_start3A_224] : memref<128x128xi32, #tpu.memory_space<vmem>> -> memref<1x128xi32, #tpu.memory_space<vmem>>
      %dma_start3A_226 = tpu.memref_squeeze %dma_start3A_225 : memref<1x128xi32, #tpu.memory_space<vmem>> -> memref<128xi32, #tpu.memory_space<vmem>>
      %dma_start3A_227 = arith.constant 0 : i32
      %dma_start3A_228 = arith.constant 0 : i32
      %dma_start3A_229 = tpu.memref_slice %arg2[%dma_start3A_227, %dma_start3A_228] : memref<65536x80xf32, #tpu.memory_space<hbm>> -> memref<65536x80xf32, #tpu.memory_space<hbm>>
      tpu.enqueue_indirect_dma source(%dma_start3A_229 : memref<65536x80xf32, #tpu.memory_space<hbm>>) target(%dma_start3A_223 : memref<128x80xf32, #tpu.memory_space<vmem>>) offsets(%dma_start3A_226 : memref<128xi32, #tpu.memory_space<vmem>>) semaphore(%arg8 : memref<!tpu.dma_semaphore, #tpu.memory_space<semaphore_mem>>)
      %dma_wait3A_230 = arith.constant 0 : i32
      %dma_wait3A_231 = arith.constant 0 : i32
      %dma_wait3A_232 = arith.constant 0 : i32
      %dma_wait3A_233 = tpu.memref_slice %arg6[%dma_wait3A_230, %dma_wait3A_231, %dma_wait3A_232] : memref<2x128x80xf32, #tpu.memory_space<vmem>> -> memref<1x128x80xf32, #tpu.memory_space<vmem>>
      %dma_wait3A_234 = tpu.memref_squeeze %dma_wait3A_233 : memref<1x128x80xf32, #tpu.memory_space<vmem>> -> memref<128x80xf32, #tpu.memory_space<vmem>>
      %dma_wait3A_235 = arith.constant 0 : i32
      %dma_wait3A_236 = tpu.memref_slice %arg5[%add3A_186, %dma_wait3A_235] : memref<128x128xi32, #tpu.memory_space<vmem>> -> memref<1x128xi32, #tpu.memory_space<vmem>>
      %dma_wait3A_237 = tpu.memref_squeeze %dma_wait3A_236 : memref<1x128xi32, #tpu.memory_space<vmem>> -> memref<128xi32, #tpu.memory_space<vmem>>
      %dma_wait3A_238 = arith.constant 0 : i32
      %dma_wait3A_239 = arith.constant 0 : i32
      %dma_wait3A_240 = tpu.memref_slice %arg2[%dma_wait3A_238, %dma_wait3A_239] : memref<65536x80xf32, #tpu.memory_space<hbm>> -> memref<65536x80xf32, #tpu.memory_space<hbm>>
      tpu.wait_indirect_dma semaphore(%arg7 : memref<!tpu.dma_semaphore, #tpu.memory_space<semaphore_mem>>) src(%dma_wait3A_240 : memref<65536x80xf32, #tpu.memory_space<hbm>>) dst(%dma_wait3A_234 : memref<128x80xf32, #tpu.memory_space<vmem>>)
      %add3A_241 = arith.constant 6 : i32
      %add3A_242 = arith.addi %mul3A_14, %add3A_241 : i32
      %mul3A_243 = arith.constant 128 : i32
      %mul3A_244 = arith.muli %add3A_242, %mul3A_243 : i32
      %add3A_245 = arith.addi %mul3A_6, %mul3A_244 : i32
      %run_scoped3A_246 = arith.constant 0 : i32
      "tpu.region"() ({
        %run_scoped3A_520 = tpu.sem_alloc : memref<!tpu.dma_semaphore, #tpu.memory_space<semaphore_mem>>
        %dma_start3A_521 = arith.constant 0 : i32
        %dma_start3A_522 = arith.constant 0 : i32
        %dma_start3A_523 = tpu.memref_slice %arg6[%run_scoped3A_246, %dma_start3A_521, %dma_start3A_522] : memref<2x128x80xf32, #tpu.memory_space<vmem>> -> memref<1x128x80xf32, #tpu.memory_space<vmem>>
        %dma_start3A_524 = tpu.memref_squeeze %dma_start3A_523 : memref<1x128x80xf32, #tpu.memory_space<vmem>> -> memref<128x80xf32, #tpu.memory_space<vmem>>
        %dma_start3A_525 = arith.constant 0 : i32
        %dma_start3A_526 = tpu.memref_slice %arg4[%add3A_245, %dma_start3A_525] : memref<524288x80xf32, #tpu.memory_space<hbm>> -> memref<128x80xf32, #tpu.memory_space<hbm>>
        %dma_start3A_527 = arith.constant 0 : i32
        %dma_start3A_528 = tpu.memref_slice %arg4[%add3A_245, %dma_start3A_527] : memref<524288x80xf32, #tpu.memory_space<hbm>> -> memref<128x80xf32, #tpu.memory_space<hbm>>
        %dma_start3A_529 = arith.constant 0 : i32
        %dma_start3A_530 = arith.constant 0 : i32
        %dma_start3A_531 = tpu.memref_slice %arg6[%run_scoped3A_246, %dma_start3A_529, %dma_start3A_530] : memref<2x128x80xf32, #tpu.memory_space<vmem>> -> memref<1x128x80xf32, #tpu.memory_space<vmem>>
        %dma_start3A_532 = tpu.memref_squeeze %dma_start3A_531 : memref<1x128x80xf32, #tpu.memory_space<vmem>> -> memref<128x80xf32, #tpu.memory_space<vmem>>
        tpu.enqueue_dma source(%dma_start3A_532 : memref<128x80xf32, #tpu.memory_space<vmem>>) target(%dma_start3A_528 : memref<128x80xf32, #tpu.memory_space<hbm>>) target_semaphore(%run_scoped3A_520 : memref<!tpu.dma_semaphore, #tpu.memory_space<semaphore_mem>>)
        %dma_wait3A_533 = arith.constant 0 : i32
        %dma_wait3A_534 = arith.constant 0 : i32
        %dma_wait3A_535 = tpu.memref_slice %arg6[%run_scoped3A_246, %dma_wait3A_533, %dma_wait3A_534] : memref<2x128x80xf32, #tpu.memory_space<vmem>> -> memref<1x128x80xf32, #tpu.memory_space<vmem>>
        %dma_wait3A_536 = tpu.memref_squeeze %dma_wait3A_535 : memref<1x128x80xf32, #tpu.memory_space<vmem>> -> memref<128x80xf32, #tpu.memory_space<vmem>>
        %dma_wait3A_537 = arith.constant 0 : i32
        %dma_wait3A_538 = tpu.memref_slice %arg4[%add3A_245, %dma_wait3A_537] : memref<524288x80xf32, #tpu.memory_space<hbm>> -> memref<128x80xf32, #tpu.memory_space<hbm>>
        %dma_wait3A_539 = arith.constant 0 : i32
        %dma_wait3A_540 = tpu.memref_slice %arg4[%add3A_245, %dma_wait3A_539] : memref<524288x80xf32, #tpu.memory_space<hbm>> -> memref<128x80xf32, #tpu.memory_space<hbm>>
        %dma_wait3A_541 = arith.constant 0 : i32
        %dma_wait3A_542 = arith.constant 0 : i32
        %dma_wait3A_543 = tpu.memref_slice %arg6[%run_scoped3A_246, %dma_wait3A_541, %dma_wait3A_542] : memref<2x128x80xf32, #tpu.memory_space<vmem>> -> memref<1x128x80xf32, #tpu.memory_space<vmem>>
        %dma_wait3A_544 = tpu.memref_squeeze %dma_wait3A_543 : memref<1x128x80xf32, #tpu.memory_space<vmem>> -> memref<128x80xf32, #tpu.memory_space<vmem>>
        tpu.wait_dma2 semaphore(%run_scoped3A_520 : memref<!tpu.dma_semaphore, #tpu.memory_space<semaphore_mem>>) src(%dma_wait3A_544 : memref<128x80xf32, #tpu.memory_space<vmem>>) dst(%dma_wait3A_540 : memref<128x80xf32, #tpu.memory_space<hbm>>)
        tpu.yield
      }) : () -> ()
      %add3A_247 = arith.constant 7 : i32
      %add3A_248 = arith.addi %mul3A_14, %add3A_247 : i32
      %add3A_249 = arith.constant 1 : i32
      %add3A_250 = arith.addi %add3A_248, %add3A_249 : i32
      %dma_start3A_251 = arith.constant 0 : i32
      %dma_start3A_252 = arith.constant 0 : i32
      %dma_start3A_253 = arith.constant 0 : i32
      %dma_start3A_254 = tpu.memref_slice %arg6[%dma_start3A_251, %dma_start3A_252, %dma_start3A_253] : memref<2x128x80xf32, #tpu.memory_space<vmem>> -> memref<1x128x80xf32, #tpu.memory_space<vmem>>
      %dma_start3A_255 = tpu.memref_squeeze %dma_start3A_254 : memref<1x128x80xf32, #tpu.memory_space<vmem>> -> memref<128x80xf32, #tpu.memory_space<vmem>>
      %dma_start3A_256 = arith.constant 0 : i32
      %dma_start3A_257 = tpu.memref_slice %arg5[%add3A_250, %dma_start3A_256] : memref<128x128xi32, #tpu.memory_space<vmem>> -> memref<1x128xi32, #tpu.memory_space<vmem>>
      %dma_start3A_258 = tpu.memref_squeeze %dma_start3A_257 : memref<1x128xi32, #tpu.memory_space<vmem>> -> memref<128xi32, #tpu.memory_space<vmem>>
      %dma_start3A_259 = arith.constant 0 : i32
      %dma_start3A_260 = arith.constant 0 : i32
      %dma_start3A_261 = tpu.memref_slice %arg2[%dma_start3A_259, %dma_start3A_260] : memref<65536x80xf32, #tpu.memory_space<hbm>> -> memref<65536x80xf32, #tpu.memory_space<hbm>>
      tpu.enqueue_indirect_dma source(%dma_start3A_261 : memref<65536x80xf32, #tpu.memory_space<hbm>>) target(%dma_start3A_255 : memref<128x80xf32, #tpu.memory_space<vmem>>) offsets(%dma_start3A_258 : memref<128xi32, #tpu.memory_space<vmem>>) semaphore(%arg7 : memref<!tpu.dma_semaphore, #tpu.memory_space<semaphore_mem>>)
      %dma_wait3A_262 = arith.constant 1 : i32
      %dma_wait3A_263 = arith.constant 0 : i32
      %dma_wait3A_264 = arith.constant 0 : i32
      %dma_wait3A_265 = tpu.memref_slice %arg6[%dma_wait3A_262, %dma_wait3A_263, %dma_wait3A_264] : memref<2x128x80xf32, #tpu.memory_space<vmem>> -> memref<1x128x80xf32, #tpu.memory_space<vmem>>
      %dma_wait3A_266 = tpu.memref_squeeze %dma_wait3A_265 : memref<1x128x80xf32, #tpu.memory_space<vmem>> -> memref<128x80xf32, #tpu.memory_space<vmem>>
      %dma_wait3A_267 = arith.constant 0 : i32
      %dma_wait3A_268 = tpu.memref_slice %arg5[%add3A_218, %dma_wait3A_267] : memref<128x128xi32, #tpu.memory_space<vmem>> -> memref<1x128xi32, #tpu.memory_space<vmem>>
      %dma_wait3A_269 = tpu.memref_squeeze %dma_wait3A_268 : memref<1x128xi32, #tpu.memory_space<vmem>> -> memref<128xi32, #tpu.memory_space<vmem>>
      %dma_wait3A_270 = arith.constant 0 : i32
      %dma_wait3A_271 = arith.constant 0 : i32
      %dma_wait3A_272 = tpu.memref_slice %arg2[%dma_wait3A_270, %dma_wait3A_271] : memref<65536x80xf32, #tpu.memory_space<hbm>> -> memref<65536x80xf32, #tpu.memory_space<hbm>>
      tpu.wait_indirect_dma semaphore(%arg8 : memref<!tpu.dma_semaphore, #tpu.memory_space<semaphore_mem>>) src(%dma_wait3A_272 : memref<65536x80xf32, #tpu.memory_space<hbm>>) dst(%dma_wait3A_266 : memref<128x80xf32, #tpu.memory_space<vmem>>)
      %add3A_273 = arith.constant 7 : i32
      %add3A_274 = arith.addi %mul3A_14, %add3A_273 : i32
      %mul3A_275 = arith.constant 128 : i32
      %mul3A_276 = arith.muli %add3A_274, %mul3A_275 : i32
      %add3A_277 = arith.addi %mul3A_6, %mul3A_276 : i32
      %run_scoped3A_278 = arith.constant 1 : i32
      "tpu.region"() ({
        %run_scoped3A_520 = tpu.sem_alloc : memref<!tpu.dma_semaphore, #tpu.memory_space<semaphore_mem>>
        %dma_start3A_521 = arith.constant 0 : i32
        %dma_start3A_522 = arith.constant 0 : i32
        %dma_start3A_523 = tpu.memref_slice %arg6[%run_scoped3A_278, %dma_start3A_521, %dma_start3A_522] : memref<2x128x80xf32, #tpu.memory_space<vmem>> -> memref<1x128x80xf32, #tpu.memory_space<vmem>>
        %dma_start3A_524 = tpu.memref_squeeze %dma_start3A_523 : memref<1x128x80xf32, #tpu.memory_space<vmem>> -> memref<128x80xf32, #tpu.memory_space<vmem>>
        %dma_start3A_525 = arith.constant 0 : i32
        %dma_start3A_526 = tpu.memref_slice %arg4[%add3A_277, %dma_start3A_525] : memref<524288x80xf32, #tpu.memory_space<hbm>> -> memref<128x80xf32, #tpu.memory_space<hbm>>
        %dma_start3A_527 = arith.constant 0 : i32
        %dma_start3A_528 = tpu.memref_slice %arg4[%add3A_277, %dma_start3A_527] : memref<524288x80xf32, #tpu.memory_space<hbm>> -> memref<128x80xf32, #tpu.memory_space<hbm>>
        %dma_start3A_529 = arith.constant 0 : i32
        %dma_start3A_530 = arith.constant 0 : i32
        %dma_start3A_531 = tpu.memref_slice %arg6[%run_scoped3A_278, %dma_start3A_529, %dma_start3A_530] : memref<2x128x80xf32, #tpu.memory_space<vmem>> -> memref<1x128x80xf32, #tpu.memory_space<vmem>>
        %dma_start3A_532 = tpu.memref_squeeze %dma_start3A_531 : memref<1x128x80xf32, #tpu.memory_space<vmem>> -> memref<128x80xf32, #tpu.memory_space<vmem>>
        tpu.enqueue_dma source(%dma_start3A_532 : memref<128x80xf32, #tpu.memory_space<vmem>>) target(%dma_start3A_528 : memref<128x80xf32, #tpu.memory_space<hbm>>) target_semaphore(%run_scoped3A_520 : memref<!tpu.dma_semaphore, #tpu.memory_space<semaphore_mem>>)
        %dma_wait3A_533 = arith.constant 0 : i32
        %dma_wait3A_534 = arith.constant 0 : i32
        %dma_wait3A_535 = tpu.memref_slice %arg6[%run_scoped3A_278, %dma_wait3A_533, %dma_wait3A_534] : memref<2x128x80xf32, #tpu.memory_space<vmem>> -> memref<1x128x80xf32, #tpu.memory_space<vmem>>
        %dma_wait3A_536 = tpu.memref_squeeze %dma_wait3A_535 : memref<1x128x80xf32, #tpu.memory_space<vmem>> -> memref<128x80xf32, #tpu.memory_space<vmem>>
        %dma_wait3A_537 = arith.constant 0 : i32
        %dma_wait3A_538 = tpu.memref_slice %arg4[%add3A_277, %dma_wait3A_537] : memref<524288x80xf32, #tpu.memory_space<hbm>> -> memref<128x80xf32, #tpu.memory_space<hbm>>
        %dma_wait3A_539 = arith.constant 0 : i32
        %dma_wait3A_540 = tpu.memref_slice %arg4[%add3A_277, %dma_wait3A_539] : memref<524288x80xf32, #tpu.memory_space<hbm>> -> memref<128x80xf32, #tpu.memory_space<hbm>>
        %dma_wait3A_541 = arith.constant 0 : i32
        %dma_wait3A_542 = arith.constant 0 : i32
        %dma_wait3A_543 = tpu.memref_slice %arg6[%run_scoped3A_278, %dma_wait3A_541, %dma_wait3A_542] : memref<2x128x80xf32, #tpu.memory_space<vmem>> -> memref<1x128x80xf32, #tpu.memory_space<vmem>>
        %dma_wait3A_544 = tpu.memref_squeeze %dma_wait3A_543 : memref<1x128x80xf32, #tpu.memory_space<vmem>> -> memref<128x80xf32, #tpu.memory_space<vmem>>
        tpu.wait_dma2 semaphore(%run_scoped3A_520 : memref<!tpu.dma_semaphore, #tpu.memory_space<semaphore_mem>>) src(%dma_wait3A_544 : memref<128x80xf32, #tpu.memory_space<vmem>>) dst(%dma_wait3A_540 : memref<128x80xf32, #tpu.memory_space<hbm>>)
        tpu.yield
      }) : () -> ()
      %add3A_279 = arith.constant 8 : i32
      %add3A_280 = arith.addi %mul3A_14, %add3A_279 : i32
      %add3A_281 = arith.constant 1 : i32
      %add3A_282 = arith.addi %add3A_280, %add3A_281 : i32
      %dma_start3A_283 = arith.constant 1 : i32
      %dma_start3A_284 = arith.constant 0 : i32
      %dma_start3A_285 = arith.constant 0 : i32
      %dma_start3A_286 = tpu.memref_slice %arg6[%dma_start3A_283, %dma_start3A_284, %dma_start3A_285] : memref<2x128x80xf32, #tpu.memory_space<vmem>> -> memref<1x128x80xf32, #tpu.memory_space<vmem>>
      %dma_start3A_287 = tpu.memref_squeeze %dma_start3A_286 : memref<1x128x80xf32, #tpu.memory_space<vmem>> -> memref<128x80xf32, #tpu.memory_space<vmem>>
      %dma_start3A_288 = arith.constant 0 : i32
      %dma_start3A_289 = tpu.memref_slice %arg5[%add3A_282, %dma_start3A_288] : memref<128x128xi32, #tpu.memory_space<vmem>> -> memref<1x128xi32, #tpu.memory_space<vmem>>
      %dma_start3A_290 = tpu.memref_squeeze %dma_start3A_289 : memref<1x128xi32, #tpu.memory_space<vmem>> -> memref<128xi32, #tpu.memory_space<vmem>>
      %dma_start3A_291 = arith.constant 0 : i32
      %dma_start3A_292 = arith.constant 0 : i32
      %dma_start3A_293 = tpu.memref_slice %arg2[%dma_start3A_291, %dma_start3A_292] : memref<65536x80xf32, #tpu.memory_space<hbm>> -> memref<65536x80xf32, #tpu.memory_space<hbm>>
      tpu.enqueue_indirect_dma source(%dma_start3A_293 : memref<65536x80xf32, #tpu.memory_space<hbm>>) target(%dma_start3A_287 : memref<128x80xf32, #tpu.memory_space<vmem>>) offsets(%dma_start3A_290 : memref<128xi32, #tpu.memory_space<vmem>>) semaphore(%arg8 : memref<!tpu.dma_semaphore, #tpu.memory_space<semaphore_mem>>)
      %dma_wait3A_294 = arith.constant 0 : i32
      %dma_wait3A_295 = arith.constant 0 : i32
      %dma_wait3A_296 = arith.constant 0 : i32
      %dma_wait3A_297 = tpu.memref_slice %arg6[%dma_wait3A_294, %dma_wait3A_295, %dma_wait3A_296] : memref<2x128x80xf32, #tpu.memory_space<vmem>> -> memref<1x128x80xf32, #tpu.memory_space<vmem>>
      %dma_wait3A_298 = tpu.memref_squeeze %dma_wait3A_297 : memref<1x128x80xf32, #tpu.memory_space<vmem>> -> memref<128x80xf32, #tpu.memory_space<vmem>>
      %dma_wait3A_299 = arith.constant 0 : i32
      %dma_wait3A_300 = tpu.memref_slice %arg5[%add3A_250, %dma_wait3A_299] : memref<128x128xi32, #tpu.memory_space<vmem>> -> memref<1x128xi32, #tpu.memory_space<vmem>>
      %dma_wait3A_301 = tpu.memref_squeeze %dma_wait3A_300 : memref<1x128xi32, #tpu.memory_space<vmem>> -> memref<128xi32, #tpu.memory_space<vmem>>
      %dma_wait3A_302 = arith.constant 0 : i32
      %dma_wait3A_303 = arith.constant 0 : i32
      %dma_wait3A_304 = tpu.memref_slice %arg2[%dma_wait3A_302, %dma_wait3A_303] : memref<65536x80xf32, #tpu.memory_space<hbm>> -> memref<65536x80xf32, #tpu.memory_space<hbm>>
      tpu.wait_indirect_dma semaphore(%arg7 : memref<!tpu.dma_semaphore, #tpu.memory_space<semaphore_mem>>) src(%dma_wait3A_304 : memref<65536x80xf32, #tpu.memory_space<hbm>>) dst(%dma_wait3A_298 : memref<128x80xf32, #tpu.memory_space<vmem>>)
      %add3A_305 = arith.constant 8 : i32
      %add3A_306 = arith.addi %mul3A_14, %add3A_305 : i32
      %mul3A_307 = arith.constant 128 : i32
      %mul3A_308 = arith.muli %add3A_306, %mul3A_307 : i32
      %add3A_309 = arith.addi %mul3A_6, %mul3A_308 : i32
      %run_scoped3A_310 = arith.constant 0 : i32
      "tpu.region"() ({
        %run_scoped3A_520 = tpu.sem_alloc : memref<!tpu.dma_semaphore, #tpu.memory_space<semaphore_mem>>
        %dma_start3A_521 = arith.constant 0 : i32
        %dma_start3A_522 = arith.constant 0 : i32
        %dma_start3A_523 = tpu.memref_slice %arg6[%run_scoped3A_310, %dma_start3A_521, %dma_start3A_522] : memref<2x128x80xf32, #tpu.memory_space<vmem>> -> memref<1x128x80xf32, #tpu.memory_space<vmem>>
        %dma_start3A_524 = tpu.memref_squeeze %dma_start3A_523 : memref<1x128x80xf32, #tpu.memory_space<vmem>> -> memref<128x80xf32, #tpu.memory_space<vmem>>
        %dma_start3A_525 = arith.constant 0 : i32
        %dma_start3A_526 = tpu.memref_slice %arg4[%add3A_309, %dma_start3A_525] : memref<524288x80xf32, #tpu.memory_space<hbm>> -> memref<128x80xf32, #tpu.memory_space<hbm>>
        %dma_start3A_527 = arith.constant 0 : i32
        %dma_start3A_528 = tpu.memref_slice %arg4[%add3A_309, %dma_start3A_527] : memref<524288x80xf32, #tpu.memory_space<hbm>> -> memref<128x80xf32, #tpu.memory_space<hbm>>
        %dma_start3A_529 = arith.constant 0 : i32
        %dma_start3A_530 = arith.constant 0 : i32
        %dma_start3A_531 = tpu.memref_slice %arg6[%run_scoped3A_310, %dma_start3A_529, %dma_start3A_530] : memref<2x128x80xf32, #tpu.memory_space<vmem>> -> memref<1x128x80xf32, #tpu.memory_space<vmem>>
        %dma_start3A_532 = tpu.memref_squeeze %dma_start3A_531 : memref<1x128x80xf32, #tpu.memory_space<vmem>> -> memref<128x80xf32, #tpu.memory_space<vmem>>
        tpu.enqueue_dma source(%dma_start3A_532 : memref<128x80xf32, #tpu.memory_space<vmem>>) target(%dma_start3A_528 : memref<128x80xf32, #tpu.memory_space<hbm>>) target_semaphore(%run_scoped3A_520 : memref<!tpu.dma_semaphore, #tpu.memory_space<semaphore_mem>>)
        %dma_wait3A_533 = arith.constant 0 : i32
        %dma_wait3A_534 = arith.constant 0 : i32
        %dma_wait3A_535 = tpu.memref_slice %arg6[%run_scoped3A_310, %dma_wait3A_533, %dma_wait3A_534] : memref<2x128x80xf32, #tpu.memory_space<vmem>> -> memref<1x128x80xf32, #tpu.memory_space<vmem>>
        %dma_wait3A_536 = tpu.memref_squeeze %dma_wait3A_535 : memref<1x128x80xf32, #tpu.memory_space<vmem>> -> memref<128x80xf32, #tpu.memory_space<vmem>>
        %dma_wait3A_537 = arith.constant 0 : i32
        %dma_wait3A_538 = tpu.memref_slice %arg4[%add3A_309, %dma_wait3A_537] : memref<524288x80xf32, #tpu.memory_space<hbm>> -> memref<128x80xf32, #tpu.memory_space<hbm>>
        %dma_wait3A_539 = arith.constant 0 : i32
        %dma_wait3A_540 = tpu.memref_slice %arg4[%add3A_309, %dma_wait3A_539] : memref<524288x80xf32, #tpu.memory_space<hbm>> -> memref<128x80xf32, #tpu.memory_space<hbm>>
        %dma_wait3A_541 = arith.constant 0 : i32
        %dma_wait3A_542 = arith.constant 0 : i32
        %dma_wait3A_543 = tpu.memref_slice %arg6[%run_scoped3A_310, %dma_wait3A_541, %dma_wait3A_542] : memref<2x128x80xf32, #tpu.memory_space<vmem>> -> memref<1x128x80xf32, #tpu.memory_space<vmem>>
        %dma_wait3A_544 = tpu.memref_squeeze %dma_wait3A_543 : memref<1x128x80xf32, #tpu.memory_space<vmem>> -> memref<128x80xf32, #tpu.memory_space<vmem>>
        tpu.wait_dma2 semaphore(%run_scoped3A_520 : memref<!tpu.dma_semaphore, #tpu.memory_space<semaphore_mem>>) src(%dma_wait3A_544 : memref<128x80xf32, #tpu.memory_space<vmem>>) dst(%dma_wait3A_540 : memref<128x80xf32, #tpu.memory_space<hbm>>)
        tpu.yield
      }) : () -> ()
      %add3A_311 = arith.constant 9 : i32
      %add3A_312 = arith.addi %mul3A_14, %add3A_311 : i32
      %add3A_313 = arith.constant 1 : i32
      %add3A_314 = arith.addi %add3A_312, %add3A_313 : i32
      %dma_start3A_315 = arith.constant 0 : i32
      %dma_start3A_316 = arith.constant 0 : i32
      %dma_start3A_317 = arith.constant 0 : i32
      %dma_start3A_318 = tpu.memref_slice %arg6[%dma_start3A_315, %dma_start3A_316, %dma_start3A_317] : memref<2x128x80xf32, #tpu.memory_space<vmem>> -> memref<1x128x80xf32, #tpu.memory_space<vmem>>
      %dma_start3A_319 = tpu.memref_squeeze %dma_start3A_318 : memref<1x128x80xf32, #tpu.memory_space<vmem>> -> memref<128x80xf32, #tpu.memory_space<vmem>>
      %dma_start3A_320 = arith.constant 0 : i32
      %dma_start3A_321 = tpu.memref_slice %arg5[%add3A_314, %dma_start3A_320] : memref<128x128xi32, #tpu.memory_space<vmem>> -> memref<1x128xi32, #tpu.memory_space<vmem>>
      %dma_start3A_322 = tpu.memref_squeeze %dma_start3A_321 : memref<1x128xi32, #tpu.memory_space<vmem>> -> memref<128xi32, #tpu.memory_space<vmem>>
      %dma_start3A_323 = arith.constant 0 : i32
      %dma_start3A_324 = arith.constant 0 : i32
      %dma_start3A_325 = tpu.memref_slice %arg2[%dma_start3A_323, %dma_start3A_324] : memref<65536x80xf32, #tpu.memory_space<hbm>> -> memref<65536x80xf32, #tpu.memory_space<hbm>>
      tpu.enqueue_indirect_dma source(%dma_start3A_325 : memref<65536x80xf32, #tpu.memory_space<hbm>>) target(%dma_start3A_319 : memref<128x80xf32, #tpu.memory_space<vmem>>) offsets(%dma_start3A_322 : memref<128xi32, #tpu.memory_space<vmem>>) semaphore(%arg7 : memref<!tpu.dma_semaphore, #tpu.memory_space<semaphore_mem>>)
      %dma_wait3A_326 = arith.constant 1 : i32
      %dma_wait3A_327 = arith.constant 0 : i32
      %dma_wait3A_328 = arith.constant 0 : i32
      %dma_wait3A_329 = tpu.memref_slice %arg6[%dma_wait3A_326, %dma_wait3A_327, %dma_wait3A_328] : memref<2x128x80xf32, #tpu.memory_space<vmem>> -> memref<1x128x80xf32, #tpu.memory_space<vmem>>
      %dma_wait3A_330 = tpu.memref_squeeze %dma_wait3A_329 : memref<1x128x80xf32, #tpu.memory_space<vmem>> -> memref<128x80xf32, #tpu.memory_space<vmem>>
      %dma_wait3A_331 = arith.constant 0 : i32
      %dma_wait3A_332 = tpu.memref_slice %arg5[%add3A_282, %dma_wait3A_331] : memref<128x128xi32, #tpu.memory_space<vmem>> -> memref<1x128xi32, #tpu.memory_space<vmem>>
      %dma_wait3A_333 = tpu.memref_squeeze %dma_wait3A_332 : memref<1x128xi32, #tpu.memory_space<vmem>> -> memref<128xi32, #tpu.memory_space<vmem>>
      %dma_wait3A_334 = arith.constant 0 : i32
      %dma_wait3A_335 = arith.constant 0 : i32
      %dma_wait3A_336 = tpu.memref_slice %arg2[%dma_wait3A_334, %dma_wait3A_335] : memref<65536x80xf32, #tpu.memory_space<hbm>> -> memref<65536x80xf32, #tpu.memory_space<hbm>>
      tpu.wait_indirect_dma semaphore(%arg8 : memref<!tpu.dma_semaphore, #tpu.memory_space<semaphore_mem>>) src(%dma_wait3A_336 : memref<65536x80xf32, #tpu.memory_space<hbm>>) dst(%dma_wait3A_330 : memref<128x80xf32, #tpu.memory_space<vmem>>)
      %add3A_337 = arith.constant 9 : i32
      %add3A_338 = arith.addi %mul3A_14, %add3A_337 : i32
      %mul3A_339 = arith.constant 128 : i32
      %mul3A_340 = arith.muli %add3A_338, %mul3A_339 : i32
      %add3A_341 = arith.addi %mul3A_6, %mul3A_340 : i32
      %run_scoped3A_342 = arith.constant 1 : i32
      "tpu.region"() ({
        %run_scoped3A_520 = tpu.sem_alloc : memref<!tpu.dma_semaphore, #tpu.memory_space<semaphore_mem>>
        %dma_start3A_521 = arith.constant 0 : i32
        %dma_start3A_522 = arith.constant 0 : i32
        %dma_start3A_523 = tpu.memref_slice %arg6[%run_scoped3A_342, %dma_start3A_521, %dma_start3A_522] : memref<2x128x80xf32, #tpu.memory_space<vmem>> -> memref<1x128x80xf32, #tpu.memory_space<vmem>>
        %dma_start3A_524 = tpu.memref_squeeze %dma_start3A_523 : memref<1x128x80xf32, #tpu.memory_space<vmem>> -> memref<128x80xf32, #tpu.memory_space<vmem>>
        %dma_start3A_525 = arith.constant 0 : i32
        %dma_start3A_526 = tpu.memref_slice %arg4[%add3A_341, %dma_start3A_525] : memref<524288x80xf32, #tpu.memory_space<hbm>> -> memref<128x80xf32, #tpu.memory_space<hbm>>
        %dma_start3A_527 = arith.constant 0 : i32
        %dma_start3A_528 = tpu.memref_slice %arg4[%add3A_341, %dma_start3A_527] : memref<524288x80xf32, #tpu.memory_space<hbm>> -> memref<128x80xf32, #tpu.memory_space<hbm>>
        %dma_start3A_529 = arith.constant 0 : i32
        %dma_start3A_530 = arith.constant 0 : i32
        %dma_start3A_531 = tpu.memref_slice %arg6[%run_scoped3A_342, %dma_start3A_529, %dma_start3A_530] : memref<2x128x80xf32, #tpu.memory_space<vmem>> -> memref<1x128x80xf32, #tpu.memory_space<vmem>>
        %dma_start3A_532 = tpu.memref_squeeze %dma_start3A_531 : memref<1x128x80xf32, #tpu.memory_space<vmem>> -> memref<128x80xf32, #tpu.memory_space<vmem>>
        tpu.enqueue_dma source(%dma_start3A_532 : memref<128x80xf32, #tpu.memory_space<vmem>>) target(%dma_start3A_528 : memref<128x80xf32, #tpu.memory_space<hbm>>) target_semaphore(%run_scoped3A_520 : memref<!tpu.dma_semaphore, #tpu.memory_space<semaphore_mem>>)
        %dma_wait3A_533 = arith.constant 0 : i32
        %dma_wait3A_534 = arith.constant 0 : i32
        %dma_wait3A_535 = tpu.memref_slice %arg6[%run_scoped3A_342, %dma_wait3A_533, %dma_wait3A_534] : memref<2x128x80xf32, #tpu.memory_space<vmem>> -> memref<1x128x80xf32, #tpu.memory_space<vmem>>
        %dma_wait3A_536 = tpu.memref_squeeze %dma_wait3A_535 : memref<1x128x80xf32, #tpu.memory_space<vmem>> -> memref<128x80xf32, #tpu.memory_space<vmem>>
        %dma_wait3A_537 = arith.constant 0 : i32
        %dma_wait3A_538 = tpu.memref_slice %arg4[%add3A_341, %dma_wait3A_537] : memref<524288x80xf32, #tpu.memory_space<hbm>> -> memref<128x80xf32, #tpu.memory_space<hbm>>
        %dma_wait3A_539 = arith.constant 0 : i32
        %dma_wait3A_540 = tpu.memref_slice %arg4[%add3A_341, %dma_wait3A_539] : memref<524288x80xf32, #tpu.memory_space<hbm>> -> memref<128x80xf32, #tpu.memory_space<hbm>>
        %dma_wait3A_541 = arith.constant 0 : i32
        %dma_wait3A_542 = arith.constant 0 : i32
        %dma_wait3A_543 = tpu.memref_slice %arg6[%run_scoped3A_342, %dma_wait3A_541, %dma_wait3A_542] : memref<2x128x80xf32, #tpu.memory_space<vmem>> -> memref<1x128x80xf32, #tpu.memory_space<vmem>>
        %dma_wait3A_544 = tpu.memref_squeeze %dma_wait3A_543 : memref<1x128x80xf32, #tpu.memory_space<vmem>> -> memref<128x80xf32, #tpu.memory_space<vmem>>
        tpu.wait_dma2 semaphore(%run_scoped3A_520 : memref<!tpu.dma_semaphore, #tpu.memory_space<semaphore_mem>>) src(%dma_wait3A_544 : memref<128x80xf32, #tpu.memory_space<vmem>>) dst(%dma_wait3A_540 : memref<128x80xf32, #tpu.memory_space<hbm>>)
        tpu.yield
      }) : () -> ()
      %add3A_343 = arith.constant 10 : i32
      %add3A_344 = arith.addi %mul3A_14, %add3A_343 : i32
      %add3A_345 = arith.constant 1 : i32
      %add3A_346 = arith.addi %add3A_344, %add3A_345 : i32
      %dma_start3A_347 = arith.constant 1 : i32
      %dma_start3A_348 = arith.constant 0 : i32
      %dma_start3A_349 = arith.constant 0 : i32
      %dma_start3A_350 = tpu.memref_slice %arg6[%dma_start3A_347, %dma_start3A_348, %dma_start3A_349] : memref<2x128x80xf32, #tpu.memory_space<vmem>> -> memref<1x128x80xf32, #tpu.memory_space<vmem>>
      %dma_start3A_351 = tpu.memref_squeeze %dma_start3A_350 : memref<1x128x80xf32, #tpu.memory_space<vmem>> -> memref<128x80xf32, #tpu.memory_space<vmem>>
      %dma_start3A_352 = arith.constant 0 : i32
      %dma_start3A_353 = tpu.memref_slice %arg5[%add3A_346, %dma_start3A_352] : memref<128x128xi32, #tpu.memory_space<vmem>> -> memref<1x128xi32, #tpu.memory_space<vmem>>
      %dma_start3A_354 = tpu.memref_squeeze %dma_start3A_353 : memref<1x128xi32, #tpu.memory_space<vmem>> -> memref<128xi32, #tpu.memory_space<vmem>>
      %dma_start3A_355 = arith.constant 0 : i32
      %dma_start3A_356 = arith.constant 0 : i32
      %dma_start3A_357 = tpu.memref_slice %arg2[%dma_start3A_355, %dma_start3A_356] : memref<65536x80xf32, #tpu.memory_space<hbm>> -> memref<65536x80xf32, #tpu.memory_space<hbm>>
      tpu.enqueue_indirect_dma source(%dma_start3A_357 : memref<65536x80xf32, #tpu.memory_space<hbm>>) target(%dma_start3A_351 : memref<128x80xf32, #tpu.memory_space<vmem>>) offsets(%dma_start3A_354 : memref<128xi32, #tpu.memory_space<vmem>>) semaphore(%arg8 : memref<!tpu.dma_semaphore, #tpu.memory_space<semaphore_mem>>)
      %dma_wait3A_358 = arith.constant 0 : i32
      %dma_wait3A_359 = arith.constant 0 : i32
      %dma_wait3A_360 = arith.constant 0 : i32
      %dma_wait3A_361 = tpu.memref_slice %arg6[%dma_wait3A_358, %dma_wait3A_359, %dma_wait3A_360] : memref<2x128x80xf32, #tpu.memory_space<vmem>> -> memref<1x128x80xf32, #tpu.memory_space<vmem>>
      %dma_wait3A_362 = tpu.memref_squeeze %dma_wait3A_361 : memref<1x128x80xf32, #tpu.memory_space<vmem>> -> memref<128x80xf32, #tpu.memory_space<vmem>>
      %dma_wait3A_363 = arith.constant 0 : i32
      %dma_wait3A_364 = tpu.memref_slice %arg5[%add3A_314, %dma_wait3A_363] : memref<128x128xi32, #tpu.memory_space<vmem>> -> memref<1x128xi32, #tpu.memory_space<vmem>>
      %dma_wait3A_365 = tpu.memref_squeeze %dma_wait3A_364 : memref<1x128xi32, #tpu.memory_space<vmem>> -> memref<128xi32, #tpu.memory_space<vmem>>
      %dma_wait3A_366 = arith.constant 0 : i32
      %dma_wait3A_367 = arith.constant 0 : i32
      %dma_wait3A_368 = tpu.memref_slice %arg2[%dma_wait3A_366, %dma_wait3A_367] : memref<65536x80xf32, #tpu.memory_space<hbm>> -> memref<65536x80xf32, #tpu.memory_space<hbm>>
      tpu.wait_indirect_dma semaphore(%arg7 : memref<!tpu.dma_semaphore, #tpu.memory_space<semaphore_mem>>) src(%dma_wait3A_368 : memref<65536x80xf32, #tpu.memory_space<hbm>>) dst(%dma_wait3A_362 : memref<128x80xf32, #tpu.memory_space<vmem>>)
      %add3A_369 = arith.constant 10 : i32
      %add3A_370 = arith.addi %mul3A_14, %add3A_369 : i32
      %mul3A_371 = arith.constant 128 : i32
      %mul3A_372 = arith.muli %add3A_370, %mul3A_371 : i32
      %add3A_373 = arith.addi %mul3A_6, %mul3A_372 : i32
      %run_scoped3A_374 = arith.constant 0 : i32
      "tpu.region"() ({
        %run_scoped3A_520 = tpu.sem_alloc : memref<!tpu.dma_semaphore, #tpu.memory_space<semaphore_mem>>
        %dma_start3A_521 = arith.constant 0 : i32
        %dma_start3A_522 = arith.constant 0 : i32
        %dma_start3A_523 = tpu.memref_slice %arg6[%run_scoped3A_374, %dma_start3A_521, %dma_start3A_522] : memref<2x128x80xf32, #tpu.memory_space<vmem>> -> memref<1x128x80xf32, #tpu.memory_space<vmem>>
        %dma_start3A_524 = tpu.memref_squeeze %dma_start3A_523 : memref<1x128x80xf32, #tpu.memory_space<vmem>> -> memref<128x80xf32, #tpu.memory_space<vmem>>
        %dma_start3A_525 = arith.constant 0 : i32
        %dma_start3A_526 = tpu.memref_slice %arg4[%add3A_373, %dma_start3A_525] : memref<524288x80xf32, #tpu.memory_space<hbm>> -> memref<128x80xf32, #tpu.memory_space<hbm>>
        %dma_start3A_527 = arith.constant 0 : i32
        %dma_start3A_528 = tpu.memref_slice %arg4[%add3A_373, %dma_start3A_527] : memref<524288x80xf32, #tpu.memory_space<hbm>> -> memref<128x80xf32, #tpu.memory_space<hbm>>
        %dma_start3A_529 = arith.constant 0 : i32
        %dma_start3A_530 = arith.constant 0 : i32
        %dma_start3A_531 = tpu.memref_slice %arg6[%run_scoped3A_374, %dma_start3A_529, %dma_start3A_530] : memref<2x128x80xf32, #tpu.memory_space<vmem>> -> memref<1x128x80xf32, #tpu.memory_space<vmem>>
        %dma_start3A_532 = tpu.memref_squeeze %dma_start3A_531 : memref<1x128x80xf32, #tpu.memory_space<vmem>> -> memref<128x80xf32, #tpu.memory_space<vmem>>
        tpu.enqueue_dma source(%dma_start3A_532 : memref<128x80xf32, #tpu.memory_space<vmem>>) target(%dma_start3A_528 : memref<128x80xf32, #tpu.memory_space<hbm>>) target_semaphore(%run_scoped3A_520 : memref<!tpu.dma_semaphore, #tpu.memory_space<semaphore_mem>>)
        %dma_wait3A_533 = arith.constant 0 : i32
        %dma_wait3A_534 = arith.constant 0 : i32
        %dma_wait3A_535 = tpu.memref_slice %arg6[%run_scoped3A_374, %dma_wait3A_533, %dma_wait3A_534] : memref<2x128x80xf32, #tpu.memory_space<vmem>> -> memref<1x128x80xf32, #tpu.memory_space<vmem>>
        %dma_wait3A_536 = tpu.memref_squeeze %dma_wait3A_535 : memref<1x128x80xf32, #tpu.memory_space<vmem>> -> memref<128x80xf32, #tpu.memory_space<vmem>>
        %dma_wait3A_537 = arith.constant 0 : i32
        %dma_wait3A_538 = tpu.memref_slice %arg4[%add3A_373, %dma_wait3A_537] : memref<524288x80xf32, #tpu.memory_space<hbm>> -> memref<128x80xf32, #tpu.memory_space<hbm>>
        %dma_wait3A_539 = arith.constant 0 : i32
        %dma_wait3A_540 = tpu.memref_slice %arg4[%add3A_373, %dma_wait3A_539] : memref<524288x80xf32, #tpu.memory_space<hbm>> -> memref<128x80xf32, #tpu.memory_space<hbm>>
        %dma_wait3A_541 = arith.constant 0 : i32
        %dma_wait3A_542 = arith.constant 0 : i32
        %dma_wait3A_543 = tpu.memref_slice %arg6[%run_scoped3A_374, %dma_wait3A_541, %dma_wait3A_542] : memref<2x128x80xf32, #tpu.memory_space<vmem>> -> memref<1x128x80xf32, #tpu.memory_space<vmem>>
        %dma_wait3A_544 = tpu.memref_squeeze %dma_wait3A_543 : memref<1x128x80xf32, #tpu.memory_space<vmem>> -> memref<128x80xf32, #tpu.memory_space<vmem>>
        tpu.wait_dma2 semaphore(%run_scoped3A_520 : memref<!tpu.dma_semaphore, #tpu.memory_space<semaphore_mem>>) src(%dma_wait3A_544 : memref<128x80xf32, #tpu.memory_space<vmem>>) dst(%dma_wait3A_540 : memref<128x80xf32, #tpu.memory_space<hbm>>)
        tpu.yield
      }) : () -> ()
      %add3A_375 = arith.constant 11 : i32
      %add3A_376 = arith.addi %mul3A_14, %add3A_375 : i32
      %add3A_377 = arith.constant 1 : i32
      %add3A_378 = arith.addi %add3A_376, %add3A_377 : i32
      %dma_start3A_379 = arith.constant 0 : i32
      %dma_start3A_380 = arith.constant 0 : i32
      %dma_start3A_381 = arith.constant 0 : i32
      %dma_start3A_382 = tpu.memref_slice %arg6[%dma_start3A_379, %dma_start3A_380, %dma_start3A_381] : memref<2x128x80xf32, #tpu.memory_space<vmem>> -> memref<1x128x80xf32, #tpu.memory_space<vmem>>
      %dma_start3A_383 = tpu.memref_squeeze %dma_start3A_382 : memref<1x128x80xf32, #tpu.memory_space<vmem>> -> memref<128x80xf32, #tpu.memory_space<vmem>>
      %dma_start3A_384 = arith.constant 0 : i32
      %dma_start3A_385 = tpu.memref_slice %arg5[%add3A_378, %dma_start3A_384] : memref<128x128xi32, #tpu.memory_space<vmem>> -> memref<1x128xi32, #tpu.memory_space<vmem>>
      %dma_start3A_386 = tpu.memref_squeeze %dma_start3A_385 : memref<1x128xi32, #tpu.memory_space<vmem>> -> memref<128xi32, #tpu.memory_space<vmem>>
      %dma_start3A_387 = arith.constant 0 : i32
      %dma_start3A_388 = arith.constant 0 : i32
      %dma_start3A_389 = tpu.memref_slice %arg2[%dma_start3A_387, %dma_start3A_388] : memref<65536x80xf32, #tpu.memory_space<hbm>> -> memref<65536x80xf32, #tpu.memory_space<hbm>>
      tpu.enqueue_indirect_dma source(%dma_start3A_389 : memref<65536x80xf32, #tpu.memory_space<hbm>>) target(%dma_start3A_383 : memref<128x80xf32, #tpu.memory_space<vmem>>) offsets(%dma_start3A_386 : memref<128xi32, #tpu.memory_space<vmem>>) semaphore(%arg7 : memref<!tpu.dma_semaphore, #tpu.memory_space<semaphore_mem>>)
      %dma_wait3A_390 = arith.constant 1 : i32
      %dma_wait3A_391 = arith.constant 0 : i32
      %dma_wait3A_392 = arith.constant 0 : i32
      %dma_wait3A_393 = tpu.memref_slice %arg6[%dma_wait3A_390, %dma_wait3A_391, %dma_wait3A_392] : memref<2x128x80xf32, #tpu.memory_space<vmem>> -> memref<1x128x80xf32, #tpu.memory_space<vmem>>
      %dma_wait3A_394 = tpu.memref_squeeze %dma_wait3A_393 : memref<1x128x80xf32, #tpu.memory_space<vmem>> -> memref<128x80xf32, #tpu.memory_space<vmem>>
      %dma_wait3A_395 = arith.constant 0 : i32
      %dma_wait3A_396 = tpu.memref_slice %arg5[%add3A_346, %dma_wait3A_395] : memref<128x128xi32, #tpu.memory_space<vmem>> -> memref<1x128xi32, #tpu.memory_space<vmem>>
      %dma_wait3A_397 = tpu.memref_squeeze %dma_wait3A_396 : memref<1x128xi32, #tpu.memory_space<vmem>> -> memref<128xi32, #tpu.memory_space<vmem>>
      %dma_wait3A_398 = arith.constant 0 : i32
      %dma_wait3A_399 = arith.constant 0 : i32
      %dma_wait3A_400 = tpu.memref_slice %arg2[%dma_wait3A_398, %dma_wait3A_399] : memref<65536x80xf32, #tpu.memory_space<hbm>> -> memref<65536x80xf32, #tpu.memory_space<hbm>>
      tpu.wait_indirect_dma semaphore(%arg8 : memref<!tpu.dma_semaphore, #tpu.memory_space<semaphore_mem>>) src(%dma_wait3A_400 : memref<65536x80xf32, #tpu.memory_space<hbm>>) dst(%dma_wait3A_394 : memref<128x80xf32, #tpu.memory_space<vmem>>)
      %add3A_401 = arith.constant 11 : i32
      %add3A_402 = arith.addi %mul3A_14, %add3A_401 : i32
      %mul3A_403 = arith.constant 128 : i32
      %mul3A_404 = arith.muli %add3A_402, %mul3A_403 : i32
      %add3A_405 = arith.addi %mul3A_6, %mul3A_404 : i32
      %run_scoped3A_406 = arith.constant 1 : i32
      "tpu.region"() ({
        %run_scoped3A_520 = tpu.sem_alloc : memref<!tpu.dma_semaphore, #tpu.memory_space<semaphore_mem>>
        %dma_start3A_521 = arith.constant 0 : i32
        %dma_start3A_522 = arith.constant 0 : i32
        %dma_start3A_523 = tpu.memref_slice %arg6[%run_scoped3A_406, %dma_start3A_521, %dma_start3A_522] : memref<2x128x80xf32, #tpu.memory_space<vmem>> -> memref<1x128x80xf32, #tpu.memory_space<vmem>>
        %dma_start3A_524 = tpu.memref_squeeze %dma_start3A_523 : memref<1x128x80xf32, #tpu.memory_space<vmem>> -> memref<128x80xf32, #tpu.memory_space<vmem>>
        %dma_start3A_525 = arith.constant 0 : i32
        %dma_start3A_526 = tpu.memref_slice %arg4[%add3A_405, %dma_start3A_525] : memref<524288x80xf32, #tpu.memory_space<hbm>> -> memref<128x80xf32, #tpu.memory_space<hbm>>
        %dma_start3A_527 = arith.constant 0 : i32
        %dma_start3A_528 = tpu.memref_slice %arg4[%add3A_405, %dma_start3A_527] : memref<524288x80xf32, #tpu.memory_space<hbm>> -> memref<128x80xf32, #tpu.memory_space<hbm>>
        %dma_start3A_529 = arith.constant 0 : i32
        %dma_start3A_530 = arith.constant 0 : i32
        %dma_start3A_531 = tpu.memref_slice %arg6[%run_scoped3A_406, %dma_start3A_529, %dma_start3A_530] : memref<2x128x80xf32, #tpu.memory_space<vmem>> -> memref<1x128x80xf32, #tpu.memory_space<vmem>>
        %dma_start3A_532 = tpu.memref_squeeze %dma_start3A_531 : memref<1x128x80xf32, #tpu.memory_space<vmem>> -> memref<128x80xf32, #tpu.memory_space<vmem>>
        tpu.enqueue_dma source(%dma_start3A_532 : memref<128x80xf32, #tpu.memory_space<vmem>>) target(%dma_start3A_528 : memref<128x80xf32, #tpu.memory_space<hbm>>) target_semaphore(%run_scoped3A_520 : memref<!tpu.dma_semaphore, #tpu.memory_space<semaphore_mem>>)
        %dma_wait3A_533 = arith.constant 0 : i32
        %dma_wait3A_534 = arith.constant 0 : i32
        %dma_wait3A_535 = tpu.memref_slice %arg6[%run_scoped3A_406, %dma_wait3A_533, %dma_wait3A_534] : memref<2x128x80xf32, #tpu.memory_space<vmem>> -> memref<1x128x80xf32, #tpu.memory_space<vmem>>
        %dma_wait3A_536 = tpu.memref_squeeze %dma_wait3A_535 : memref<1x128x80xf32, #tpu.memory_space<vmem>> -> memref<128x80xf32, #tpu.memory_space<vmem>>
        %dma_wait3A_537 = arith.constant 0 : i32
        %dma_wait3A_538 = tpu.memref_slice %arg4[%add3A_405, %dma_wait3A_537] : memref<524288x80xf32, #tpu.memory_space<hbm>> -> memref<128x80xf32, #tpu.memory_space<hbm>>
        %dma_wait3A_539 = arith.constant 0 : i32
        %dma_wait3A_540 = tpu.memref_slice %arg4[%add3A_405, %dma_wait3A_539] : memref<524288x80xf32, #tpu.memory_space<hbm>> -> memref<128x80xf32, #tpu.memory_space<hbm>>
        %dma_wait3A_541 = arith.constant 0 : i32
        %dma_wait3A_542 = arith.constant 0 : i32
        %dma_wait3A_543 = tpu.memref_slice %arg6[%run_scoped3A_406, %dma_wait3A_541, %dma_wait3A_542] : memref<2x128x80xf32, #tpu.memory_space<vmem>> -> memref<1x128x80xf32, #tpu.memory_space<vmem>>
        %dma_wait3A_544 = tpu.memref_squeeze %dma_wait3A_543 : memref<1x128x80xf32, #tpu.memory_space<vmem>> -> memref<128x80xf32, #tpu.memory_space<vmem>>
        tpu.wait_dma2 semaphore(%run_scoped3A_520 : memref<!tpu.dma_semaphore, #tpu.memory_space<semaphore_mem>>) src(%dma_wait3A_544 : memref<128x80xf32, #tpu.memory_space<vmem>>) dst(%dma_wait3A_540 : memref<128x80xf32, #tpu.memory_space<hbm>>)
        tpu.yield
      }) : () -> ()
      %add3A_407 = arith.constant 12 : i32
      %add3A_408 = arith.addi %mul3A_14, %add3A_407 : i32
      %add3A_409 = arith.constant 1 : i32
      %add3A_410 = arith.addi %add3A_408, %add3A_409 : i32
      %dma_start3A_411 = arith.constant 1 : i32
      %dma_start3A_412 = arith.constant 0 : i32
      %dma_start3A_413 = arith.constant 0 : i32
      %dma_start3A_414 = tpu.memref_slice %arg6[%dma_start3A_411, %dma_start3A_412, %dma_start3A_413] : memref<2x128x80xf32, #tpu.memory_space<vmem>> -> memref<1x128x80xf32, #tpu.memory_space<vmem>>
      %dma_start3A_415 = tpu.memref_squeeze %dma_start3A_414 : memref<1x128x80xf32, #tpu.memory_space<vmem>> -> memref<128x80xf32, #tpu.memory_space<vmem>>
      %dma_start3A_416 = arith.constant 0 : i32
      %dma_start3A_417 = tpu.memref_slice %arg5[%add3A_410, %dma_start3A_416] : memref<128x128xi32, #tpu.memory_space<vmem>> -> memref<1x128xi32, #tpu.memory_space<vmem>>
      %dma_start3A_418 = tpu.memref_squeeze %dma_start3A_417 : memref<1x128xi32, #tpu.memory_space<vmem>> -> memref<128xi32, #tpu.memory_space<vmem>>
      %dma_start3A_419 = arith.constant 0 : i32
      %dma_start3A_420 = arith.constant 0 : i32
      %dma_start3A_421 = tpu.memref_slice %arg2[%dma_start3A_419, %dma_start3A_420] : memref<65536x80xf32, #tpu.memory_space<hbm>> -> memref<65536x80xf32, #tpu.memory_space<hbm>>
      tpu.enqueue_indirect_dma source(%dma_start3A_421 : memref<65536x80xf32, #tpu.memory_space<hbm>>) target(%dma_start3A_415 : memref<128x80xf32, #tpu.memory_space<vmem>>) offsets(%dma_start3A_418 : memref<128xi32, #tpu.memory_space<vmem>>) semaphore(%arg8 : memref<!tpu.dma_semaphore, #tpu.memory_space<semaphore_mem>>)
      %dma_wait3A_422 = arith.constant 0 : i32
      %dma_wait3A_423 = arith.constant 0 : i32
      %dma_wait3A_424 = arith.constant 0 : i32
      %dma_wait3A_425 = tpu.memref_slice %arg6[%dma_wait3A_422, %dma_wait3A_423, %dma_wait3A_424] : memref<2x128x80xf32, #tpu.memory_space<vmem>> -> memref<1x128x80xf32, #tpu.memory_space<vmem>>
      %dma_wait3A_426 = tpu.memref_squeeze %dma_wait3A_425 : memref<1x128x80xf32, #tpu.memory_space<vmem>> -> memref<128x80xf32, #tpu.memory_space<vmem>>
      %dma_wait3A_427 = arith.constant 0 : i32
      %dma_wait3A_428 = tpu.memref_slice %arg5[%add3A_378, %dma_wait3A_427] : memref<128x128xi32, #tpu.memory_space<vmem>> -> memref<1x128xi32, #tpu.memory_space<vmem>>
      %dma_wait3A_429 = tpu.memref_squeeze %dma_wait3A_428 : memref<1x128xi32, #tpu.memory_space<vmem>> -> memref<128xi32, #tpu.memory_space<vmem>>
      %dma_wait3A_430 = arith.constant 0 : i32
      %dma_wait3A_431 = arith.constant 0 : i32
      %dma_wait3A_432 = tpu.memref_slice %arg2[%dma_wait3A_430, %dma_wait3A_431] : memref<65536x80xf32, #tpu.memory_space<hbm>> -> memref<65536x80xf32, #tpu.memory_space<hbm>>
      tpu.wait_indirect_dma semaphore(%arg7 : memref<!tpu.dma_semaphore, #tpu.memory_space<semaphore_mem>>) src(%dma_wait3A_432 : memref<65536x80xf32, #tpu.memory_space<hbm>>) dst(%dma_wait3A_426 : memref<128x80xf32, #tpu.memory_space<vmem>>)
      %add3A_433 = arith.constant 12 : i32
      %add3A_434 = arith.addi %mul3A_14, %add3A_433 : i32
      %mul3A_435 = arith.constant 128 : i32
      %mul3A_436 = arith.muli %add3A_434, %mul3A_435 : i32
      %add3A_437 = arith.addi %mul3A_6, %mul3A_436 : i32
      %run_scoped3A_438 = arith.constant 0 : i32
      "tpu.region"() ({
        %run_scoped3A_520 = tpu.sem_alloc : memref<!tpu.dma_semaphore, #tpu.memory_space<semaphore_mem>>
        %dma_start3A_521 = arith.constant 0 : i32
        %dma_start3A_522 = arith.constant 0 : i32
        %dma_start3A_523 = tpu.memref_slice %arg6[%run_scoped3A_438, %dma_start3A_521, %dma_start3A_522] : memref<2x128x80xf32, #tpu.memory_space<vmem>> -> memref<1x128x80xf32, #tpu.memory_space<vmem>>
        %dma_start3A_524 = tpu.memref_squeeze %dma_start3A_523 : memref<1x128x80xf32, #tpu.memory_space<vmem>> -> memref<128x80xf32, #tpu.memory_space<vmem>>
        %dma_start3A_525 = arith.constant 0 : i32
        %dma_start3A_526 = tpu.memref_slice %arg4[%add3A_437, %dma_start3A_525] : memref<524288x80xf32, #tpu.memory_space<hbm>> -> memref<128x80xf32, #tpu.memory_space<hbm>>
        %dma_start3A_527 = arith.constant 0 : i32
        %dma_start3A_528 = tpu.memref_slice %arg4[%add3A_437, %dma_start3A_527] : memref<524288x80xf32, #tpu.memory_space<hbm>> -> memref<128x80xf32, #tpu.memory_space<hbm>>
        %dma_start3A_529 = arith.constant 0 : i32
        %dma_start3A_530 = arith.constant 0 : i32
        %dma_start3A_531 = tpu.memref_slice %arg6[%run_scoped3A_438, %dma_start3A_529, %dma_start3A_530] : memref<2x128x80xf32, #tpu.memory_space<vmem>> -> memref<1x128x80xf32, #tpu.memory_space<vmem>>
        %dma_start3A_532 = tpu.memref_squeeze %dma_start3A_531 : memref<1x128x80xf32, #tpu.memory_space<vmem>> -> memref<128x80xf32, #tpu.memory_space<vmem>>
        tpu.enqueue_dma source(%dma_start3A_532 : memref<128x80xf32, #tpu.memory_space<vmem>>) target(%dma_start3A_528 : memref<128x80xf32, #tpu.memory_space<hbm>>) target_semaphore(%run_scoped3A_520 : memref<!tpu.dma_semaphore, #tpu.memory_space<semaphore_mem>>)
        %dma_wait3A_533 = arith.constant 0 : i32
        %dma_wait3A_534 = arith.constant 0 : i32
        %dma_wait3A_535 = tpu.memref_slice %arg6[%run_scoped3A_438, %dma_wait3A_533, %dma_wait3A_534] : memref<2x128x80xf32, #tpu.memory_space<vmem>> -> memref<1x128x80xf32, #tpu.memory_space<vmem>>
        %dma_wait3A_536 = tpu.memref_squeeze %dma_wait3A_535 : memref<1x128x80xf32, #tpu.memory_space<vmem>> -> memref<128x80xf32, #tpu.memory_space<vmem>>
        %dma_wait3A_537 = arith.constant 0 : i32
        %dma_wait3A_538 = tpu.memref_slice %arg4[%add3A_437, %dma_wait3A_537] : memref<524288x80xf32, #tpu.memory_space<hbm>> -> memref<128x80xf32, #tpu.memory_space<hbm>>
        %dma_wait3A_539 = arith.constant 0 : i32
        %dma_wait3A_540 = tpu.memref_slice %arg4[%add3A_437, %dma_wait3A_539] : memref<524288x80xf32, #tpu.memory_space<hbm>> -> memref<128x80xf32, #tpu.memory_space<hbm>>
        %dma_wait3A_541 = arith.constant 0 : i32
        %dma_wait3A_542 = arith.constant 0 : i32
        %dma_wait3A_543 = tpu.memref_slice %arg6[%run_scoped3A_438, %dma_wait3A_541, %dma_wait3A_542] : memref<2x128x80xf32, #tpu.memory_space<vmem>> -> memref<1x128x80xf32, #tpu.memory_space<vmem>>
        %dma_wait3A_544 = tpu.memref_squeeze %dma_wait3A_543 : memref<1x128x80xf32, #tpu.memory_space<vmem>> -> memref<128x80xf32, #tpu.memory_space<vmem>>
        tpu.wait_dma2 semaphore(%run_scoped3A_520 : memref<!tpu.dma_semaphore, #tpu.memory_space<semaphore_mem>>) src(%dma_wait3A_544 : memref<128x80xf32, #tpu.memory_space<vmem>>) dst(%dma_wait3A_540 : memref<128x80xf32, #tpu.memory_space<hbm>>)
        tpu.yield
      }) : () -> ()
      %add3A_439 = arith.constant 13 : i32
      %add3A_440 = arith.addi %mul3A_14, %add3A_439 : i32
      %add3A_441 = arith.constant 1 : i32
      %add3A_442 = arith.addi %add3A_440, %add3A_441 : i32
      %dma_start3A_443 = arith.constant 0 : i32
      %dma_start3A_444 = arith.constant 0 : i32
      %dma_start3A_445 = arith.constant 0 : i32
      %dma_start3A_446 = tpu.memref_slice %arg6[%dma_start3A_443, %dma_start3A_444, %dma_start3A_445] : memref<2x128x80xf32, #tpu.memory_space<vmem>> -> memref<1x128x80xf32, #tpu.memory_space<vmem>>
      %dma_start3A_447 = tpu.memref_squeeze %dma_start3A_446 : memref<1x128x80xf32, #tpu.memory_space<vmem>> -> memref<128x80xf32, #tpu.memory_space<vmem>>
      %dma_start3A_448 = arith.constant 0 : i32
      %dma_start3A_449 = tpu.memref_slice %arg5[%add3A_442, %dma_start3A_448] : memref<128x128xi32, #tpu.memory_space<vmem>> -> memref<1x128xi32, #tpu.memory_space<vmem>>
      %dma_start3A_450 = tpu.memref_squeeze %dma_start3A_449 : memref<1x128xi32, #tpu.memory_space<vmem>> -> memref<128xi32, #tpu.memory_space<vmem>>
      %dma_start3A_451 = arith.constant 0 : i32
      %dma_start3A_452 = arith.constant 0 : i32
      %dma_start3A_453 = tpu.memref_slice %arg2[%dma_start3A_451, %dma_start3A_452] : memref<65536x80xf32, #tpu.memory_space<hbm>> -> memref<65536x80xf32, #tpu.memory_space<hbm>>
      tpu.enqueue_indirect_dma source(%dma_start3A_453 : memref<65536x80xf32, #tpu.memory_space<hbm>>) target(%dma_start3A_447 : memref<128x80xf32, #tpu.memory_space<vmem>>) offsets(%dma_start3A_450 : memref<128xi32, #tpu.memory_space<vmem>>) semaphore(%arg7 : memref<!tpu.dma_semaphore, #tpu.memory_space<semaphore_mem>>)
      %dma_wait3A_454 = arith.constant 1 : i32
      %dma_wait3A_455 = arith.constant 0 : i32
      %dma_wait3A_456 = arith.constant 0 : i32
      %dma_wait3A_457 = tpu.memref_slice %arg6[%dma_wait3A_454, %dma_wait3A_455, %dma_wait3A_456] : memref<2x128x80xf32, #tpu.memory_space<vmem>> -> memref<1x128x80xf32, #tpu.memory_space<vmem>>
      %dma_wait3A_458 = tpu.memref_squeeze %dma_wait3A_457 : memref<1x128x80xf32, #tpu.memory_space<vmem>> -> memref<128x80xf32, #tpu.memory_space<vmem>>
      %dma_wait3A_459 = arith.constant 0 : i32
      %dma_wait3A_460 = tpu.memref_slice %arg5[%add3A_410, %dma_wait3A_459] : memref<128x128xi32, #tpu.memory_space<vmem>> -> memref<1x128xi32, #tpu.memory_space<vmem>>
      %dma_wait3A_461 = tpu.memref_squeeze %dma_wait3A_460 : memref<1x128xi32, #tpu.memory_space<vmem>> -> memref<128xi32, #tpu.memory_space<vmem>>
      %dma_wait3A_462 = arith.constant 0 : i32
      %dma_wait3A_463 = arith.constant 0 : i32
      %dma_wait3A_464 = tpu.memref_slice %arg2[%dma_wait3A_462, %dma_wait3A_463] : memref<65536x80xf32, #tpu.memory_space<hbm>> -> memref<65536x80xf32, #tpu.memory_space<hbm>>
      tpu.wait_indirect_dma semaphore(%arg8 : memref<!tpu.dma_semaphore, #tpu.memory_space<semaphore_mem>>) src(%dma_wait3A_464 : memref<65536x80xf32, #tpu.memory_space<hbm>>) dst(%dma_wait3A_458 : memref<128x80xf32, #tpu.memory_space<vmem>>)
      %add3A_465 = arith.constant 13 : i32
      %add3A_466 = arith.addi %mul3A_14, %add3A_465 : i32
      %mul3A_467 = arith.constant 128 : i32
      %mul3A_468 = arith.muli %add3A_466, %mul3A_467 : i32
      %add3A_469 = arith.addi %mul3A_6, %mul3A_468 : i32
      %run_scoped3A_470 = arith.constant 1 : i32
      "tpu.region"() ({
        %run_scoped3A_520 = tpu.sem_alloc : memref<!tpu.dma_semaphore, #tpu.memory_space<semaphore_mem>>
        %dma_start3A_521 = arith.constant 0 : i32
        %dma_start3A_522 = arith.constant 0 : i32
        %dma_start3A_523 = tpu.memref_slice %arg6[%run_scoped3A_470, %dma_start3A_521, %dma_start3A_522] : memref<2x128x80xf32, #tpu.memory_space<vmem>> -> memref<1x128x80xf32, #tpu.memory_space<vmem>>
        %dma_start3A_524 = tpu.memref_squeeze %dma_start3A_523 : memref<1x128x80xf32, #tpu.memory_space<vmem>> -> memref<128x80xf32, #tpu.memory_space<vmem>>
        %dma_start3A_525 = arith.constant 0 : i32
        %dma_start3A_526 = tpu.memref_slice %arg4[%add3A_469, %dma_start3A_525] : memref<524288x80xf32, #tpu.memory_space<hbm>> -> memref<128x80xf32, #tpu.memory_space<hbm>>
        %dma_start3A_527 = arith.constant 0 : i32
        %dma_start3A_528 = tpu.memref_slice %arg4[%add3A_469, %dma_start3A_527] : memref<524288x80xf32, #tpu.memory_space<hbm>> -> memref<128x80xf32, #tpu.memory_space<hbm>>
        %dma_start3A_529 = arith.constant 0 : i32
        %dma_start3A_530 = arith.constant 0 : i32
        %dma_start3A_531 = tpu.memref_slice %arg6[%run_scoped3A_470, %dma_start3A_529, %dma_start3A_530] : memref<2x128x80xf32, #tpu.memory_space<vmem>> -> memref<1x128x80xf32, #tpu.memory_space<vmem>>
        %dma_start3A_532 = tpu.memref_squeeze %dma_start3A_531 : memref<1x128x80xf32, #tpu.memory_space<vmem>> -> memref<128x80xf32, #tpu.memory_space<vmem>>
        tpu.enqueue_dma source(%dma_start3A_532 : memref<128x80xf32, #tpu.memory_space<vmem>>) target(%dma_start3A_528 : memref<128x80xf32, #tpu.memory_space<hbm>>) target_semaphore(%run_scoped3A_520 : memref<!tpu.dma_semaphore, #tpu.memory_space<semaphore_mem>>)
        %dma_wait3A_533 = arith.constant 0 : i32
        %dma_wait3A_534 = arith.constant 0 : i32
        %dma_wait3A_535 = tpu.memref_slice %arg6[%run_scoped3A_470, %dma_wait3A_533, %dma_wait3A_534] : memref<2x128x80xf32, #tpu.memory_space<vmem>> -> memref<1x128x80xf32, #tpu.memory_space<vmem>>
        %dma_wait3A_536 = tpu.memref_squeeze %dma_wait3A_535 : memref<1x128x80xf32, #tpu.memory_space<vmem>> -> memref<128x80xf32, #tpu.memory_space<vmem>>
        %dma_wait3A_537 = arith.constant 0 : i32
        %dma_wait3A_538 = tpu.memref_slice %arg4[%add3A_469, %dma_wait3A_537] : memref<524288x80xf32, #tpu.memory_space<hbm>> -> memref<128x80xf32, #tpu.memory_space<hbm>>
        %dma_wait3A_539 = arith.constant 0 : i32
        %dma_wait3A_540 = tpu.memref_slice %arg4[%add3A_469, %dma_wait3A_539] : memref<524288x80xf32, #tpu.memory_space<hbm>> -> memref<128x80xf32, #tpu.memory_space<hbm>>
        %dma_wait3A_541 = arith.constant 0 : i32
        %dma_wait3A_542 = arith.constant 0 : i32
        %dma_wait3A_543 = tpu.memref_slice %arg6[%run_scoped3A_470, %dma_wait3A_541, %dma_wait3A_542] : memref<2x128x80xf32, #tpu.memory_space<vmem>> -> memref<1x128x80xf32, #tpu.memory_space<vmem>>
        %dma_wait3A_544 = tpu.memref_squeeze %dma_wait3A_543 : memref<1x128x80xf32, #tpu.memory_space<vmem>> -> memref<128x80xf32, #tpu.memory_space<vmem>>
        tpu.wait_dma2 semaphore(%run_scoped3A_520 : memref<!tpu.dma_semaphore, #tpu.memory_space<semaphore_mem>>) src(%dma_wait3A_544 : memref<128x80xf32, #tpu.memory_space<vmem>>) dst(%dma_wait3A_540 : memref<128x80xf32, #tpu.memory_space<hbm>>)
        tpu.yield
      }) : () -> ()
      %add3A_471 = arith.constant 14 : i32
      %add3A_472 = arith.addi %mul3A_14, %add3A_471 : i32
      %add3A_473 = arith.constant 1 : i32
      %add3A_474 = arith.addi %add3A_472, %add3A_473 : i32
      %dma_start3A_475 = arith.constant 1 : i32
      %dma_start3A_476 = arith.constant 0 : i32
      %dma_start3A_477 = arith.constant 0 : i32
      %dma_start3A_478 = tpu.memref_slice %arg6[%dma_start3A_475, %dma_start3A_476, %dma_start3A_477] : memref<2x128x80xf32, #tpu.memory_space<vmem>> -> memref<1x128x80xf32, #tpu.memory_space<vmem>>
      %dma_start3A_479 = tpu.memref_squeeze %dma_start3A_478 : memref<1x128x80xf32, #tpu.memory_space<vmem>> -> memref<128x80xf32, #tpu.memory_space<vmem>>
      %dma_start3A_480 = arith.constant 0 : i32
      %dma_start3A_481 = tpu.memref_slice %arg5[%add3A_474, %dma_start3A_480] : memref<128x128xi32, #tpu.memory_space<vmem>> -> memref<1x128xi32, #tpu.memory_space<vmem>>
      %dma_start3A_482 = tpu.memref_squeeze %dma_start3A_481 : memref<1x128xi32, #tpu.memory_space<vmem>> -> memref<128xi32, #tpu.memory_space<vmem>>
      %dma_start3A_483 = arith.constant 0 : i32
      %dma_start3A_484 = arith.constant 0 : i32
      %dma_start3A_485 = tpu.memref_slice %arg2[%dma_start3A_483, %dma_start3A_484] : memref<65536x80xf32, #tpu.memory_space<hbm>> -> memref<65536x80xf32, #tpu.memory_space<hbm>>
      tpu.enqueue_indirect_dma source(%dma_start3A_485 : memref<65536x80xf32, #tpu.memory_space<hbm>>) target(%dma_start3A_479 : memref<128x80xf32, #tpu.memory_space<vmem>>) offsets(%dma_start3A_482 : memref<128xi32, #tpu.memory_space<vmem>>) semaphore(%arg8 : memref<!tpu.dma_semaphore, #tpu.memory_space<semaphore_mem>>)
      %dma_wait3A_486 = arith.constant 0 : i32
      %dma_wait3A_487 = arith.constant 0 : i32
      %dma_wait3A_488 = arith.constant 0 : i32
      %dma_wait3A_489 = tpu.memref_slice %arg6[%dma_wait3A_486, %dma_wait3A_487, %dma_wait3A_488] : memref<2x128x80xf32, #tpu.memory_space<vmem>> -> memref<1x128x80xf32, #tpu.memory_space<vmem>>
      %dma_wait3A_490 = tpu.memref_squeeze %dma_wait3A_489 : memref<1x128x80xf32, #tpu.memory_space<vmem>> -> memref<128x80xf32, #tpu.memory_space<vmem>>
      %dma_wait3A_491 = arith.constant 0 : i32
      %dma_wait3A_492 = tpu.memref_slice %arg5[%add3A_442, %dma_wait3A_491] : memref<128x128xi32, #tpu.memory_space<vmem>> -> memref<1x128xi32, #tpu.memory_space<vmem>>
      %dma_wait3A_493 = tpu.memref_squeeze %dma_wait3A_492 : memref<1x128xi32, #tpu.memory_space<vmem>> -> memref<128xi32, #tpu.memory_space<vmem>>
      %dma_wait3A_494 = arith.constant 0 : i32
      %dma_wait3A_495 = arith.constant 0 : i32
      %dma_wait3A_496 = tpu.memref_slice %arg2[%dma_wait3A_494, %dma_wait3A_495] : memref<65536x80xf32, #tpu.memory_space<hbm>> -> memref<65536x80xf32, #tpu.memory_space<hbm>>
      tpu.wait_indirect_dma semaphore(%arg7 : memref<!tpu.dma_semaphore, #tpu.memory_space<semaphore_mem>>) src(%dma_wait3A_496 : memref<65536x80xf32, #tpu.memory_space<hbm>>) dst(%dma_wait3A_490 : memref<128x80xf32, #tpu.memory_space<vmem>>)
      %add3A_497 = arith.constant 14 : i32
      %add3A_498 = arith.addi %mul3A_14, %add3A_497 : i32
      %mul3A_499 = arith.constant 128 : i32
      %mul3A_500 = arith.muli %add3A_498, %mul3A_499 : i32
      %add3A_501 = arith.addi %mul3A_6, %mul3A_500 : i32
      %run_scoped3A_502 = arith.constant 0 : i32
      "tpu.region"() ({
        %run_scoped3A_520 = tpu.sem_alloc : memref<!tpu.dma_semaphore, #tpu.memory_space<semaphore_mem>>
        %dma_start3A_521 = arith.constant 0 : i32
        %dma_start3A_522 = arith.constant 0 : i32
        %dma_start3A_523 = tpu.memref_slice %arg6[%run_scoped3A_502, %dma_start3A_521, %dma_start3A_522] : memref<2x128x80xf32, #tpu.memory_space<vmem>> -> memref<1x128x80xf32, #tpu.memory_space<vmem>>
        %dma_start3A_524 = tpu.memref_squeeze %dma_start3A_523 : memref<1x128x80xf32, #tpu.memory_space<vmem>> -> memref<128x80xf32, #tpu.memory_space<vmem>>
        %dma_start3A_525 = arith.constant 0 : i32
        %dma_start3A_526 = tpu.memref_slice %arg4[%add3A_501, %dma_start3A_525] : memref<524288x80xf32, #tpu.memory_space<hbm>> -> memref<128x80xf32, #tpu.memory_space<hbm>>
        %dma_start3A_527 = arith.constant 0 : i32
        %dma_start3A_528 = tpu.memref_slice %arg4[%add3A_501, %dma_start3A_527] : memref<524288x80xf32, #tpu.memory_space<hbm>> -> memref<128x80xf32, #tpu.memory_space<hbm>>
        %dma_start3A_529 = arith.constant 0 : i32
        %dma_start3A_530 = arith.constant 0 : i32
        %dma_start3A_531 = tpu.memref_slice %arg6[%run_scoped3A_502, %dma_start3A_529, %dma_start3A_530] : memref<2x128x80xf32, #tpu.memory_space<vmem>> -> memref<1x128x80xf32, #tpu.memory_space<vmem>>
        %dma_start3A_532 = tpu.memref_squeeze %dma_start3A_531 : memref<1x128x80xf32, #tpu.memory_space<vmem>> -> memref<128x80xf32, #tpu.memory_space<vmem>>
        tpu.enqueue_dma source(%dma_start3A_532 : memref<128x80xf32, #tpu.memory_space<vmem>>) target(%dma_start3A_528 : memref<128x80xf32, #tpu.memory_space<hbm>>) target_semaphore(%run_scoped3A_520 : memref<!tpu.dma_semaphore, #tpu.memory_space<semaphore_mem>>)
        %dma_wait3A_533 = arith.constant 0 : i32
        %dma_wait3A_534 = arith.constant 0 : i32
        %dma_wait3A_535 = tpu.memref_slice %arg6[%run_scoped3A_502, %dma_wait3A_533, %dma_wait3A_534] : memref<2x128x80xf32, #tpu.memory_space<vmem>> -> memref<1x128x80xf32, #tpu.memory_space<vmem>>
        %dma_wait3A_536 = tpu.memref_squeeze %dma_wait3A_535 : memref<1x128x80xf32, #tpu.memory_space<vmem>> -> memref<128x80xf32, #tpu.memory_space<vmem>>
        %dma_wait3A_537 = arith.constant 0 : i32
        %dma_wait3A_538 = tpu.memref_slice %arg4[%add3A_501, %dma_wait3A_537] : memref<524288x80xf32, #tpu.memory_space<hbm>> -> memref<128x80xf32, #tpu.memory_space<hbm>>
        %dma_wait3A_539 = arith.constant 0 : i32
        %dma_wait3A_540 = tpu.memref_slice %arg4[%add3A_501, %dma_wait3A_539] : memref<524288x80xf32, #tpu.memory_space<hbm>> -> memref<128x80xf32, #tpu.memory_space<hbm>>
        %dma_wait3A_541 = arith.constant 0 : i32
        %dma_wait3A_542 = arith.constant 0 : i32
        %dma_wait3A_543 = tpu.memref_slice %arg6[%run_scoped3A_502, %dma_wait3A_541, %dma_wait3A_542] : memref<2x128x80xf32, #tpu.memory_space<vmem>> -> memref<1x128x80xf32, #tpu.memory_space<vmem>>
        %dma_wait3A_544 = tpu.memref_squeeze %dma_wait3A_543 : memref<1x128x80xf32, #tpu.memory_space<vmem>> -> memref<128x80xf32, #tpu.memory_space<vmem>>
        tpu.wait_dma2 semaphore(%run_scoped3A_520 : memref<!tpu.dma_semaphore, #tpu.memory_space<semaphore_mem>>) src(%dma_wait3A_544 : memref<128x80xf32, #tpu.memory_space<vmem>>) dst(%dma_wait3A_540 : memref<128x80xf32, #tpu.memory_space<hbm>>)
        tpu.yield
      }) : () -> ()
      %dma_wait3A_503 = arith.constant 1 : i32
      %dma_wait3A_504 = arith.constant 0 : i32
      %dma_wait3A_505 = arith.constant 0 : i32
      %dma_wait3A_506 = tpu.memref_slice %arg6[%dma_wait3A_503, %dma_wait3A_504, %dma_wait3A_505] : memref<2x128x80xf32, #tpu.memory_space<vmem>> -> memref<1x128x80xf32, #tpu.memory_space<vmem>>
      %dma_wait3A_507 = tpu.memref_squeeze %dma_wait3A_506 : memref<1x128x80xf32, #tpu.memory_space<vmem>> -> memref<128x80xf32, #tpu.memory_space<vmem>>
      %dma_wait3A_508 = arith.constant 0 : i32
      %dma_wait3A_509 = tpu.memref_slice %arg5[%add3A_474, %dma_wait3A_508] : memref<128x128xi32, #tpu.memory_space<vmem>> -> memref<1x128xi32, #tpu.memory_space<vmem>>
      %dma_wait3A_510 = tpu.memref_squeeze %dma_wait3A_509 : memref<1x128xi32, #tpu.memory_space<vmem>> -> memref<128xi32, #tpu.memory_space<vmem>>
      %dma_wait3A_511 = arith.constant 0 : i32
      %dma_wait3A_512 = arith.constant 0 : i32
      %dma_wait3A_513 = tpu.memref_slice %arg2[%dma_wait3A_511, %dma_wait3A_512] : memref<65536x80xf32, #tpu.memory_space<hbm>> -> memref<65536x80xf32, #tpu.memory_space<hbm>>
      tpu.wait_indirect_dma semaphore(%arg8 : memref<!tpu.dma_semaphore, #tpu.memory_space<semaphore_mem>>) src(%dma_wait3A_513 : memref<65536x80xf32, #tpu.memory_space<hbm>>) dst(%dma_wait3A_507 : memref<128x80xf32, #tpu.memory_space<vmem>>)
      %add3A_514 = arith.constant 15 : i32
      %add3A_515 = arith.addi %mul3A_14, %add3A_514 : i32
      %mul3A_516 = arith.constant 128 : i32
      %mul3A_517 = arith.muli %add3A_515, %mul3A_516 : i32
      %add3A_518 = arith.addi %mul3A_6, %mul3A_517 : i32
      %run_scoped3A_519 = arith.constant 1 : i32
      "tpu.region"() ({
        %run_scoped3A_520 = tpu.sem_alloc : memref<!tpu.dma_semaphore, #tpu.memory_space<semaphore_mem>>
        %dma_start3A_521 = arith.constant 0 : i32
        %dma_start3A_522 = arith.constant 0 : i32
        %dma_start3A_523 = tpu.memref_slice %arg6[%run_scoped3A_519, %dma_start3A_521, %dma_start3A_522] : memref<2x128x80xf32, #tpu.memory_space<vmem>> -> memref<1x128x80xf32, #tpu.memory_space<vmem>>
        %dma_start3A_524 = tpu.memref_squeeze %dma_start3A_523 : memref<1x128x80xf32, #tpu.memory_space<vmem>> -> memref<128x80xf32, #tpu.memory_space<vmem>>
        %dma_start3A_525 = arith.constant 0 : i32
        %dma_start3A_526 = tpu.memref_slice %arg4[%add3A_518, %dma_start3A_525] : memref<524288x80xf32, #tpu.memory_space<hbm>> -> memref<128x80xf32, #tpu.memory_space<hbm>>
        %dma_start3A_527 = arith.constant 0 : i32
        %dma_start3A_528 = tpu.memref_slice %arg4[%add3A_518, %dma_start3A_527] : memref<524288x80xf32, #tpu.memory_space<hbm>> -> memref<128x80xf32, #tpu.memory_space<hbm>>
        %dma_start3A_529 = arith.constant 0 : i32
        %dma_start3A_530 = arith.constant 0 : i32
        %dma_start3A_531 = tpu.memref_slice %arg6[%run_scoped3A_519, %dma_start3A_529, %dma_start3A_530] : memref<2x128x80xf32, #tpu.memory_space<vmem>> -> memref<1x128x80xf32, #tpu.memory_space<vmem>>
        %dma_start3A_532 = tpu.memref_squeeze %dma_start3A_531 : memref<1x128x80xf32, #tpu.memory_space<vmem>> -> memref<128x80xf32, #tpu.memory_space<vmem>>
        tpu.enqueue_dma source(%dma_start3A_532 : memref<128x80xf32, #tpu.memory_space<vmem>>) target(%dma_start3A_528 : memref<128x80xf32, #tpu.memory_space<hbm>>) target_semaphore(%run_scoped3A_520 : memref<!tpu.dma_semaphore, #tpu.memory_space<semaphore_mem>>)
        %dma_wait3A_533 = arith.constant 0 : i32
        %dma_wait3A_534 = arith.constant 0 : i32
        %dma_wait3A_535 = tpu.memref_slice %arg6[%run_scoped3A_519, %dma_wait3A_533, %dma_wait3A_534] : memref<2x128x80xf32, #tpu.memory_space<vmem>> -> memref<1x128x80xf32, #tpu.memory_space<vmem>>
        %dma_wait3A_536 = tpu.memref_squeeze %dma_wait3A_535 : memref<1x128x80xf32, #tpu.memory_space<vmem>> -> memref<128x80xf32, #tpu.memory_space<vmem>>
        %dma_wait3A_537 = arith.constant 0 : i32
        %dma_wait3A_538 = tpu.memref_slice %arg4[%add3A_518, %dma_wait3A_537] : memref<524288x80xf32, #tpu.memory_space<hbm>> -> memref<128x80xf32, #tpu.memory_space<hbm>>
        %dma_wait3A_539 = arith.constant 0 : i32
        %dma_wait3A_540 = tpu.memref_slice %arg4[%add3A_518, %dma_wait3A_539] : memref<524288x80xf32, #tpu.memory_space<hbm>> -> memref<128x80xf32, #tpu.memory_space<hbm>>
        %dma_wait3A_541 = arith.constant 0 : i32
        %dma_wait3A_542 = arith.constant 0 : i32
        %dma_wait3A_543 = tpu.memref_slice %arg6[%run_scoped3A_519, %dma_wait3A_541, %dma_wait3A_542] : memref<2x128x80xf32, #tpu.memory_space<vmem>> -> memref<1x128x80xf32, #tpu.memory_space<vmem>>
        %dma_wait3A_544 = tpu.memref_squeeze %dma_wait3A_543 : memref<1x128x80xf32, #tpu.memory_space<vmem>> -> memref<128x80xf32, #tpu.memory_space<vmem>>
        tpu.wait_dma2 semaphore(%run_scoped3A_520 : memref<!tpu.dma_semaphore, #tpu.memory_space<semaphore_mem>>) src(%dma_wait3A_544 : memref<128x80xf32, #tpu.memory_space<vmem>>) dst(%dma_wait3A_540 : memref<128x80xf32, #tpu.memory_space<hbm>>)
        tpu.yield
      }) : () -> ()
    }
    %scan3A_11 = arith.constant 8 : i32
    return
  }
}

module attributes {stable_mosaic.version = 14 : i64} {
  func.func @_topk_body(%arg0: i32, %arg1: i32, %arg2: memref<1x8192x8xf32, #tpu.memory_space<vmem>>, %arg3: memref<1x8x256xf32, #tpu.memory_space<vmem>>, %arg4: memref<1x32x256xi32, #tpu.memory_space<vmem>>, %arg5: memref<32x256xi32, #tpu.memory_space<vmem>>) attributes {dimension_semantics = [#tpu.dimension_semantics<arbitrary>, #tpu.dimension_semantics<arbitrary>], iteration_bounds = array<i64: 8, 8>, scalar_prefetch = 0 : i64, scratch_operands = 1 : i64, tpu.core_type = #tpu.core_type<tc>, window_params = [{transform_indices = @transform_0, window_bounds = array<i64: 1, 8192, 8>}, {transform_indices = @transform_1, window_bounds = array<i64: 1, 8, 256>}, {transform_indices = @transform_2, window_bounds = array<i64: 1, 32, 256>}]} {
    %get3A = arith.constant 0 : index
    %get3A_0 = arith.constant 0 : index
    %get3A_1 = arith.constant 0 : index
    %get3A_2 = vector.load %arg2[%get3A, %get3A_0, %get3A_1] : memref<1x8192x8xf32, #tpu.memory_space<vmem>>, vector<1x8192x8xf32>
    %get3A_3 = vector.shape_cast %get3A_2 : vector<1x8192x8xf32> to vector<8192x8xf32>
    %get3A_4 = arith.constant 0 : index
    %get3A_5 = arith.constant 0 : index
    %get3A_6 = arith.constant 0 : index
    %get3A_7 = vector.load %arg3[%get3A_4, %get3A_5, %get3A_6] : memref<1x8x256xf32, #tpu.memory_space<vmem>>, vector<1x8x256xf32>
    %get3A_8 = vector.shape_cast %get3A_7 : vector<1x8x256xf32> to vector<8x256xf32>
    %mul3A = arith.mulf %get3A_3, %get3A_3 : vector<8192x8xf32>
    %reduce_sum3A = arith.constant dense<0.000000e+00> : vector<8192xf32>
    %reduce_sum3A_9 = vector.multi_reduction <add>, %mul3A, %reduce_sum3A [1] : vector<8192x8xf32> to vector<8192xf32>
    %broadcast_in_dim3A = vector.shape_cast %reduce_sum3A_9 : vector<8192xf32> to vector<8192x1xf32>
    %mul3A_10 = arith.mulf %get3A_8, %get3A_8 : vector<8x256xf32>
    %reduce_sum3A_11 = arith.constant dense<0.000000e+00> : vector<256xf32>
    %reduce_sum3A_12 = vector.multi_reduction <add>, %mul3A_10, %reduce_sum3A_11 [0] : vector<8x256xf32> to vector<256xf32>
    %broadcast_in_dim3A_13 = vector.shape_cast %reduce_sum3A_12 : vector<256xf32> to vector<1x256xf32>
    %dot_general3A = arith.constant dense<0.000000e+00> : vector<8192x256xf32>
    %dot_general3A_14 = tpu.matmul %get3A_3, %get3A_8, %dot_general3A {dimension_numbers = #tpu.dot_dimension_numbers<[1], [0], [0], [1], [0, 0, 1, 1], [], []>, transpose_lhs_hint = false} : vector<8192x8xf32>, vector<8x256xf32>, vector<8192x256xf32> -> vector<8192x256xf32>
    %add3A = vector.broadcast %broadcast_in_dim3A : vector<8192x1xf32> to vector<8192x256xf32>
    %add3A_15 = vector.broadcast %broadcast_in_dim3A_13 : vector<1x256xf32> to vector<8192x256xf32>
    %add3A_16 = arith.addf %add3A, %add3A_15 : vector<8192x256xf32>
    %mul3A_17 = arith.constant 2.000000e+00 : f32
    %mul3A_18 = vector.broadcast %mul3A_17 : f32 to vector<8192x256xf32>
    %mul3A_19 = arith.mulf %mul3A_18, %dot_general3A_14 : vector<8192x256xf32>
    %sub3A = arith.subf %add3A_16, %mul3A_19 : vector<8192x256xf32>
    %max3A = arith.constant 0.000000e+00 : f32
    %max3A_20 = vector.broadcast %max3A : f32 to vector<8192x256xf32>
    %max3A_21 = arith.maximumf %sub3A, %max3A_20 : vector<8192x256xf32>
    %bitcast_convert_type3A = tpu.bitcast %max3A_21 : vector<8192x256xf32> -> vector<8192x256xi32>
    %iota3A = tpu.iota {dimensions = array<i32: 0>} : vector<8192x256xi32>
    %and3A = arith.constant -8192 : i32
    %and3A_22 = vector.broadcast %and3A : i32 to vector<8192x256xi32>
    %and3A_23 = arith.andi %bitcast_convert_type3A, %and3A_22 : vector<8192x256xi32>
    %or3A = arith.ori %and3A_23, %iota3A : vector<8192x256xi32>
    %mul3A_24 = arith.constant 8192 : i32
    %mul3A_25 = arith.muli %arg0, %mul3A_24 : i32
    %reshape3A = vector.shape_cast %or3A : vector<8192x256xi32> to vector<32x32x8x256xi32>
    %broadcast_in_dim3A_26 = arith.constant 2147483647 : i32
    %broadcast_in_dim3A_27 = vector.broadcast %broadcast_in_dim3A_26 : i32 to vector<32x8x256xi32>
    %slice3A = vector.extract_strided_slice %reshape3A {offsets = [0, 0, 0, 0], sizes = [32, 1, 8, 256], strides = [1, 1, 1, 1]} : vector<32x32x8x256xi32> to vector<32x1x8x256xi32>
    %squeeze3A = vector.shape_cast %slice3A : vector<32x1x8x256xi32> to vector<32x8x256xi32>
    %min3A = arith.minsi %broadcast_in_dim3A_27, %squeeze3A : vector<32x8x256xi32>
    %max3A_28 = arith.maxsi %broadcast_in_dim3A_27, %squeeze3A : vector<32x8x256xi32>
    %min3A_29 = arith.minsi %broadcast_in_dim3A_27, %max3A_28 : vector<32x8x256xi32>
    %max3A_30 = arith.maxsi %broadcast_in_dim3A_27, %max3A_28 : vector<32x8x256xi32>
    %min3A_31 = arith.minsi %broadcast_in_dim3A_27, %max3A_30 : vector<32x8x256xi32>
    %max3A_32 = arith.maxsi %broadcast_in_dim3A_27, %max3A_30 : vector<32x8x256xi32>
    %min3A_33 = arith.minsi %broadcast_in_dim3A_27, %max3A_32 : vector<32x8x256xi32>
    %slice3A_34 = vector.extract_strided_slice %reshape3A {offsets = [0, 1, 0, 0], sizes = [32, 1, 8, 256], strides = [1, 1, 1, 1]} : vector<32x32x8x256xi32> to vector<32x1x8x256xi32>
    %squeeze3A_35 = vector.shape_cast %slice3A_34 : vector<32x1x8x256xi32> to vector<32x8x256xi32>
    %min3A_36 = arith.minsi %min3A, %squeeze3A_35 : vector<32x8x256xi32>
    %max3A_37 = arith.maxsi %min3A, %squeeze3A_35 : vector<32x8x256xi32>
    %min3A_38 = arith.minsi %min3A_29, %max3A_37 : vector<32x8x256xi32>
    %max3A_39 = arith.maxsi %min3A_29, %max3A_37 : vector<32x8x256xi32>
    %min3A_40 = arith.minsi %min3A_31, %max3A_39 : vector<32x8x256xi32>
    %max3A_41 = arith.maxsi %min3A_31, %max3A_39 : vector<32x8x256xi32>
    %min3A_42 = arith.minsi %min3A_33, %max3A_41 : vector<32x8x256xi32>
    %slice3A_43 = vector.extract_strided_slice %reshape3A {offsets = [0, 2, 0, 0], sizes = [32, 1, 8, 256], strides = [1, 1, 1, 1]} : vector<32x32x8x256xi32> to vector<32x1x8x256xi32>
    %squeeze3A_44 = vector.shape_cast %slice3A_43 : vector<32x1x8x256xi32> to vector<32x8x256xi32>
    %min3A_45 = arith.minsi %min3A_36, %squeeze3A_44 : vector<32x8x256xi32>
    %max3A_46 = arith.maxsi %min3A_36, %squeeze3A_44 : vector<32x8x256xi32>
    %min3A_47 = arith.minsi %min3A_38, %max3A_46 : vector<32x8x256xi32>
    %max3A_48 = arith.maxsi %min3A_38, %max3A_46 : vector<32x8x256xi32>
    %min3A_49 = arith.minsi %min3A_40, %max3A_48 : vector<32x8x256xi32>
    %max3A_50 = arith.maxsi %min3A_40, %max3A_48 : vector<32x8x256xi32>
    %min3A_51 = arith.minsi %min3A_42, %max3A_50 : vector<32x8x256xi32>
    %slice3A_52 = vector.extract_strided_slice %reshape3A {offsets = [0, 3, 0, 0], sizes = [32, 1, 8, 256], strides = [1, 1, 1, 1]} : vector<32x32x8x256xi32> to vector<32x1x8x256xi32>
    %squeeze3A_53 = vector.shape_cast %slice3A_52 : vector<32x1x8x256xi32> to vector<32x8x256xi32>
    %min3A_54 = arith.minsi %min3A_45, %squeeze3A_53 : vector<32x8x256xi32>
    %max3A_55 = arith.maxsi %min3A_45, %squeeze3A_53 : vector<32x8x256xi32>
    %min3A_56 = arith.minsi %min3A_47, %max3A_55 : vector<32x8x256xi32>
    %max3A_57 = arith.maxsi %min3A_47, %max3A_55 : vector<32x8x256xi32>
    %min3A_58 = arith.minsi %min3A_49, %max3A_57 : vector<32x8x256xi32>
    %max3A_59 = arith.maxsi %min3A_49, %max3A_57 : vector<32x8x256xi32>
    %min3A_60 = arith.minsi %min3A_51, %max3A_59 : vector<32x8x256xi32>
    %slice3A_61 = vector.extract_strided_slice %reshape3A {offsets = [0, 4, 0, 0], sizes = [32, 1, 8, 256], strides = [1, 1, 1, 1]} : vector<32x32x8x256xi32> to vector<32x1x8x256xi32>
    %squeeze3A_62 = vector.shape_cast %slice3A_61 : vector<32x1x8x256xi32> to vector<32x8x256xi32>
    %min3A_63 = arith.minsi %min3A_54, %squeeze3A_62 : vector<32x8x256xi32>
    %max3A_64 = arith.maxsi %min3A_54, %squeeze3A_62 : vector<32x8x256xi32>
    %min3A_65 = arith.minsi %min3A_56, %max3A_64 : vector<32x8x256xi32>
    %max3A_66 = arith.maxsi %min3A_56, %max3A_64 : vector<32x8x256xi32>
    %min3A_67 = arith.minsi %min3A_58, %max3A_66 : vector<32x8x256xi32>
    %max3A_68 = arith.maxsi %min3A_58, %max3A_66 : vector<32x8x256xi32>
    %min3A_69 = arith.minsi %min3A_60, %max3A_68 : vector<32x8x256xi32>
    %slice3A_70 = vector.extract_strided_slice %reshape3A {offsets = [0, 5, 0, 0], sizes = [32, 1, 8, 256], strides = [1, 1, 1, 1]} : vector<32x32x8x256xi32> to vector<32x1x8x256xi32>
    %squeeze3A_71 = vector.shape_cast %slice3A_70 : vector<32x1x8x256xi32> to vector<32x8x256xi32>
    %min3A_72 = arith.minsi %min3A_63, %squeeze3A_71 : vector<32x8x256xi32>
    %max3A_73 = arith.maxsi %min3A_63, %squeeze3A_71 : vector<32x8x256xi32>
    %min3A_74 = arith.minsi %min3A_65, %max3A_73 : vector<32x8x256xi32>
    %max3A_75 = arith.maxsi %min3A_65, %max3A_73 : vector<32x8x256xi32>
    %min3A_76 = arith.minsi %min3A_67, %max3A_75 : vector<32x8x256xi32>
    %max3A_77 = arith.maxsi %min3A_67, %max3A_75 : vector<32x8x256xi32>
    %min3A_78 = arith.minsi %min3A_69, %max3A_77 : vector<32x8x256xi32>
    %slice3A_79 = vector.extract_strided_slice %reshape3A {offsets = [0, 6, 0, 0], sizes = [32, 1, 8, 256], strides = [1, 1, 1, 1]} : vector<32x32x8x256xi32> to vector<32x1x8x256xi32>
    %squeeze3A_80 = vector.shape_cast %slice3A_79 : vector<32x1x8x256xi32> to vector<32x8x256xi32>
    %min3A_81 = arith.minsi %min3A_72, %squeeze3A_80 : vector<32x8x256xi32>
    %max3A_82 = arith.maxsi %min3A_72, %squeeze3A_80 : vector<32x8x256xi32>
    %min3A_83 = arith.minsi %min3A_74, %max3A_82 : vector<32x8x256xi32>
    %max3A_84 = arith.maxsi %min3A_74, %max3A_82 : vector<32x8x256xi32>
    %min3A_85 = arith.minsi %min3A_76, %max3A_84 : vector<32x8x256xi32>
    %max3A_86 = arith.maxsi %min3A_76, %max3A_84 : vector<32x8x256xi32>
    %min3A_87 = arith.minsi %min3A_78, %max3A_86 : vector<32x8x256xi32>
    %slice3A_88 = vector.extract_strided_slice %reshape3A {offsets = [0, 7, 0, 0], sizes = [32, 1, 8, 256], strides = [1, 1, 1, 1]} : vector<32x32x8x256xi32> to vector<32x1x8x256xi32>
    %squeeze3A_89 = vector.shape_cast %slice3A_88 : vector<32x1x8x256xi32> to vector<32x8x256xi32>
    %min3A_90 = arith.minsi %min3A_81, %squeeze3A_89 : vector<32x8x256xi32>
    %max3A_91 = arith.maxsi %min3A_81, %squeeze3A_89 : vector<32x8x256xi32>
    %min3A_92 = arith.minsi %min3A_83, %max3A_91 : vector<32x8x256xi32>
    %max3A_93 = arith.maxsi %min3A_83, %max3A_91 : vector<32x8x256xi32>
    %min3A_94 = arith.minsi %min3A_85, %max3A_93 : vector<32x8x256xi32>
    %max3A_95 = arith.maxsi %min3A_85, %max3A_93 : vector<32x8x256xi32>
    %min3A_96 = arith.minsi %min3A_87, %max3A_95 : vector<32x8x256xi32>
    %slice3A_97 = vector.extract_strided_slice %reshape3A {offsets = [0, 8, 0, 0], sizes = [32, 1, 8, 256], strides = [1, 1, 1, 1]} : vector<32x32x8x256xi32> to vector<32x1x8x256xi32>
    %squeeze3A_98 = vector.shape_cast %slice3A_97 : vector<32x1x8x256xi32> to vector<32x8x256xi32>
    %min3A_99 = arith.minsi %min3A_90, %squeeze3A_98 : vector<32x8x256xi32>
    %max3A_100 = arith.maxsi %min3A_90, %squeeze3A_98 : vector<32x8x256xi32>
    %min3A_101 = arith.minsi %min3A_92, %max3A_100 : vector<32x8x256xi32>
    %max3A_102 = arith.maxsi %min3A_92, %max3A_100 : vector<32x8x256xi32>
    %min3A_103 = arith.minsi %min3A_94, %max3A_102 : vector<32x8x256xi32>
    %max3A_104 = arith.maxsi %min3A_94, %max3A_102 : vector<32x8x256xi32>
    %min3A_105 = arith.minsi %min3A_96, %max3A_104 : vector<32x8x256xi32>
    %slice3A_106 = vector.extract_strided_slice %reshape3A {offsets = [0, 9, 0, 0], sizes = [32, 1, 8, 256], strides = [1, 1, 1, 1]} : vector<32x32x8x256xi32> to vector<32x1x8x256xi32>
    %squeeze3A_107 = vector.shape_cast %slice3A_106 : vector<32x1x8x256xi32> to vector<32x8x256xi32>
    %min3A_108 = arith.minsi %min3A_99, %squeeze3A_107 : vector<32x8x256xi32>
    %max3A_109 = arith.maxsi %min3A_99, %squeeze3A_107 : vector<32x8x256xi32>
    %min3A_110 = arith.minsi %min3A_101, %max3A_109 : vector<32x8x256xi32>
    %max3A_111 = arith.maxsi %min3A_101, %max3A_109 : vector<32x8x256xi32>
    %min3A_112 = arith.minsi %min3A_103, %max3A_111 : vector<32x8x256xi32>
    %max3A_113 = arith.maxsi %min3A_103, %max3A_111 : vector<32x8x256xi32>
    %min3A_114 = arith.minsi %min3A_105, %max3A_113 : vector<32x8x256xi32>
    %slice3A_115 = vector.extract_strided_slice %reshape3A {offsets = [0, 10, 0, 0], sizes = [32, 1, 8, 256], strides = [1, 1, 1, 1]} : vector<32x32x8x256xi32> to vector<32x1x8x256xi32>
    %squeeze3A_116 = vector.shape_cast %slice3A_115 : vector<32x1x8x256xi32> to vector<32x8x256xi32>
    %min3A_117 = arith.minsi %min3A_108, %squeeze3A_116 : vector<32x8x256xi32>
    %max3A_118 = arith.maxsi %min3A_108, %squeeze3A_116 : vector<32x8x256xi32>
    %min3A_119 = arith.minsi %min3A_110, %max3A_118 : vector<32x8x256xi32>
    %max3A_120 = arith.maxsi %min3A_110, %max3A_118 : vector<32x8x256xi32>
    %min3A_121 = arith.minsi %min3A_112, %max3A_120 : vector<32x8x256xi32>
    %max3A_122 = arith.maxsi %min3A_112, %max3A_120 : vector<32x8x256xi32>
    %min3A_123 = arith.minsi %min3A_114, %max3A_122 : vector<32x8x256xi32>
    %slice3A_124 = vector.extract_strided_slice %reshape3A {offsets = [0, 11, 0, 0], sizes = [32, 1, 8, 256], strides = [1, 1, 1, 1]} : vector<32x32x8x256xi32> to vector<32x1x8x256xi32>
    %squeeze3A_125 = vector.shape_cast %slice3A_124 : vector<32x1x8x256xi32> to vector<32x8x256xi32>
    %min3A_126 = arith.minsi %min3A_117, %squeeze3A_125 : vector<32x8x256xi32>
    %max3A_127 = arith.maxsi %min3A_117, %squeeze3A_125 : vector<32x8x256xi32>
    %min3A_128 = arith.minsi %min3A_119, %max3A_127 : vector<32x8x256xi32>
    %max3A_129 = arith.maxsi %min3A_119, %max3A_127 : vector<32x8x256xi32>
    %min3A_130 = arith.minsi %min3A_121, %max3A_129 : vector<32x8x256xi32>
    %max3A_131 = arith.maxsi %min3A_121, %max3A_129 : vector<32x8x256xi32>
    %min3A_132 = arith.minsi %min3A_123, %max3A_131 : vector<32x8x256xi32>
    %slice3A_133 = vector.extract_strided_slice %reshape3A {offsets = [0, 12, 0, 0], sizes = [32, 1, 8, 256], strides = [1, 1, 1, 1]} : vector<32x32x8x256xi32> to vector<32x1x8x256xi32>
    %squeeze3A_134 = vector.shape_cast %slice3A_133 : vector<32x1x8x256xi32> to vector<32x8x256xi32>
    %min3A_135 = arith.minsi %min3A_126, %squeeze3A_134 : vector<32x8x256xi32>
    %max3A_136 = arith.maxsi %min3A_126, %squeeze3A_134 : vector<32x8x256xi32>
    %min3A_137 = arith.minsi %min3A_128, %max3A_136 : vector<32x8x256xi32>
    %max3A_138 = arith.maxsi %min3A_128, %max3A_136 : vector<32x8x256xi32>
    %min3A_139 = arith.minsi %min3A_130, %max3A_138 : vector<32x8x256xi32>
    %max3A_140 = arith.maxsi %min3A_130, %max3A_138 : vector<32x8x256xi32>
    %min3A_141 = arith.minsi %min3A_132, %max3A_140 : vector<32x8x256xi32>
    %slice3A_142 = vector.extract_strided_slice %reshape3A {offsets = [0, 13, 0, 0], sizes = [32, 1, 8, 256], strides = [1, 1, 1, 1]} : vector<32x32x8x256xi32> to vector<32x1x8x256xi32>
    %squeeze3A_143 = vector.shape_cast %slice3A_142 : vector<32x1x8x256xi32> to vector<32x8x256xi32>
    %min3A_144 = arith.minsi %min3A_135, %squeeze3A_143 : vector<32x8x256xi32>
    %max3A_145 = arith.maxsi %min3A_135, %squeeze3A_143 : vector<32x8x256xi32>
    %min3A_146 = arith.minsi %min3A_137, %max3A_145 : vector<32x8x256xi32>
    %max3A_147 = arith.maxsi %min3A_137, %max3A_145 : vector<32x8x256xi32>
    %min3A_148 = arith.minsi %min3A_139, %max3A_147 : vector<32x8x256xi32>
    %max3A_149 = arith.maxsi %min3A_139, %max3A_147 : vector<32x8x256xi32>
    %min3A_150 = arith.minsi %min3A_141, %max3A_149 : vector<32x8x256xi32>
    %slice3A_151 = vector.extract_strided_slice %reshape3A {offsets = [0, 14, 0, 0], sizes = [32, 1, 8, 256], strides = [1, 1, 1, 1]} : vector<32x32x8x256xi32> to vector<32x1x8x256xi32>
    %squeeze3A_152 = vector.shape_cast %slice3A_151 : vector<32x1x8x256xi32> to vector<32x8x256xi32>
    %min3A_153 = arith.minsi %min3A_144, %squeeze3A_152 : vector<32x8x256xi32>
    %max3A_154 = arith.maxsi %min3A_144, %squeeze3A_152 : vector<32x8x256xi32>
    %min3A_155 = arith.minsi %min3A_146, %max3A_154 : vector<32x8x256xi32>
    %max3A_156 = arith.maxsi %min3A_146, %max3A_154 : vector<32x8x256xi32>
    %min3A_157 = arith.minsi %min3A_148, %max3A_156 : vector<32x8x256xi32>
    %max3A_158 = arith.maxsi %min3A_148, %max3A_156 : vector<32x8x256xi32>
    %min3A_159 = arith.minsi %min3A_150, %max3A_158 : vector<32x8x256xi32>
    %slice3A_160 = vector.extract_strided_slice %reshape3A {offsets = [0, 15, 0, 0], sizes = [32, 1, 8, 256], strides = [1, 1, 1, 1]} : vector<32x32x8x256xi32> to vector<32x1x8x256xi32>
    %squeeze3A_161 = vector.shape_cast %slice3A_160 : vector<32x1x8x256xi32> to vector<32x8x256xi32>
    %min3A_162 = arith.minsi %min3A_153, %squeeze3A_161 : vector<32x8x256xi32>
    %max3A_163 = arith.maxsi %min3A_153, %squeeze3A_161 : vector<32x8x256xi32>
    %min3A_164 = arith.minsi %min3A_155, %max3A_163 : vector<32x8x256xi32>
    %max3A_165 = arith.maxsi %min3A_155, %max3A_163 : vector<32x8x256xi32>
    %min3A_166 = arith.minsi %min3A_157, %max3A_165 : vector<32x8x256xi32>
    %max3A_167 = arith.maxsi %min3A_157, %max3A_165 : vector<32x8x256xi32>
    %min3A_168 = arith.minsi %min3A_159, %max3A_167 : vector<32x8x256xi32>
    %slice3A_169 = vector.extract_strided_slice %reshape3A {offsets = [0, 16, 0, 0], sizes = [32, 1, 8, 256], strides = [1, 1, 1, 1]} : vector<32x32x8x256xi32> to vector<32x1x8x256xi32>
    %squeeze3A_170 = vector.shape_cast %slice3A_169 : vector<32x1x8x256xi32> to vector<32x8x256xi32>
    %min3A_171 = arith.minsi %min3A_162, %squeeze3A_170 : vector<32x8x256xi32>
    %max3A_172 = arith.maxsi %min3A_162, %squeeze3A_170 : vector<32x8x256xi32>
    %min3A_173 = arith.minsi %min3A_164, %max3A_172 : vector<32x8x256xi32>
    %max3A_174 = arith.maxsi %min3A_164, %max3A_172 : vector<32x8x256xi32>
    %min3A_175 = arith.minsi %min3A_166, %max3A_174 : vector<32x8x256xi32>
    %max3A_176 = arith.maxsi %min3A_166, %max3A_174 : vector<32x8x256xi32>
    %min3A_177 = arith.minsi %min3A_168, %max3A_176 : vector<32x8x256xi32>
    %slice3A_178 = vector.extract_strided_slice %reshape3A {offsets = [0, 17, 0, 0], sizes = [32, 1, 8, 256], strides = [1, 1, 1, 1]} : vector<32x32x8x256xi32> to vector<32x1x8x256xi32>
    %squeeze3A_179 = vector.shape_cast %slice3A_178 : vector<32x1x8x256xi32> to vector<32x8x256xi32>
    %min3A_180 = arith.minsi %min3A_171, %squeeze3A_179 : vector<32x8x256xi32>
    %max3A_181 = arith.maxsi %min3A_171, %squeeze3A_179 : vector<32x8x256xi32>
    %min3A_182 = arith.minsi %min3A_173, %max3A_181 : vector<32x8x256xi32>
    %max3A_183 = arith.maxsi %min3A_173, %max3A_181 : vector<32x8x256xi32>
    %min3A_184 = arith.minsi %min3A_175, %max3A_183 : vector<32x8x256xi32>
    %max3A_185 = arith.maxsi %min3A_175, %max3A_183 : vector<32x8x256xi32>
    %min3A_186 = arith.minsi %min3A_177, %max3A_185 : vector<32x8x256xi32>
    %slice3A_187 = vector.extract_strided_slice %reshape3A {offsets = [0, 18, 0, 0], sizes = [32, 1, 8, 256], strides = [1, 1, 1, 1]} : vector<32x32x8x256xi32> to vector<32x1x8x256xi32>
    %squeeze3A_188 = vector.shape_cast %slice3A_187 : vector<32x1x8x256xi32> to vector<32x8x256xi32>
    %min3A_189 = arith.minsi %min3A_180, %squeeze3A_188 : vector<32x8x256xi32>
    %max3A_190 = arith.maxsi %min3A_180, %squeeze3A_188 : vector<32x8x256xi32>
    %min3A_191 = arith.minsi %min3A_182, %max3A_190 : vector<32x8x256xi32>
    %max3A_192 = arith.maxsi %min3A_182, %max3A_190 : vector<32x8x256xi32>
    %min3A_193 = arith.minsi %min3A_184, %max3A_192 : vector<32x8x256xi32>
    %max3A_194 = arith.maxsi %min3A_184, %max3A_192 : vector<32x8x256xi32>
    %min3A_195 = arith.minsi %min3A_186, %max3A_194 : vector<32x8x256xi32>
    %slice3A_196 = vector.extract_strided_slice %reshape3A {offsets = [0, 19, 0, 0], sizes = [32, 1, 8, 256], strides = [1, 1, 1, 1]} : vector<32x32x8x256xi32> to vector<32x1x8x256xi32>
    %squeeze3A_197 = vector.shape_cast %slice3A_196 : vector<32x1x8x256xi32> to vector<32x8x256xi32>
    %min3A_198 = arith.minsi %min3A_189, %squeeze3A_197 : vector<32x8x256xi32>
    %max3A_199 = arith.maxsi %min3A_189, %squeeze3A_197 : vector<32x8x256xi32>
    %min3A_200 = arith.minsi %min3A_191, %max3A_199 : vector<32x8x256xi32>
    %max3A_201 = arith.maxsi %min3A_191, %max3A_199 : vector<32x8x256xi32>
    %min3A_202 = arith.minsi %min3A_193, %max3A_201 : vector<32x8x256xi32>
    %max3A_203 = arith.maxsi %min3A_193, %max3A_201 : vector<32x8x256xi32>
    %min3A_204 = arith.minsi %min3A_195, %max3A_203 : vector<32x8x256xi32>
    %slice3A_205 = vector.extract_strided_slice %reshape3A {offsets = [0, 20, 0, 0], sizes = [32, 1, 8, 256], strides = [1, 1, 1, 1]} : vector<32x32x8x256xi32> to vector<32x1x8x256xi32>
    %squeeze3A_206 = vector.shape_cast %slice3A_205 : vector<32x1x8x256xi32> to vector<32x8x256xi32>
    %min3A_207 = arith.minsi %min3A_198, %squeeze3A_206 : vector<32x8x256xi32>
    %max3A_208 = arith.maxsi %min3A_198, %squeeze3A_206 : vector<32x8x256xi32>
    %min3A_209 = arith.minsi %min3A_200, %max3A_208 : vector<32x8x256xi32>
    %max3A_210 = arith.maxsi %min3A_200, %max3A_208 : vector<32x8x256xi32>
    %min3A_211 = arith.minsi %min3A_202, %max3A_210 : vector<32x8x256xi32>
    %max3A_212 = arith.maxsi %min3A_202, %max3A_210 : vector<32x8x256xi32>
    %min3A_213 = arith.minsi %min3A_204, %max3A_212 : vector<32x8x256xi32>
    %slice3A_214 = vector.extract_strided_slice %reshape3A {offsets = [0, 21, 0, 0], sizes = [32, 1, 8, 256], strides = [1, 1, 1, 1]} : vector<32x32x8x256xi32> to vector<32x1x8x256xi32>
    %squeeze3A_215 = vector.shape_cast %slice3A_214 : vector<32x1x8x256xi32> to vector<32x8x256xi32>
    %min3A_216 = arith.minsi %min3A_207, %squeeze3A_215 : vector<32x8x256xi32>
    %max3A_217 = arith.maxsi %min3A_207, %squeeze3A_215 : vector<32x8x256xi32>
    %min3A_218 = arith.minsi %min3A_209, %max3A_217 : vector<32x8x256xi32>
    %max3A_219 = arith.maxsi %min3A_209, %max3A_217 : vector<32x8x256xi32>
    %min3A_220 = arith.minsi %min3A_211, %max3A_219 : vector<32x8x256xi32>
    %max3A_221 = arith.maxsi %min3A_211, %max3A_219 : vector<32x8x256xi32>
    %min3A_222 = arith.minsi %min3A_213, %max3A_221 : vector<32x8x256xi32>
    %slice3A_223 = vector.extract_strided_slice %reshape3A {offsets = [0, 22, 0, 0], sizes = [32, 1, 8, 256], strides = [1, 1, 1, 1]} : vector<32x32x8x256xi32> to vector<32x1x8x256xi32>
    %squeeze3A_224 = vector.shape_cast %slice3A_223 : vector<32x1x8x256xi32> to vector<32x8x256xi32>
    %min3A_225 = arith.minsi %min3A_216, %squeeze3A_224 : vector<32x8x256xi32>
    %max3A_226 = arith.maxsi %min3A_216, %squeeze3A_224 : vector<32x8x256xi32>
    %min3A_227 = arith.minsi %min3A_218, %max3A_226 : vector<32x8x256xi32>
    %max3A_228 = arith.maxsi %min3A_218, %max3A_226 : vector<32x8x256xi32>
    %min3A_229 = arith.minsi %min3A_220, %max3A_228 : vector<32x8x256xi32>
    %max3A_230 = arith.maxsi %min3A_220, %max3A_228 : vector<32x8x256xi32>
    %min3A_231 = arith.minsi %min3A_222, %max3A_230 : vector<32x8x256xi32>
    %slice3A_232 = vector.extract_strided_slice %reshape3A {offsets = [0, 23, 0, 0], sizes = [32, 1, 8, 256], strides = [1, 1, 1, 1]} : vector<32x32x8x256xi32> to vector<32x1x8x256xi32>
    %squeeze3A_233 = vector.shape_cast %slice3A_232 : vector<32x1x8x256xi32> to vector<32x8x256xi32>
    %min3A_234 = arith.minsi %min3A_225, %squeeze3A_233 : vector<32x8x256xi32>
    %max3A_235 = arith.maxsi %min3A_225, %squeeze3A_233 : vector<32x8x256xi32>
    %min3A_236 = arith.minsi %min3A_227, %max3A_235 : vector<32x8x256xi32>
    %max3A_237 = arith.maxsi %min3A_227, %max3A_235 : vector<32x8x256xi32>
    %min3A_238 = arith.minsi %min3A_229, %max3A_237 : vector<32x8x256xi32>
    %max3A_239 = arith.maxsi %min3A_229, %max3A_237 : vector<32x8x256xi32>
    %min3A_240 = arith.minsi %min3A_231, %max3A_239 : vector<32x8x256xi32>
    %slice3A_241 = vector.extract_strided_slice %reshape3A {offsets = [0, 24, 0, 0], sizes = [32, 1, 8, 256], strides = [1, 1, 1, 1]} : vector<32x32x8x256xi32> to vector<32x1x8x256xi32>
    %squeeze3A_242 = vector.shape_cast %slice3A_241 : vector<32x1x8x256xi32> to vector<32x8x256xi32>
    %min3A_243 = arith.minsi %min3A_234, %squeeze3A_242 : vector<32x8x256xi32>
    %max3A_244 = arith.maxsi %min3A_234, %squeeze3A_242 : vector<32x8x256xi32>
    %min3A_245 = arith.minsi %min3A_236, %max3A_244 : vector<32x8x256xi32>
    %max3A_246 = arith.maxsi %min3A_236, %max3A_244 : vector<32x8x256xi32>
    %min3A_247 = arith.minsi %min3A_238, %max3A_246 : vector<32x8x256xi32>
    %max3A_248 = arith.maxsi %min3A_238, %max3A_246 : vector<32x8x256xi32>
    %min3A_249 = arith.minsi %min3A_240, %max3A_248 : vector<32x8x256xi32>
    %slice3A_250 = vector.extract_strided_slice %reshape3A {offsets = [0, 25, 0, 0], sizes = [32, 1, 8, 256], strides = [1, 1, 1, 1]} : vector<32x32x8x256xi32> to vector<32x1x8x256xi32>
    %squeeze3A_251 = vector.shape_cast %slice3A_250 : vector<32x1x8x256xi32> to vector<32x8x256xi32>
    %min3A_252 = arith.minsi %min3A_243, %squeeze3A_251 : vector<32x8x256xi32>
    %max3A_253 = arith.maxsi %min3A_243, %squeeze3A_251 : vector<32x8x256xi32>
    %min3A_254 = arith.minsi %min3A_245, %max3A_253 : vector<32x8x256xi32>
    %max3A_255 = arith.maxsi %min3A_245, %max3A_253 : vector<32x8x256xi32>
    %min3A_256 = arith.minsi %min3A_247, %max3A_255 : vector<32x8x256xi32>
    %max3A_257 = arith.maxsi %min3A_247, %max3A_255 : vector<32x8x256xi32>
    %min3A_258 = arith.minsi %min3A_249, %max3A_257 : vector<32x8x256xi32>
    %slice3A_259 = vector.extract_strided_slice %reshape3A {offsets = [0, 26, 0, 0], sizes = [32, 1, 8, 256], strides = [1, 1, 1, 1]} : vector<32x32x8x256xi32> to vector<32x1x8x256xi32>
    %squeeze3A_260 = vector.shape_cast %slice3A_259 : vector<32x1x8x256xi32> to vector<32x8x256xi32>
    %min3A_261 = arith.minsi %min3A_252, %squeeze3A_260 : vector<32x8x256xi32>
    %max3A_262 = arith.maxsi %min3A_252, %squeeze3A_260 : vector<32x8x256xi32>
    %min3A_263 = arith.minsi %min3A_254, %max3A_262 : vector<32x8x256xi32>
    %max3A_264 = arith.maxsi %min3A_254, %max3A_262 : vector<32x8x256xi32>
    %min3A_265 = arith.minsi %min3A_256, %max3A_264 : vector<32x8x256xi32>
    %max3A_266 = arith.maxsi %min3A_256, %max3A_264 : vector<32x8x256xi32>
    %min3A_267 = arith.minsi %min3A_258, %max3A_266 : vector<32x8x256xi32>
    %slice3A_268 = vector.extract_strided_slice %reshape3A {offsets = [0, 27, 0, 0], sizes = [32, 1, 8, 256], strides = [1, 1, 1, 1]} : vector<32x32x8x256xi32> to vector<32x1x8x256xi32>
    %squeeze3A_269 = vector.shape_cast %slice3A_268 : vector<32x1x8x256xi32> to vector<32x8x256xi32>
    %min3A_270 = arith.minsi %min3A_261, %squeeze3A_269 : vector<32x8x256xi32>
    %max3A_271 = arith.maxsi %min3A_261, %squeeze3A_269 : vector<32x8x256xi32>
    %min3A_272 = arith.minsi %min3A_263, %max3A_271 : vector<32x8x256xi32>
    %max3A_273 = arith.maxsi %min3A_263, %max3A_271 : vector<32x8x256xi32>
    %min3A_274 = arith.minsi %min3A_265, %max3A_273 : vector<32x8x256xi32>
    %max3A_275 = arith.maxsi %min3A_265, %max3A_273 : vector<32x8x256xi32>
    %min3A_276 = arith.minsi %min3A_267, %max3A_275 : vector<32x8x256xi32>
    %slice3A_277 = vector.extract_strided_slice %reshape3A {offsets = [0, 28, 0, 0], sizes = [32, 1, 8, 256], strides = [1, 1, 1, 1]} : vector<32x32x8x256xi32> to vector<32x1x8x256xi32>
    %squeeze3A_278 = vector.shape_cast %slice3A_277 : vector<32x1x8x256xi32> to vector<32x8x256xi32>
    %min3A_279 = arith.minsi %min3A_270, %squeeze3A_278 : vector<32x8x256xi32>
    %max3A_280 = arith.maxsi %min3A_270, %squeeze3A_278 : vector<32x8x256xi32>
    %min3A_281 = arith.minsi %min3A_272, %max3A_280 : vector<32x8x256xi32>
    %max3A_282 = arith.maxsi %min3A_272, %max3A_280 : vector<32x8x256xi32>
    %min3A_283 = arith.minsi %min3A_274, %max3A_282 : vector<32x8x256xi32>
    %max3A_284 = arith.maxsi %min3A_274, %max3A_282 : vector<32x8x256xi32>
    %min3A_285 = arith.minsi %min3A_276, %max3A_284 : vector<32x8x256xi32>
    %slice3A_286 = vector.extract_strided_slice %reshape3A {offsets = [0, 29, 0, 0], sizes = [32, 1, 8, 256], strides = [1, 1, 1, 1]} : vector<32x32x8x256xi32> to vector<32x1x8x256xi32>
    %squeeze3A_287 = vector.shape_cast %slice3A_286 : vector<32x1x8x256xi32> to vector<32x8x256xi32>
    %min3A_288 = arith.minsi %min3A_279, %squeeze3A_287 : vector<32x8x256xi32>
    %max3A_289 = arith.maxsi %min3A_279, %squeeze3A_287 : vector<32x8x256xi32>
    %min3A_290 = arith.minsi %min3A_281, %max3A_289 : vector<32x8x256xi32>
    %max3A_291 = arith.maxsi %min3A_281, %max3A_289 : vector<32x8x256xi32>
    %min3A_292 = arith.minsi %min3A_283, %max3A_291 : vector<32x8x256xi32>
    %max3A_293 = arith.maxsi %min3A_283, %max3A_291 : vector<32x8x256xi32>
    %min3A_294 = arith.minsi %min3A_285, %max3A_293 : vector<32x8x256xi32>
    %slice3A_295 = vector.extract_strided_slice %reshape3A {offsets = [0, 30, 0, 0], sizes = [32, 1, 8, 256], strides = [1, 1, 1, 1]} : vector<32x32x8x256xi32> to vector<32x1x8x256xi32>
    %squeeze3A_296 = vector.shape_cast %slice3A_295 : vector<32x1x8x256xi32> to vector<32x8x256xi32>
    %min3A_297 = arith.minsi %min3A_288, %squeeze3A_296 : vector<32x8x256xi32>
    %max3A_298 = arith.maxsi %min3A_288, %squeeze3A_296 : vector<32x8x256xi32>
    %min3A_299 = arith.minsi %min3A_290, %max3A_298 : vector<32x8x256xi32>
    %max3A_300 = arith.maxsi %min3A_290, %max3A_298 : vector<32x8x256xi32>
    %min3A_301 = arith.minsi %min3A_292, %max3A_300 : vector<32x8x256xi32>
    %max3A_302 = arith.maxsi %min3A_292, %max3A_300 : vector<32x8x256xi32>
    %min3A_303 = arith.minsi %min3A_294, %max3A_302 : vector<32x8x256xi32>
    %slice3A_304 = vector.extract_strided_slice %reshape3A {offsets = [0, 31, 0, 0], sizes = [32, 1, 8, 256], strides = [1, 1, 1, 1]} : vector<32x32x8x256xi32> to vector<32x1x8x256xi32>
    %squeeze3A_305 = vector.shape_cast %slice3A_304 : vector<32x1x8x256xi32> to vector<32x8x256xi32>
    %min3A_306 = arith.minsi %min3A_297, %squeeze3A_305 : vector<32x8x256xi32>
    %max3A_307 = arith.maxsi %min3A_297, %squeeze3A_305 : vector<32x8x256xi32>
    %min3A_308 = arith.minsi %min3A_299, %max3A_307 : vector<32x8x256xi32>
    %max3A_309 = arith.maxsi %min3A_299, %max3A_307 : vector<32x8x256xi32>
    %min3A_310 = arith.minsi %min3A_301, %max3A_309 : vector<32x8x256xi32>
    %max3A_311 = arith.maxsi %min3A_301, %max3A_309 : vector<32x8x256xi32>
    %min3A_312 = arith.minsi %min3A_303, %max3A_311 : vector<32x8x256xi32>
    %stack3A = vector.shape_cast %min3A_306 : vector<32x8x256xi32> to vector<1x32x8x256xi32>
    %stack3A_313 = vector.shape_cast %min3A_308 : vector<32x8x256xi32> to vector<1x32x8x256xi32>
    %stack3A_314 = vector.shape_cast %min3A_310 : vector<32x8x256xi32> to vector<1x32x8x256xi32>
    %stack3A_315 = vector.shape_cast %min3A_312 : vector<32x8x256xi32> to vector<1x32x8x256xi32>
    %stack3A_316 = tpu.concatenate %stack3A, %stack3A_313, %stack3A_314, %stack3A_315 in 0 : vector<1x32x8x256xi32>, vector<1x32x8x256xi32>, vector<1x32x8x256xi32>, vector<1x32x8x256xi32> -> vector<4x32x8x256xi32>
    %reshape3A_317 = vector.shape_cast %stack3A_316 : vector<4x32x8x256xi32> to vector<1024x256xi32>
    %broadcast_in_dim3A_318 = arith.constant -1 : i32
    %broadcast_in_dim3A_319 = vector.broadcast %broadcast_in_dim3A_318 : i32 to vector<256xi32>
    %scan3A = arith.constant 2147483647 : i32
    %scan3A_320 = arith.constant 0 : i32
    %scan3A_321 = arith.constant 32 : i32
    %scan3A_322 = arith.addi %scan3A_320, %scan3A_321 : i32
    %scan3A_323 = arith.constant 1 : i32
    %scan3A_324 = scf.for %scan3A_350 = %scan3A_320 to %scan3A_322 step %scan3A_323 iter_args(%scan3A_351 = %broadcast_in_dim3A_319) -> (vector<256xi32>)  : i32 {
      %broadcast_in_dim3A_352 = vector.shape_cast %scan3A_351 : vector<256xi32> to vector<1x256xi32>
      %gt3A = vector.broadcast %broadcast_in_dim3A_352 : vector<1x256xi32> to vector<1024x256xi32>
      %gt3A_353 = arith.cmpi sgt, %reshape3A_317, %gt3A : vector<1024x256xi32>
      %broadcast_in_dim3A_354 = vector.broadcast %scan3A : i32 to vector<1024x256xi32>
      %select_n3A = arith.select %gt3A_353, %reshape3A_317, %broadcast_in_dim3A_354 : vector<1024x256xi1>, vector<1024x256xi32>
      %reduce_min3A = arith.constant dense<2147483647> : vector<256xi32>
      %reduce_min3A_355 = vector.multi_reduction <minsi>, %select_n3A, %reduce_min3A [0] : vector<1024x256xi32> to vector<256xi32>
      %reshape3A_356 = vector.shape_cast %reduce_min3A_355 : vector<256xi32> to vector<1x256xi32>
      %swap3A = arith.index_cast %scan3A_350 : i32 to index
      %swap3A_357 = arith.constant 0 : index
      %swap3A_358 = vector.load %arg5[%swap3A, %swap3A_357] : memref<32x256xi32, #tpu.memory_space<vmem>>, vector<1x256xi32>
      tpu.vector_store %arg5[%swap3A, %swap3A_357], %reshape3A_356 {strides = array<i32>} : memref<32x256xi32, #tpu.memory_space<vmem>>, vector<1x256xi32>,
      scf.yield %reduce_min3A_355 : vector<256xi32>
    }
    %scan3A_325 = arith.constant 32 : i32
    %broadcast_in_dim3A_326 = vector.shape_cast %scan3A_324 : vector<256xi32> to vector<1x256xi32>
    %le3A = vector.broadcast %broadcast_in_dim3A_326 : vector<1x256xi32> to vector<8192x256xi32>
    %le3A_327 = arith.cmpi sle, %or3A, %le3A : vector<8192x256xi32>
    %convert_element_type3A = arith.extui %le3A_327 : vector<8192x256xi1> to vector<8192x256xi32>
    %reduce_sum3A_328 = arith.constant dense<0> : vector<256xi32>
    %reduce_sum3A_329 = vector.multi_reduction <add>, %convert_element_type3A, %reduce_sum3A_328 [0] : vector<8192x256xi32> to vector<256xi32>
    %eq3A = arith.constant 32 : i32
    %eq3A_330 = vector.broadcast %eq3A : i32 to vector<256xi32>
    %eq3A_331 = arith.cmpi eq, %reduce_sum3A_329, %eq3A_330 : vector<256xi32>
    %reduce_and3A = arith.constant 1.000000e+00 : f32
    %reduce_and3A_332 = arith.constant 0.000000e+00 : f32
    %reduce_and3A_333 = vector.broadcast %reduce_and3A : f32 to vector<256xf32>
    %reduce_and3A_334 = vector.broadcast %reduce_and3A_332 : f32 to vector<256xf32>
    %reduce_and3A_335 = arith.select %eq3A_331, %reduce_and3A_333, %reduce_and3A_334 : vector<256xi1>, vector<256xf32>
    %reduce_and3A_336 = vector.shape_cast %reduce_and3A_335 : vector<256xf32> to vector<1x256xf32>
    %reduce_and3A_337 = arith.constant dense<0x7F800000> : vector<1xf32>
    %reduce_and3A_338 = vector.multi_reduction <minimumf>, %reduce_and3A_336, %reduce_and3A_337 [1] : vector<1x256xf32> to vector<1xf32>
    %reduce_and3A_339 = vector.shape_cast %reduce_and3A_338 : vector<1xf32> to vector<1x1xf32>
    %reduce_and3A_340 = vector.extract %reduce_and3A_339[0, 0] : f32 from vector<1x1xf32>
    %reduce_and3A_341 = arith.constant 0.000000e+00 : f32
    %reduce_and3A_342 = arith.cmpf ogt, %reduce_and3A_340, %reduce_and3A_341 : f32
    %convert_element_type3A_343 = arith.extui %reduce_and3A_342 : i1 to i32
    %cond3A = arith.constant 0 : i32
    %cond3A_344 = arith.cmpi ne, %convert_element_type3A_343, %cond3A : i32
    scf.if %cond3A_344 {
      %get3A_350 = arith.constant 0 : index
      %get3A_351 = arith.constant 0 : index
      %get3A_352 = vector.load %arg5[%get3A_350, %get3A_351] : memref<32x256xi32, #tpu.memory_space<vmem>>, vector<32x256xi32>
      %and3A_353 = arith.constant 8191 : i32
      %and3A_354 = vector.broadcast %and3A_353 : i32 to vector<32x256xi32>
      %and3A_355 = arith.andi %get3A_352, %and3A_354 : vector<32x256xi32>
      %add3A_356 = vector.broadcast %mul3A_25 : i32 to vector<32x256xi32>
      %add3A_357 = arith.addi %and3A_355, %add3A_356 : vector<32x256xi32>
      %swap3A = arith.constant 0 : index
      %swap3A_358 = arith.constant 0 : index
      %swap3A_359 = arith.constant 0 : index
      %swap3A_360 = vector.load %arg4[%swap3A, %swap3A_358, %swap3A_359] : memref<1x32x256xi32, #tpu.memory_space<vmem>>, vector<1x32x256xi32>
      %swap3A_361 = vector.shape_cast %swap3A_360 : vector<1x32x256xi32> to vector<32x256xi32>
      %swap3A_362 = vector.shape_cast %add3A_357 : vector<32x256xi32> to vector<1x32x256xi32>
      tpu.vector_store %arg4[%swap3A, %swap3A_358, %swap3A_359], %swap3A_362 {strides = array<i32>} : memref<1x32x256xi32, #tpu.memory_space<vmem>>, vector<1x32x256xi32>,
    } else {
    }
    %not3A = arith.constant true
    %not3A_345 = arith.xori %reduce_and3A_342, %not3A : i1
    %convert_element_type3A_346 = arith.extui %not3A_345 : i1 to i32
    %cond3A_347 = arith.constant 2147483647 : i32
    %cond3A_348 = arith.constant 0 : i32
    %cond3A_349 = arith.cmpi ne, %convert_element_type3A_346, %cond3A_348 : i32
    scf.if %cond3A_349 {
      %broadcast_in_dim3A_350 = arith.constant -1 : i32
      %broadcast_in_dim3A_351 = vector.broadcast %broadcast_in_dim3A_350 : i32 to vector<256xi32>
      %scan3A_352 = arith.constant 0 : i32
      %scan3A_353 = arith.constant 32 : i32
      %scan3A_354 = arith.addi %scan3A_352, %scan3A_353 : i32
      %scan3A_355 = arith.constant 1 : i32
      %scan3A_356 = scf.for %scan3A_358 = %scan3A_352 to %scan3A_354 step %scan3A_355 iter_args(%scan3A_359 = %broadcast_in_dim3A_351) -> (vector<256xi32>)  : i32 {
        %broadcast_in_dim3A_360 = vector.shape_cast %scan3A_359 : vector<256xi32> to vector<1x256xi32>
        %gt3A = vector.broadcast %broadcast_in_dim3A_360 : vector<1x256xi32> to vector<8192x256xi32>
        %gt3A_361 = arith.cmpi sgt, %or3A, %gt3A : vector<8192x256xi32>
        %broadcast_in_dim3A_362 = vector.broadcast %cond3A_347 : i32 to vector<8192x256xi32>
        %select_n3A = arith.select %gt3A_361, %or3A, %broadcast_in_dim3A_362 : vector<8192x256xi1>, vector<8192x256xi32>
        %reduce_min3A = arith.constant dense<2147483647> : vector<256xi32>
        %reduce_min3A_363 = vector.multi_reduction <minsi>, %select_n3A, %reduce_min3A [0] : vector<8192x256xi32> to vector<256xi32>
        %and3A_364 = arith.constant 8191 : i32
        %and3A_365 = vector.broadcast %and3A_364 : i32 to vector<256xi32>
        %and3A_366 = arith.andi %reduce_min3A_363, %and3A_365 : vector<256xi32>
        %add3A_367 = vector.broadcast %mul3A_25 : i32 to vector<256xi32>
        %add3A_368 = arith.addi %and3A_366, %add3A_367 : vector<256xi32>
        %reshape3A_369 = vector.shape_cast %add3A_368 : vector<256xi32> to vector<1x256xi32>
        %swap3A = arith.constant 0 : index
        %swap3A_370 = arith.index_cast %scan3A_358 : i32 to index
        %swap3A_371 = arith.constant 0 : index
        %swap3A_372 = vector.load %arg4[%swap3A, %swap3A_370, %swap3A_371] : memref<1x32x256xi32, #tpu.memory_space<vmem>>, vector<1x1x256xi32>
        %swap3A_373 = vector.shape_cast %swap3A_372 : vector<1x1x256xi32> to vector<1x256xi32>
        %swap3A_374 = vector.shape_cast %reshape3A_369 : vector<1x256xi32> to vector<1x1x256xi32>
        tpu.vector_store %arg4[%swap3A, %swap3A_370, %swap3A_371], %swap3A_374 {strides = array<i32>} : memref<1x32x256xi32, #tpu.memory_space<vmem>>, vector<1x1x256xi32>,
        scf.yield %reduce_min3A_363 : vector<256xi32>
      }
      %scan3A_357 = arith.constant 32 : i32
    } else {
    }
    return
  }
  func.func @transform_0(%arg0: i32, %arg1: i32) -> (i32, i32, i32) {
    %c0_i32 = arith.constant 0 : i32
    %c0_i32_0 = arith.constant 0 : i32
    %c0_i32_1 = arith.constant 0 : i32
    return %arg0, %c0_i32, %c0_i32_0 : i32, i32, i32
  }
  func.func @transform_1(%arg0: i32, %arg1: i32) -> (i32, i32, i32) {
    %c0_i32 = arith.constant 0 : i32
    %c0_i32_0 = arith.constant 0 : i32
    return %arg0, %c0_i32, %arg1 : i32, i32, i32
  }
  func.func @transform_2(%arg0: i32, %arg1: i32) -> (i32, i32, i32) {
    %c0_i32 = arith.constant 0 : i32
    %c0_i32_0 = arith.constant 0 : i32
    return %arg0, %c0_i32, %arg1 : i32, i32, i32
  }
}

module attributes {stable_mosaic.version = 14 : i64} {
  func.func @_mlp_body(%arg0: i32, %arg1: i32, %arg2: memref<1x32x256x80xf32, #tpu.memory_space<vmem>>, %arg3: memref<1x256x8xf32, #tpu.memory_space<vmem>>, %arg4: memref<80x128xf32, #tpu.memory_space<vmem>>, %arg5: memref<1x128xf32, #tpu.memory_space<vmem>>, %arg6: memref<80x128xf32, #tpu.memory_space<vmem>>, %arg7: memref<128x128xf32, #tpu.memory_space<vmem>>, %arg8: memref<1x128xf32, #tpu.memory_space<vmem>>, %arg9: memref<1x256x128xf32, #tpu.memory_space<vmem>>) attributes {dimension_semantics = [#tpu.dimension_semantics<arbitrary>, #tpu.dimension_semantics<arbitrary>], iteration_bounds = array<i64: 8, 8>, scalar_prefetch = 0 : i64, scratch_operands = 0 : i64, tpu.core_type = #tpu.core_type<tc>, window_params = [{transform_indices = @transform_0, window_bounds = array<i64: 1, 32, 256, 80>}, {transform_indices = @transform_1, window_bounds = array<i64: 1, 256, 8>}, {pipeline_mode = #tpu.pipeline_mode<synchronous>, transform_indices = @transform_2, window_bounds = array<i64: 80, 128>}, {pipeline_mode = #tpu.pipeline_mode<synchronous>, transform_indices = @transform_3, window_bounds = array<i64: 1, 128>}, {pipeline_mode = #tpu.pipeline_mode<synchronous>, transform_indices = @transform_4, window_bounds = array<i64: 80, 128>}, {pipeline_mode = #tpu.pipeline_mode<synchronous>, transform_indices = @transform_5, window_bounds = array<i64: 128, 128>}, {pipeline_mode = #tpu.pipeline_mode<synchronous>, transform_indices = @transform_6, window_bounds = array<i64: 1, 128>}, {transform_indices = @transform_7, window_bounds = array<i64: 1, 256, 128>}]} {
    %get3A = arith.constant 0 : index
    %get3A_0 = arith.constant 0 : index
    %get3A_1 = arith.constant 0 : index
    %get3A_2 = arith.constant 0 : index
    %get3A_3 = vector.load %arg2[%get3A, %get3A_0, %get3A_1, %get3A_2] : memref<1x32x256x80xf32, #tpu.memory_space<vmem>>, vector<1x32x256x80xf32>
    %get3A_4 = vector.shape_cast %get3A_3 : vector<1x32x256x80xf32> to vector<32x256x80xf32>
    %reshape3A = vector.shape_cast %get3A_4 : vector<32x256x80xf32> to vector<8192x80xf32>
    %get3A_5 = arith.constant 0 : index
    %get3A_6 = arith.constant 0 : index
    %get3A_7 = arith.constant 0 : index
    %get3A_8 = vector.load %arg3[%get3A_5, %get3A_6, %get3A_7] : memref<1x256x8xf32, #tpu.memory_space<vmem>>, vector<1x256x8xf32>
    %get3A_9 = vector.shape_cast %get3A_8 : vector<1x256x8xf32> to vector<256x8xf32>
    %get3A_10 = arith.constant 0 : index
    %get3A_11 = arith.constant 0 : index
    %get3A_12 = vector.load %arg4[%get3A_10, %get3A_11] : memref<80x128xf32, #tpu.memory_space<vmem>>, vector<80x128xf32>
    %get3A_13 = arith.constant 0 : index
    %get3A_14 = arith.constant 0 : index
    %get3A_15 = vector.load %arg6[%get3A_13, %get3A_14] : memref<80x128xf32, #tpu.memory_space<vmem>>, vector<80x128xf32>
    %get3A_16 = arith.constant 0 : index
    %get3A_17 = arith.constant 0 : index
    %get3A_18 = vector.load %arg7[%get3A_16, %get3A_17] : memref<128x128xf32, #tpu.memory_space<vmem>>, vector<128x128xf32>
    %get3A_19 = arith.constant 0 : index
    %get3A_20 = arith.constant 0 : index
    %get3A_21 = vector.load %arg5[%get3A_19, %get3A_20] : memref<1x128xf32, #tpu.memory_space<vmem>>, vector<1x128xf32>
    %get3A_22 = arith.constant 0 : index
    %get3A_23 = arith.constant 0 : index
    %get3A_24 = vector.load %arg8[%get3A_22, %get3A_23] : memref<1x128xf32, #tpu.memory_space<vmem>>, vector<1x128xf32>
    %dot_general3A = arith.constant dense<0.000000e+00> : vector<8192x128xf32>
    %dot_general3A_25 = tpu.matmul %reshape3A, %get3A_12, %dot_general3A {dimension_numbers = #tpu.dot_dimension_numbers<[1], [0], [0], [1], [0, 0, 1, 1], [], []>, transpose_lhs_hint = false} : vector<8192x80xf32>, vector<80x128xf32>, vector<8192x128xf32> -> vector<8192x128xf32>
    %slice3A = vector.extract_strided_slice %get3A_12 {offsets = [0, 0], sizes = [8, 128], strides = [1, 1]} : vector<80x128xf32> to vector<8x128xf32>
    %dot_general3A_26 = arith.constant dense<0.000000e+00> : vector<256x128xf32>
    %dot_general3A_27 = tpu.matmul %get3A_9, %slice3A, %dot_general3A_26 {dimension_numbers = #tpu.dot_dimension_numbers<[1], [0], [0], [1], [0, 0, 1, 1], [], []>, transpose_lhs_hint = false} : vector<256x8xf32>, vector<8x128xf32>, vector<256x128xf32> -> vector<256x128xf32>
    %reshape3A_28 = vector.shape_cast %dot_general3A_25 : vector<8192x128xf32> to vector<32x256x128xf32>
    %broadcast_in_dim3A = vector.shape_cast %dot_general3A_27 : vector<256x128xf32> to vector<1x256x128xf32>
    %sub3A = vector.broadcast %broadcast_in_dim3A : vector<1x256x128xf32> to vector<32x256x128xf32>
    %sub3A_29 = arith.subf %reshape3A_28, %sub3A : vector<32x256x128xf32>
    %broadcast_in_dim3A_30 = vector.shape_cast %get3A_21 : vector<1x128xf32> to vector<1x1x128xf32>
    %add3A = vector.broadcast %broadcast_in_dim3A_30 : vector<1x1x128xf32> to vector<32x256x128xf32>
    %add3A_31 = arith.addf %sub3A_29, %add3A : vector<32x256x128xf32>
    %max3A = arith.constant 0.000000e+00 : f32
    %max3A_32 = vector.broadcast %max3A : f32 to vector<32x256x128xf32>
    %max3A_33 = arith.maximumf %add3A_31, %max3A_32 : vector<32x256x128xf32>
    %reduce_sum3A = arith.constant dense<0.000000e+00> : vector<256x128xf32>
    %reduce_sum3A_34 = vector.multi_reduction <add>, %max3A_33, %reduce_sum3A [0] : vector<32x256x128xf32> to vector<256x128xf32>
    %div3A = arith.constant 3.200000e+01 : f32
    %div3A_35 = vector.broadcast %div3A : f32 to vector<256x128xf32>
    %div3A_36 = arith.divf %reduce_sum3A_34, %div3A_35 : vector<256x128xf32>
    %dot_general3A_37 = arith.constant dense<0.000000e+00> : vector<8192x128xf32>
    %dot_general3A_38 = tpu.matmul %reshape3A, %get3A_15, %dot_general3A_37 {dimension_numbers = #tpu.dot_dimension_numbers<[1], [0], [0], [1], [0, 0, 1, 1], [], []>, transpose_lhs_hint = false} : vector<8192x80xf32>, vector<80x128xf32>, vector<8192x128xf32> -> vector<8192x128xf32>
    %slice3A_39 = vector.extract_strided_slice %get3A_15 {offsets = [0, 0], sizes = [8, 128], strides = [1, 1]} : vector<80x128xf32> to vector<8x128xf32>
    %dot_general3A_40 = arith.constant dense<0.000000e+00> : vector<256x128xf32>
    %dot_general3A_41 = tpu.matmul %get3A_9, %slice3A_39, %dot_general3A_40 {dimension_numbers = #tpu.dot_dimension_numbers<[1], [0], [0], [1], [0, 0, 1, 1], [], []>, transpose_lhs_hint = false} : vector<256x8xf32>, vector<8x128xf32>, vector<256x128xf32> -> vector<256x128xf32>
    %broadcast_in_dim3A_42 = vector.shape_cast %div3A_36 : vector<256x128xf32> to vector<1x256x128xf32>
    %sub3A_43 = vector.broadcast %broadcast_in_dim3A_42 : vector<1x256x128xf32> to vector<32x256x128xf32>
    %sub3A_44 = arith.subf %max3A_33, %sub3A_43 : vector<32x256x128xf32>
    %reshape3A_45 = vector.shape_cast %sub3A_44 : vector<32x256x128xf32> to vector<8192x128xf32>
    %dot_general3A_46 = arith.constant dense<0.000000e+00> : vector<8192x128xf32>
    %dot_general3A_47 = tpu.matmul %reshape3A_45, %get3A_18, %dot_general3A_46 {dimension_numbers = #tpu.dot_dimension_numbers<[1], [0], [0], [1], [0, 0, 1, 1], [], []>, transpose_lhs_hint = false} : vector<8192x128xf32>, vector<128x128xf32>, vector<8192x128xf32> -> vector<8192x128xf32>
    %reshape3A_48 = vector.shape_cast %dot_general3A_38 : vector<8192x128xf32> to vector<32x256x128xf32>
    %broadcast_in_dim3A_49 = vector.shape_cast %dot_general3A_41 : vector<256x128xf32> to vector<1x256x128xf32>
    %sub3A_50 = vector.broadcast %broadcast_in_dim3A_49 : vector<1x256x128xf32> to vector<32x256x128xf32>
    %sub3A_51 = arith.subf %reshape3A_48, %sub3A_50 : vector<32x256x128xf32>
    %reshape3A_52 = vector.shape_cast %dot_general3A_47 : vector<8192x128xf32> to vector<32x256x128xf32>
    %add3A_53 = arith.addf %sub3A_51, %reshape3A_52 : vector<32x256x128xf32>
    %broadcast_in_dim3A_54 = vector.shape_cast %get3A_24 : vector<1x128xf32> to vector<1x1x128xf32>
    %add3A_55 = vector.broadcast %broadcast_in_dim3A_54 : vector<1x1x128xf32> to vector<32x256x128xf32>
    %add3A_56 = arith.addf %add3A_53, %add3A_55 : vector<32x256x128xf32>
    %max3A_57 = arith.constant 0.000000e+00 : f32
    %max3A_58 = vector.broadcast %max3A_57 : f32 to vector<32x256x128xf32>
    %max3A_59 = arith.maximumf %add3A_56, %max3A_58 : vector<32x256x128xf32>
    %reduce_max3A = arith.constant dense<0xFF800000> : vector<256x128xf32>
    %reduce_max3A_60 = vector.multi_reduction <maximumf>, %max3A_59, %reduce_max3A [0] : vector<32x256x128xf32> to vector<256x128xf32>
    %broadcast_in_dim3A_61 = vector.shape_cast %reduce_max3A_60 : vector<256x128xf32> to vector<1x256x128xf32>
    %sub3A_62 = vector.broadcast %broadcast_in_dim3A_61 : vector<1x256x128xf32> to vector<32x256x128xf32>
    %sub3A_63 = arith.subf %max3A_59, %sub3A_62 : vector<32x256x128xf32>
    %exp3A = math.exp %sub3A_63 : vector<32x256x128xf32>
    %reduce_sum3A_64 = arith.constant dense<0.000000e+00> : vector<256x128xf32>
    %reduce_sum3A_65 = vector.multi_reduction <add>, %exp3A, %reduce_sum3A_64 [0] : vector<32x256x128xf32> to vector<256x128xf32>
    %mul3A = arith.mulf %exp3A, %max3A_33 : vector<32x256x128xf32>
    %reduce_sum3A_66 = arith.constant dense<0.000000e+00> : vector<256x128xf32>
    %reduce_sum3A_67 = vector.multi_reduction <add>, %mul3A, %reduce_sum3A_66 [0] : vector<32x256x128xf32> to vector<256x128xf32>
    %div3A_68 = arith.divf %reduce_sum3A_67, %reduce_sum3A_65 : vector<256x128xf32>
    %swap3A = arith.constant 0 : index
    %swap3A_69 = arith.constant 0 : index
    %swap3A_70 = arith.constant 0 : index
    %swap3A_71 = vector.load %arg9[%swap3A, %swap3A_69, %swap3A_70] : memref<1x256x128xf32, #tpu.memory_space<vmem>>, vector<1x256x128xf32>
    %swap3A_72 = vector.shape_cast %swap3A_71 : vector<1x256x128xf32> to vector<256x128xf32>
    %swap3A_73 = vector.shape_cast %div3A_68 : vector<256x128xf32> to vector<1x256x128xf32>
    tpu.vector_store %arg9[%swap3A, %swap3A_69, %swap3A_70], %swap3A_73 {strides = array<i32>} : memref<1x256x128xf32, #tpu.memory_space<vmem>>, vector<1x256x128xf32>,
    return
  }
  func.func @transform_0(%arg0: i32, %arg1: i32) -> (i32, i32, i32, i32) {
    %c0_i32 = arith.constant 0 : i32
    %c0_i32_0 = arith.constant 0 : i32
    %c0_i32_1 = arith.constant 0 : i32
    return %arg0, %c0_i32, %arg1, %c0_i32_0 : i32, i32, i32, i32
  }
  func.func @transform_1(%arg0: i32, %arg1: i32) -> (i32, i32, i32) {
    %c0_i32 = arith.constant 0 : i32
    %c0_i32_0 = arith.constant 0 : i32
    return %arg0, %arg1, %c0_i32 : i32, i32, i32
  }
  func.func @transform_2(%arg0: i32, %arg1: i32) -> (i32, i32) {
    %c0_i32 = arith.constant 0 : i32
    %c0_i32_0 = arith.constant 0 : i32
    %c0_i32_1 = arith.constant 0 : i32
    return %c0_i32, %c0_i32_0 : i32, i32
  }
  func.func @transform_3(%arg0: i32, %arg1: i32) -> (i32, i32) {
    %c0_i32 = arith.constant 0 : i32
    %c0_i32_0 = arith.constant 0 : i32
    %c0_i32_1 = arith.constant 0 : i32
    return %c0_i32, %c0_i32_0 : i32, i32
  }
  func.func @transform_4(%arg0: i32, %arg1: i32) -> (i32, i32) {
    %c0_i32 = arith.constant 0 : i32
    %c0_i32_0 = arith.constant 0 : i32
    %c0_i32_1 = arith.constant 0 : i32
    return %c0_i32, %c0_i32_0 : i32, i32
  }
  func.func @transform_5(%arg0: i32, %arg1: i32) -> (i32, i32) {
    %c0_i32 = arith.constant 0 : i32
    %c0_i32_0 = arith.constant 0 : i32
    %c0_i32_1 = arith.constant 0 : i32
    return %c0_i32, %c0_i32_0 : i32, i32
  }
  func.func @transform_6(%arg0: i32, %arg1: i32) -> (i32, i32) {
    %c0_i32 = arith.constant 0 : i32
    %c0_i32_0 = arith.constant 0 : i32
    %c0_i32_1 = arith.constant 0 : i32
    return %c0_i32, %c0_i32_0 : i32, i32
  }
  func.func @transform_7(%arg0: i32, %arg1: i32) -> (i32, i32, i32) {
    %c0_i32 = arith.constant 0 : i32
    %c0_i32_0 = arith.constant 0 : i32
    return %arg0, %arg1, %c0_i32 : i32, i32, i32
  }
}

</mosaic_0001>

<sc_bundles>
// kernel: gather_offload_async_start
scs
__scs_entry_jumppad:
0x0: {  	(pc) =	sbr.rel $0x88, $3  }
0x1: {  	(tag) =	ssettag $0x0;
	lr =	simm.s32 $0x1  }
0x2: {  	[smem:$0x3F97] =	sst lr;
	_ =	strace $0xD0000000  }
0x3: {  	_ = 	snop  }
0x4: {  	_ = 	snop  }
0x5: {  	_ = 	snop  }
0x6: {  	_ = 	snop  }
0x7: {  	_ = 	snop  }
__scs_overlays_trampoline_lowered:
0x8: {  	[smem:$0x3FA6] =	sst s0  }
0x9: {  	[smem:$0x3FA7] =	sst s1  }
0xa: {  	[smem:$0x3FA8] =	sst s2  }
0xb: {  	[smem:$0x3FA9] =	sst s3  }
0xc: {  	[smem:$0x3FAA] =	sst s4  }
0xd: {  	[smem:$0x3FAB] =	sst s5  }
0xe: {  	[smem:$0x3FAC] =	sst s6  }
0xf: {  	[smem:$0x3FAD] =	sst s7  }
0x10: {  	[smem:$0x3FAE] =	sst s8  }
0x11: {  	[smem:$0x3FAF] =	sst s9;
	s0 =	simm.s32 @!p0 $0x0  }
0x12: {  	s1 =	sld [smem:$0x3F95];
	s0 =	simm.s32 @p0 $0x1  }
0x13: {  	[smem:$0x3FB0] =	sst s0;
	s0 =	simm.s32 @!p1 $0x0  }
0x14: {  	s2 =	sld [smem:$0x3F94];
	s0 =	simm.s32 @p1 $0x1  }
0x15: {  	[smem:$0x3FB1] =	sst s0;
	s0 =	simm.s32 @!p2 $0x0  }
0x16: {  	s3 =	sld [smem:$0x3FDB];
	s0 =	simm.s32 @p2 $0x1  }
0x17: {  	s4 =	simm.s32 $0x1BF5;
	[smem:$0x3FB3] =	sst s0  }
0x18: {  	s0 =	sld [smem:$0x3F96];
	_ =	swait.ge [sflag:s4], $0x0  }
0x19: {  	s7 =	sld [smem:$0x3F97]  }
0x1a: {  	s8 =	sadd.s32 $0xFFFFE003, lr  }
0x1b: {  	s9 =	sadd.s32 $0xFFFFFEF7, lr;
	s5 =	simm.s32 $0xFFFFFFFF;
	p2 =	slt.u32 s8, $0xFFFFF086  }
0x1c: {  	p1 =	slt.u32 s9, $0xF7A;
	s5 =	simm.s32 @!p2 $0x0  }
0x1d: {  	s5 =	simm.s32 @p1 $0x1;
	p0 =	seq.s32 s7, s2  }
0x1e: {  	s7 =	smul.u32 @!p0 $0xF7A, s2;
	p2 =	seq.s32 @!p0 s5, $0x0  }
0x1f: {  	s9 =	smul.u32 $0xF7A, s1;
	s8 =	simm.s32 @!p0 $0x1BF5;
	p2 =	por !p2, p0  }
0x20: {  	[sflag:s8] =	ssyncset.s32 @!p0 $0xFFFFF086;
	s6 =	sadd.s32 @!p0 s3, s7;
	s7 =	simm.s32 @!p0 $0x108  }
0x21: {  	s3 =	sadd.s32 s3, s9;
	s6 =	sadd.s32 @!p0 $0x88, s6;
	s7 =	simm.s32 @p2 $0x1082  }
0x22: {  	[simem:s7], [sflag:s8] =	dma.local @!p0 [hbm:s6], $0xF7A  }
0x23: {  	s9 =	sor.u32 $0xD0000000, s2;
	s6 =	simm.s32 $0x108;
	_ =	swait.ge @!p0 [sflag:s8], $0x0  }
0x24: {  	s3 =	sadd.s32 $0x88, s3;
	s6 =	simm.s32 @!p1 $0x1082;
	[sflag:s4] =	ssyncset.s32 $0xFFFFF086  }
0x25: {  	[simem:s6], [sflag:s4] =	dma.local [hbm:s3], $0xF7A  }
0x26: {  	[smem:$0x3F97] =	sst s1;
	(tag) =	ssettag s2;
	_ =	strace s9  }
0x27: {  	s1 =	sld [smem:$0x3FA7]  }
0x28: {  	s2 =	sld [smem:$0x3FA8]  }
0x29: {  	s4 =	sld [smem:$0x3FAA]  }
0x2a: {  	p0 =	seq.s32 s5, $0x0;
	s5 =	sld [smem:$0x3FAB]  }
0x2b: {  	s6 =	sld [smem:$0x3FAC]  }
0x2c: {  	s7 =	sld [smem:$0x3FAD]  }
0x2d: {  	s3 =	simm.s32 $0x108;
	s8 =	sld [smem:$0x3FAE]  }
0x2e: {  	s3 =	simm.s32 @!p0 $0x1082;
	s9 =	sld [smem:$0x3FAF]  }
0x2f: {  	lr =	sadd.s32 s0, s3;
	s0 =	sld [smem:$0x3FA6]  }
0x30: {  	s3 =	sld [smem:$0x3FA9]  }
0x31: {  	[smem:$0x3FB2] =	sst s10  }
0x32: {  	s10 =	sld [smem:$0x3FB0];
	_ =	sdelay $0x3  }
0x33: {  	p0 =	seq.s32 s10, $0x1;
	s10 =	sld [smem:$0x3FB2];
	_ =	sdelay $0x3  }
0x34: {  	[smem:$0x3FB2] =	sst s10  }
0x35: {  	s10 =	sld [smem:$0x3FB1];
	_ =	sdelay $0x3  }
0x36: {  	p1 =	seq.s32 s10, $0x1;
	s10 =	sld [smem:$0x3FB2];
	_ =	sdelay $0x3  }
0x37: {  	[smem:$0x3FB2] =	sst s10  }
0x38: {  	s10 =	sld [smem:$0x3FB3]  }
0x39: {  	_ = 	snop;
	(pc) =	sbr.ind lr, $3  }
0x3a: {  	_ = 	snop  }
0x3b: {  	_ = 	snop  }
0x3c: {  	p2 =	seq.s32 s10, $0x1;
	s10 =	sld [smem:$0x3FB2]  }
0x3d: {  	_ =	shalt  }
0x3e: {  	_ =	shalt  }
0x3f: {  	_ =	shalt  }
0x40: {  	_ =	shalt  }
0x41: {  	_ =	shalt  }
0x42: {  	_ =	shalt  }
0x43: {  	_ =	shalt  }
0x44: {  	_ =	shalt  }
0x45: {  	_ =	shalt  }
0x46: {  	_ =	shalt  }
0x47: {  	_ =	shalt  }
0x48: {  	_ =	shalt  }
0x49: {  	_ =	shalt  }
0x4a: {  	_ =	shalt  }
0x4b: {  	_ =	shalt  }
0x4c: {  	_ =	shalt  }
0x4d: {  	_ =	shalt  }
0x4e: {  	_ =	shalt  }
0x4f: {  	_ =	shalt  }
0x50: {  	_ =	shalt  }
0x51: {  	_ =	shalt  }
0x52: {  	_ =	shalt  }
0x53: {  	_ =	shalt  }
0x54: {  	_ =	shalt  }
0x55: {  	_ =	shalt  }
0x56: {  	_ =	shalt  }
0x57: {  	_ =	shalt  }
0x58: {  	_ =	shalt  }
0x59: {  	_ =	shalt  }
0x5a: {  	_ =	shalt  }
0x5b: {  	_ =	shalt  }
0x5c: {  	_ =	shalt  }
0x5d: {  	_ =	shalt  }
0x5e: {  	_ =	shalt  }
0x5f: {  	_ =	shalt  }
0x60: {  	_ =	shalt  }
0x61: {  	_ =	shalt  }
0x62: {  	_ =	shalt  }
0x63: {  	_ =	shalt  }
0x64: {  	_ =	shalt  }
0x65: {  	_ =	shalt  }
0x66: {  	_ =	shalt  }
0x67: {  	_ =	shalt  }
0x68: {  	_ =	shalt  }
0x69: {  	_ =	shalt  }
0x6a: {  	_ =	shalt  }
0x6b: {  	_ =	shalt  }
0x6c: {  	_ =	shalt  }
0x6d: {  	_ =	shalt  }
0x6e: {  	_ =	shalt  }
0x6f: {  	_ =	shalt  }
0x70: {  	_ =	shalt  }
0x71: {  	_ =	shalt  }
0x72: {  	_ =	shalt  }
0x73: {  	_ =	shalt  }
0x74: {  	_ =	shalt  }
0x75: {  	_ =	shalt  }
0x76: {  	_ =	shalt  }
0x77: {  	_ =	shalt  }
0x78: {  	_ =	shalt  }
0x79: {  	_ =	shalt  }
0x7a: {  	_ =	shalt  }
0x7b: {  	_ =	shalt  }
0x7c: {  	_ =	shalt  }
0x7d: {  	_ =	shalt  }
0x7e: {  	_ =	shalt  }
0x7f: {  	_ =	shalt  }
0x80: {  	_ =	shalt  }
0x81: {  	_ =	shalt  }
0x82: {  	_ =	shalt  }
0x83: {  	_ =	shalt  }
0x84: {  	_ =	shalt  }
0x85: {  	_ =	shalt  }
0x86: {  	_ =	shalt  }
0x87: {  	_ =	shalt  }
.Lfunc_end0:
.L_simem_size_0:
called_computation_lowered:
.L_overlay_start_0:
0x88: {  	s2 =	sld [smem:$0x3FD9]  }
0x89: {  	s3 =	sld [smem:$0x3FFE];
	_ =	sdelay $0x1  }
0x8a: {  	s1 =	srdreg.scid  }
0x8b: {  	s0 =	sand.u32 $0x1, s1  }
0x8c: {  	s14 =	sshll.u32 s0, $0xA;
	s2 =	sadd.s32 s3, s2  }
0x8d: {  	s2 =	sadd.s32 s2, s14  }
0x8e: {  	[smem:$0x3FBE] =	sst s2  }
0x8f: {  	_ = 	snop  }
0x90: {  	s2 =	sld [smem:$0x3FD0];
	_ =	sdelay $0x2  }
0x91: {  	s15 =	simm.s32 $0xA;
	s4 =	simm.s32 $0x10  }
0x92: {  	[smem:s4], [sflag:s15] =	dma.local [hbm:s2], $0x1  }
0x93: {  	_ =	swait.eq [sflag:s15], $0x1  }
0x94: {  	[sflag:s15] =	ssyncset.done $0x0  }
0x95: {  	[sflag:s15] =	ssyncadd.s32 $0xFFFFFFFF  }
0x96: {  	s16 =	sld [smem:$0x10];
	(tm) =	ssettm $0x1  }
0x97: {  	s17 =	sld [smem:$0x3FFB];
	_ =	sdelay $0x3  }
0x98: {  	_ =	strace s17  }
0x99: {  	s3 =	sld [smem:$0x3FFC];
	_ =	sdelay $0x3  }
0x9a: {  	_ =	strace s3  }
0x9b: {  	s3 =	sld [smem:$0x3FFD];
	_ =	sdelay $0x3  }
0x9c: {  	_ =	strace s3  }
0x9d: {  	_ =	strace $0x8FFFFFFF  }
0x9e: {  	s18 =	sld [smem:$0x3FDB];
	_ =	sdelay $0x1  }
0x9f: {  	s19 =	simm.s32 $_scs_section_size  }
0xa0: {  	s5 =	simm.s32 $_size__tile_overlayer_lowered;
	s6 =	simm.s32 $_tile_overlayer_lowered  }
0xa1: {  	s22 =	simm.s32 $0x1BFF;
	s21 =	sshll.u32 s6, $0x1;
	s3 =	sadd.s32 s19, s18  }
0xa2: {  	s7 =	simm.s32 $0x0;
	s20 =	sshll.u32 s5, $0x1;
	s5 =	sadd.s32 s21, s3  }
0xa3: {  	[timem:s7], [sflag:s22] =	dma.local [hbm:s5], s20  }
0xa4: {  	_ =	swait.ge [sflag:s22], s20  }
0xa5: {  	s4 =	ssub.s32 $0x0, s20;
	[sflag:s22] =	ssyncset.done $0x0  }
0xa6: {  	[sflag:s22] =	ssyncadd.s32 s4;
	_ =	sdelay $0x1  }
0xa7: {  	s23 =	simm.s32 $0x1B8B  }
0xa8: {  	_ =	swait.ge [sflag:s23], $0x1  }
0xa9: {  	[sflag:s23] =	ssyncset.done $0x0  }
0xaa: {  	s25 =	simm.s32 $0x1B8E;
	s24 =	sld [smem:$0x3FFE];
	[sflag:s23] =	ssyncadd.s32 $0xFFFFFFFF  }
0xab: {  	s26 =	simm.s32 $execute0_lowered;
	[smem:$0x3FD2] =	sst s25  }
0xac: {  	s5 =	sshll.u32 s26, $0x1;
	_ =	strace $0x80000046;
	[dreg:$0x1] =	wrdreg $0xFFFFFFFF  }
0xad: {  	s28 =	simm.s32 $_size_execute0_lowered;
	s3 =	sadd.s32 s3, s5;
	[dreg:$0x0] =	wrdreg $0x0  }
0xae: {  	s5 =	sshll.u32 s28, $0x1;
	[dreg:$0x2] =	wrdreg s3  }
0xaf: {  	[dreg:$0x3] =	wrdreg s5  }
0xb0: {  	[dreg:$0x4] =	wrdreg $0xC0  }
0xb1: {  	_ =	task [dreg:s7], $0x5FFFF  }
0xb2: {  	[dreg:$0x1] =	wrdreg $0xFFFFFFFF  }
0xb3: {  	[dreg:$0x0] =	wrdreg $0x60  }
0xb4: {  	[dreg:$0x2] =	wrdreg s24  }
0xb5: {  	[dreg:$0x3] =	wrdreg s16  }
0xb6: {  	[dreg:$0x4] =	wrdreg $0x9  }
0xb7: {  	_ =	task.clear_ibuf [dreg:s7], $0x5FFFF;
	_ =	strace $0x90000046  }
0xb8: {  	s29 =	simm.s32 $0x9;
	_ =	strace $0x80000048  }
0xb9: {  	_ =	swait.ge [sflag:s29], $0x1  }
0xba: {  	[sflag:s29] =	ssyncadd.s32 $0xFFFFFFFF  }
0xbb: {  	_ =	strace $0x90000048  }
0xbc: {  	_ =	sfence  }
0xbd: {  	s30 =	sld [smem:$0x0];
	_ =	sdelay $0x2  }
0xbe: {  	s31 =	sshll.u32 s1, $0xD;
	s1 =	sshrl.u32 s1, $0x2  }
0xbf: {  	s3 =	sand.u32 $0x4000, s31;
	s1 =	sadd.s32 s1, s30  }
0xc0: {  	s0 =	sor.u32 s3, s0;
	s1 =	sshll.u32 s1, $0x11  }
0xc1: {  	s0 =	sor.u32 s1, s0  }
0xc2: {  	s0 =	sadd.s32 $0x8F2B, s0  }
0xc3: {  	[sflag:s0] =	ssyncadd.remote.s32 $0x1  }
0xc4: {  	_ =	sfence.sel $0xFFFF  }
0xc5: {  	[dreg:$0x0] =	wrdreg $0xFFFFFFFF;
	(pc) =	sbr.abs _section_cstart, $3  }
0xc6: {  	[dreg:$0x1] =	wrdreg $0xFFFFFFFF  }
0xc7: {  	_ =	task.clear_ibuf [dreg:s7], $0x2FFFF;
	_ =	strace $0x9FFFFFFF  }
0xc8: {  	(tm) =	ssettm $0x7FFFFFFF  }
0xc9: {  	_ =	shalt  }
tec
execute0_lowered:
.L_overlay_start_1:
0x0: {  	(tag) =	ssettag $0x1  }
0x1: {  	s7 =	rddreg [dreg:$0x0]  }
0x2: {  	s2 =	rddreg [dreg:$0x1]  }
0x3: {  	s0 =	rddreg [dreg:$0x2]  }
0x4: {  	s1 =	srdreg.scid;
	_ =	strace $0x80000047;
	s4 =	simm.s32 $0x1  }
0x5: {  	s9 =	simm.s32 $0x3;
	s12 =	simm.s32 $0x0;
	s5 =	sshll.u32 s1, $0x4  }
.Ltmp0:
0x6: {  	s1 =	stileid.u32;
	s5 =	sand.u32 $0x10, s5;
	(pc) =	sbr.rel .LBB2_1-.Ltmp0, $4  }
0x7: {  	s10 =	simm.s32 $0x0;
	s3 =	sadd.s32 $0x2800, s7;
	s6 =	sor.u32 s1, s5  }
0x8: {  	[sflag:s4] =	ssyncpa.u1 $0x0;
	s5 =	simm.s32 $0x2;
	s6 =	sshll.u32 s6, $0x6  }
0x9: {  	s7 =	sadd.s32 $0x182800, s7;
	[sflag:s5] =	ssyncpa.u1 $0x0;
	s8 =	sadd.s32 $0x40, s6  }
0xa: {  	vm0 =	vmmov $0xffff;
	[sflag:s9] =	ssyncpa.u1 $0x0;
	s9 =	simm.s32 $0x40;
	s11 =	smov.u32 s6  }
.LBB2_9:
0xb: {  	p0 =	seq.s32 s10, $0x2  }
.Ltmp1:
0xc: {  	_ = 	snop;
	(pc) =	sbr.rel @p0 .LBB2_11-.Ltmp1, $1  }
0xd: {  	_ =	sdelay $0x3  }
.LBB2_10:
0xe: {  	s12 =	sadd.s32 $0x40, s11  }
0xf: {  	s13 =	smov.u32 s6;
	p0 =	slt.s32 s12, s8  }
0x10: {  	s13 =	smov.u32 @p0 s12  }
0x11: {  	s10 =	sadd.s32 $0x1, s10;
	s12 =	smov.u32 s11;
	s11 =	smov.u32 s13  }
.LBB2_1:
0x12: {  	p0 =	sne.s32 s10, $0x0  }
.Ltmp2:
0x13: {  	_ = 	snop;
	(pc) =	sbr.rel @!p0 .LBB2_2-.Ltmp2, $1  }
0x14: {  	_ =	sdelay $0x3  }
0x15: {  	s13 =	sand.u32 $0x1, s10  }
0x16: {  	p0 =	seq.s32 s13, $0x0  }
.Ltmp3:
0x17: {  	_ = 	snop;
	(pc) =	sbr.rel @p0 .LBB2_9-.Ltmp3, $1  }
0x18: {  	_ =	sdelay $0x3  }
0x19: {  	_ =	swait.ge [sflag:s5], $0x40  }
0x1a: {  	[sflag:s5] =	ssyncset.done $0x0  }
0x1b: {  	s13 =	simm.s32 $0x0;
	[sflag:s5] =	ssyncadd.s32 $0xFFFFFFC0  }
0x1c: {  	v0 =	vld.msk [tilespmem:s13+$0x40 ss:$0x1], $0xffff;
	_ =	sdelay $0x4  }
0x1d: {  	vm1 =	vgt.s32 v0, $0x0  }
0x1e: {  	v0 =	vnsel vm1, $0x0, v0  }
0x1f: {  	v0 =	vmin.u32 v0, $0x1FFF  }
0x20: {  	v0 =	vshll.u32 v0, $0x6;
	_ =	sdelay $0x3  }
0x21: {  	s14 =	simm.s32 $0x10;
	s13 =	simm.s32 $0x8080  }
0x22: {  	[tilespmem:s13], [sflag:$0x1] =	stream.indirect_vreg.gather [hbm:s3], $0x200, v0, vm0, $0x38;
	[tilespmem:$0x10080] =	vst v63  }
0x23: {  	v0 =	vld.msk [tilespmem:s14+$0x40 ss:$0x1], $0xffff;
	s14 =	simm.s32 $0x80  }
.LBB2_5:
0x24: {  	p0 =	sne.s32 s14, $0xC0;
	_ =	sdelay $0x4  }
0x25: {  	vm1 =	vgt.s32 v0, $0x0  }
0x26: {  	v0 =	vnsel vm1, $0x0, v0  }
0x27: {  	v0 =	vmin.u32 v0, $0x1FFF  }
0x28: {  	v0 =	vshll.u32 v0, $0x6;
	_ =	sdelay $0x1  }
.Ltmp4:
0x29: {  	(pc) =	sbr.rel @p0 .LBB2_5-.Ltmp4, $4  }
0x2a: {  	_ = 	snop  }
0x2b: {  	s15 =	sshra.s32 s14, $0x2;
	s13 =	sadd.s32 $0x2000, s13  }
0x2c: {  	[tilespmem:s13], [sflag:$0x1] =	stream.indirect_vreg.gather [hbm:s3], $0x200, v0, vm0, $0x38;
	[tilespmem:$0x10080] =	vst v63  }
0x2d: {  	s14 =	sadd.s32 $0x40, s14;
	v0 =	vld.msk [tilespmem:s15+$0x40 ss:$0x1], $0xffff  }
0x2e: {  	_ =	sdelay $0x3  }
0x2f: {  	vm1 =	vgt.s32 v0, $0x0  }
0x30: {  	v0 =	vnsel vm1, $0x0, v0  }
0x31: {  	v0 =	vmin.u32 v0, $0x1FFF  }
0x32: {  	v0 =	vshll.u32 v0, $0x6;
	_ =	sdelay $0x3  }
0x33: {  	s13 =	sadd.s32 $0x2000, s13  }
0x34: {  	[tilespmem:s13], [sflag:$0x1] =	stream.indirect_vreg.gather [hbm:s3], $0x200, v0, vm0, $0x38;
	[tilespmem:$0x10080] =	vst v63  }
0x35: {  	s12 =	sshll.u32 s12, $0x6;
	s14 =	simm.s32 $0x40;
	_ =	swait.ge [sflag:s4], $0x8000  }
0x36: {  	s15 =	simm.s32 $0x8280;
	s12 =	sadd.s32 s12, s7;
	[sflag:s4] =	ssyncset.done $0x0  }
0x37: {  	s16 =	sadd.s32 $0x0, s12;
	s13 =	simm.s32 $0x8080;
	[sflag:s4] =	ssyncadd.s32 $0xFFFF8000  }
.LBB2_7:
0x38: {  	[hbm:s16] =	stream.linear.scatter [tilespmem:s13], [sflag:$0x3], $0x200, $0x38;
	[tilespmem:$0x10080] =	vst v63  }
0x39: {  	s16 =	smov.u32 s14;
	s13 =	smov.u32 s15;
	p0 =	sne.s32 s14, $0xFC0  }
.Ltmp5:
0x3a: {  	s14 =	sadd.s32 $0x40, s14;
	(pc) =	sbr.rel @p0 .LBB2_7-.Ltmp5, $2  }
0x3b: {  	_ =	sdelay $0x2  }
0x3c: {  	s15 =	sadd.s32 $0x200, s15;
	s16 =	sadd.s32 s16, s12  }
.Ltmp6:
0x3d: {  	(pc) =	sbr.rel .LBB2_9-.Ltmp6, $2  }
0x3e: {  	_ =	sdelay $0x2  }
0x3f: {  	[hbm:s16] =	stream.linear.scatter [tilespmem:s13], [sflag:$0x3], $0x200, $0x38;
	[tilespmem:$0x10080] =	vst v63  }
.LBB2_2:
.Ltmp7:
0x40: {  	(pc) =	sbr.rel .LBB2_10-.Ltmp7, $4  }
0x41: {  	_ = 	snop  }
0x42: {  	s12 =	sshrl.u32 s11, $0x3  }
0x43: {  	s13 =	sand.u32 $0x7, s11;
	s12 =	sadd.s32 s2, s12  }
0x44: {  	[tilespmem:s9], [sflag:$0x2] =	stream.linear.gather [hbm4b:s12+s13], $0x40, $0x38;
	[tilespmem:$0x10080] =	vst v63  }
.LBB2_11:
0x45: {  	s2 =	simm.s32 $0x3  }
0x46: {  	_ =	swait.ge [sflag:s2], $0x8000  }
0x47: {  	[sflag:s2] =	ssyncset.done $0x0  }
0x48: {  	[sflag:s2] =	ssyncadd.s32 $0xFFFF8000  }
0x49: {  	_ =	sfence.sel $0x180000  }
0x4a: {  	s3 =	simm.s32 $0x2;
	[bflag:$0x0] =	sbarrier.arrive $0xFFFF  }
0x4b: {  	[sflag:s3] =	ssyncpa.u1 $0x1  }
0x4c: {  	s31 =	simm.s32 $0x1;
	[sflag:s2] =	ssyncpa.u1 $0x1  }
0x4d: {  	[sflag:s31] =	ssyncpa.u1 $0x1  }
0x4e: {  	p0 =	sne.s32 s1, $0x0;
	_ =	strace $0x90000047  }
0x4f: {  	s0 =	sadd.s32 @!p0 $0x100000, s0;
	[bflag:$0x2] =	sbarrier.arrive $0xFFFF  }
0x50: {  	[sflag:s0] =	ssyncadd.tile.s32 @!p0 $0x1;
	_ =	shalt  }
.Lfunc_end2:
_tile_overlayer_lowered:
.L_overlay_start_2:
0x51: {  	(tag) =	ssettag $0x2  }
0x52: {  	s0 =	rddreg [dreg:$0x0];
	s2 =	stileid.u32  }
0x53: {  	s1 =	rddreg [dreg:$0x1];
	p0 =	sne.s32 s2, $0x0  }
0x54: {  	s3 =	rddreg [dreg:$0x2];
	[bflag:$0x3] =	sbarrier.arrive $0xFFFF;
	s2 =	simm.s32 @!p0 $0x1C01  }
0x55: {  	[timem:s3], [sflag:s2] =	dma.local @!p0 [hbm:s0], s1  }
0x56: {  	s0 =	simm.s32 @!p0 $0x1  }
0x57: {  	_ =	swait.ge @!p0 [sflag:s0], s1  }
0x58: {  	s1 =	ssub.s32 @!p0 $0x0, s1;
	[sflag:s0] =	ssyncset.done @!p0 $0x0  }
0x59: {  	[sflag:s0] =	ssyncadd.s32 @!p0 s1  }
0x5a: {  	[bflag:$0x3] =	sbarrier.arrive $0xFFFF  }
0x5b: {  	_ =	shalt  }

// kernel: kernel.5.cloned.1.call-start
scs
__scs_entry_jumppad:
0x0: {  	(pc) =	sbr.rel $0x88, $3  }
0x1: {  	(tag) =	ssettag $0x0;
	lr =	simm.s32 $0x1  }
0x2: {  	[smem:$0x3F97] =	sst lr;
	_ =	strace $0xD0000000  }
0x3: {  	_ = 	snop  }
0x4: {  	_ = 	snop  }
0x5: {  	_ = 	snop  }
0x6: {  	_ = 	snop  }
0x7: {  	_ = 	snop  }
__scs_overlays_trampoline_lowered:
0x8: {  	[smem:$0x3FA6] =	sst s0  }
0x9: {  	[smem:$0x3FA7] =	sst s1  }
0xa: {  	[smem:$0x3FA8] =	sst s2  }
0xb: {  	[smem:$0x3FA9] =	sst s3  }
0xc: {  	[smem:$0x3FAA] =	sst s4  }
0xd: {  	[smem:$0x3FAB] =	sst s5  }
0xe: {  	[smem:$0x3FAC] =	sst s6  }
0xf: {  	[smem:$0x3FAD] =	sst s7  }
0x10: {  	[smem:$0x3FAE] =	sst s8  }
0x11: {  	[smem:$0x3FAF] =	sst s9;
	s0 =	simm.s32 @!p0 $0x0  }
0x12: {  	s1 =	sld [smem:$0x3F95];
	s0 =	simm.s32 @p0 $0x1  }
0x13: {  	[smem:$0x3FB0] =	sst s0;
	s0 =	simm.s32 @!p1 $0x0  }
0x14: {  	s2 =	sld [smem:$0x3F94];
	s0 =	simm.s32 @p1 $0x1  }
0x15: {  	[smem:$0x3FB1] =	sst s0;
	s0 =	simm.s32 @!p2 $0x0  }
0x16: {  	s3 =	sld [smem:$0x3FDB];
	s0 =	simm.s32 @p2 $0x1  }
0x17: {  	s4 =	simm.s32 $0x1BF5;
	[smem:$0x3FB3] =	sst s0  }
0x18: {  	s0 =	sld [smem:$0x3F96];
	_ =	swait.ge [sflag:s4], $0x0  }
0x19: {  	s7 =	sld [smem:$0x3F97]  }
0x1a: {  	s8 =	sadd.s32 $0xFFFFE003, lr  }
0x1b: {  	s9 =	sadd.s32 $0xFFFFFEF7, lr;
	s5 =	simm.s32 $0xFFFFFFFF;
	p2 =	slt.u32 s8, $0xFFFFF086  }
0x1c: {  	p1 =	slt.u32 s9, $0xF7A;
	s5 =	simm.s32 @!p2 $0x0  }
0x1d: {  	s5 =	simm.s32 @p1 $0x1;
	p0 =	seq.s32 s7, s2  }
0x1e: {  	s7 =	smul.u32 @!p0 $0xF7A, s2;
	p2 =	seq.s32 @!p0 s5, $0x0  }
0x1f: {  	s9 =	smul.u32 $0xF7A, s1;
	s8 =	simm.s32 @!p0 $0x1BF5;
	p2 =	por !p2, p0  }
0x20: {  	[sflag:s8] =	ssyncset.s32 @!p0 $0xFFFFF086;
	s6 =	sadd.s32 @!p0 s3, s7;
	s7 =	simm.s32 @!p0 $0x108  }
0x21: {  	s3 =	sadd.s32 s3, s9;
	s6 =	sadd.s32 @!p0 $0x88, s6;
	s7 =	simm.s32 @p2 $0x1082  }
0x22: {  	[simem:s7], [sflag:s8] =	dma.local @!p0 [hbm:s6], $0xF7A  }
0x23: {  	s9 =	sor.u32 $0xD0000000, s2;
	s6 =	simm.s32 $0x108;
	_ =	swait.ge @!p0 [sflag:s8], $0x0  }
0x24: {  	s3 =	sadd.s32 $0x88, s3;
	s6 =	simm.s32 @!p1 $0x1082;
	[sflag:s4] =	ssyncset.s32 $0xFFFFF086  }
0x25: {  	[simem:s6], [sflag:s4] =	dma.local [hbm:s3], $0xF7A  }
0x26: {  	[smem:$0x3F97] =	sst s1;
	(tag) =	ssettag s2;
	_ =	strace s9  }
0x27: {  	s1 =	sld [smem:$0x3FA7]  }
0x28: {  	s2 =	sld [smem:$0x3FA8]  }
0x29: {  	s4 =	sld [smem:$0x3FAA]  }
0x2a: {  	p0 =	seq.s32 s5, $0x0;
	s5 =	sld [smem:$0x3FAB]  }
0x2b: {  	s6 =	sld [smem:$0x3FAC]  }
0x2c: {  	s7 =	sld [smem:$0x3FAD]  }
0x2d: {  	s3 =	simm.s32 $0x108;
	s8 =	sld [smem:$0x3FAE]  }
0x2e: {  	s3 =	simm.s32 @!p0 $0x1082;
	s9 =	sld [smem:$0x3FAF]  }
0x2f: {  	lr =	sadd.s32 s0, s3;
	s0 =	sld [smem:$0x3FA6]  }
0x30: {  	s3 =	sld [smem:$0x3FA9]  }
0x31: {  	[smem:$0x3FB2] =	sst s10  }
0x32: {  	s10 =	sld [smem:$0x3FB0];
	_ =	sdelay $0x3  }
0x33: {  	p0 =	seq.s32 s10, $0x1;
	s10 =	sld [smem:$0x3FB2];
	_ =	sdelay $0x3  }
0x34: {  	[smem:$0x3FB2] =	sst s10  }
0x35: {  	s10 =	sld [smem:$0x3FB1];
	_ =	sdelay $0x3  }
0x36: {  	p1 =	seq.s32 s10, $0x1;
	s10 =	sld [smem:$0x3FB2];
	_ =	sdelay $0x3  }
0x37: {  	[smem:$0x3FB2] =	sst s10  }
0x38: {  	s10 =	sld [smem:$0x3FB3]  }
0x39: {  	_ = 	snop;
	(pc) =	sbr.ind lr, $3  }
0x3a: {  	_ = 	snop  }
0x3b: {  	_ = 	snop  }
0x3c: {  	p2 =	seq.s32 s10, $0x1;
	s10 =	sld [smem:$0x3FB2]  }
0x3d: {  	_ =	shalt  }
0x3e: {  	_ =	shalt  }
0x3f: {  	_ =	shalt  }
0x40: {  	_ =	shalt  }
0x41: {  	_ =	shalt  }
0x42: {  	_ =	shalt  }
0x43: {  	_ =	shalt  }
0x44: {  	_ =	shalt  }
0x45: {  	_ =	shalt  }
0x46: {  	_ =	shalt  }
0x47: {  	_ =	shalt  }
0x48: {  	_ =	shalt  }
0x49: {  	_ =	shalt  }
0x4a: {  	_ =	shalt  }
0x4b: {  	_ =	shalt  }
0x4c: {  	_ =	shalt  }
0x4d: {  	_ =	shalt  }
0x4e: {  	_ =	shalt  }
0x4f: {  	_ =	shalt  }
0x50: {  	_ =	shalt  }
0x51: {  	_ =	shalt  }
0x52: {  	_ =	shalt  }
0x53: {  	_ =	shalt  }
0x54: {  	_ =	shalt  }
0x55: {  	_ =	shalt  }
0x56: {  	_ =	shalt  }
0x57: {  	_ =	shalt  }
0x58: {  	_ =	shalt  }
0x59: {  	_ =	shalt  }
0x5a: {  	_ =	shalt  }
0x5b: {  	_ =	shalt  }
0x5c: {  	_ =	shalt  }
0x5d: {  	_ =	shalt  }
0x5e: {  	_ =	shalt  }
0x5f: {  	_ =	shalt  }
0x60: {  	_ =	shalt  }
0x61: {  	_ =	shalt  }
0x62: {  	_ =	shalt  }
0x63: {  	_ =	shalt  }
0x64: {  	_ =	shalt  }
0x65: {  	_ =	shalt  }
0x66: {  	_ =	shalt  }
0x67: {  	_ =	shalt  }
0x68: {  	_ =	shalt  }
0x69: {  	_ =	shalt  }
0x6a: {  	_ =	shalt  }
0x6b: {  	_ =	shalt  }
0x6c: {  	_ =	shalt  }
0x6d: {  	_ =	shalt  }
0x6e: {  	_ =	shalt  }
0x6f: {  	_ =	shalt  }
0x70: {  	_ =	shalt  }
0x71: {  	_ =	shalt  }
0x72: {  	_ =	shalt  }
0x73: {  	_ =	shalt  }
0x74: {  	_ =	shalt  }
0x75: {  	_ =	shalt  }
0x76: {  	_ =	shalt  }
0x77: {  	_ =	shalt  }
0x78: {  	_ =	shalt  }
0x79: {  	_ =	shalt  }
0x7a: {  	_ =	shalt  }
0x7b: {  	_ =	shalt  }
0x7c: {  	_ =	shalt  }
0x7d: {  	_ =	shalt  }
0x7e: {  	_ =	shalt  }
0x7f: {  	_ =	shalt  }
0x80: {  	_ =	shalt  }
0x81: {  	_ =	shalt  }
0x82: {  	_ =	shalt  }
0x83: {  	_ =	shalt  }
0x84: {  	_ =	shalt  }
0x85: {  	_ =	shalt  }
0x86: {  	_ =	shalt  }
0x87: {  	_ =	shalt  }
.Lfunc_end0:
.L_simem_size_0:
called_computation.1_lowered:
.L_overlay_start_0:
0x88: {  	s2 =	sld [smem:$0x3FD9]  }
0x89: {  	s3 =	sld [smem:$0x3FFE];
	_ =	sdelay $0x1  }
0x8a: {  	s1 =	srdreg.scid  }
0x8b: {  	s0 =	sand.u32 $0x1, s1  }
0x8c: {  	s16 =	sshll.u32 s0, $0xA;
	s2 =	sadd.s32 s3, s2  }
0x8d: {  	s2 =	sadd.s32 s2, s16  }
0x8e: {  	[smem:$0x3FBE] =	sst s2  }
0x8f: {  	_ = 	snop  }
0x90: {  	(tm) =	ssettm $0x1  }
0x91: {  	s17 =	sld [smem:$0x3FFB];
	_ =	sdelay $0x3  }
0x92: {  	_ =	strace s17  }
0x93: {  	s2 =	sld [smem:$0x3FFC];
	_ =	sdelay $0x3  }
0x94: {  	_ =	strace s2  }
0x95: {  	s2 =	sld [smem:$0x3FFD];
	_ =	sdelay $0x3  }
0x96: {  	_ =	strace s2  }
0x97: {  	_ =	strace $0x8FFFFFFF  }
0x98: {  	s18 =	sld [smem:$0x3FDB];
	_ =	sdelay $0x1  }
0x99: {  	s19 =	simm.s32 $_scs_section_size  }
0x9a: {  	s4 =	simm.s32 $_size__tile_overlayer_lowered;
	s5 =	simm.s32 $_tile_overlayer_lowered  }
0x9b: {  	s22 =	simm.s32 $0x1BFF;
	s21 =	sshll.u32 s5, $0x1;
	s2 =	sadd.s32 s19, s18  }
0x9c: {  	s6 =	simm.s32 $0x0;
	s20 =	sshll.u32 s4, $0x1;
	s4 =	sadd.s32 s21, s2  }
0x9d: {  	[timem:s6], [sflag:s22] =	dma.local [hbm:s4], s20  }
0x9e: {  	_ =	swait.ge [sflag:s22], s20  }
0x9f: {  	s3 =	ssub.s32 $0x0, s20;
	[sflag:s22] =	ssyncset.done $0x0  }
0xa0: {  	[sflag:s22] =	ssyncadd.s32 s3;
	_ =	sdelay $0x1  }
0xa1: {  	s23 =	simm.s32 $0x1B8B  }
0xa2: {  	_ =	swait.ge [sflag:s23], $0x1  }
0xa3: {  	[sflag:s23] =	ssyncset.done $0x0  }
0xa4: {  	s25 =	simm.s32 $0x1B8E;
	s24 =	sld [smem:$0x3FFE];
	[sflag:s23] =	ssyncadd.s32 $0xFFFFFFFF  }
0xa5: {  	s26 =	simm.s32 $execute0_lowered;
	[smem:$0x3FD2] =	sst s25  }
0xa6: {  	s4 =	sshll.u32 s26, $0x1;
	_ =	strace $0x80000049;
	[dreg:$0x1] =	wrdreg $0xFFFFFFFF  }
0xa7: {  	s28 =	simm.s32 $_size_execute0_lowered;
	s2 =	sadd.s32 s2, s4;
	[dreg:$0x0] =	wrdreg $0x0  }
0xa8: {  	s4 =	sshll.u32 s28, $0x1;
	[dreg:$0x2] =	wrdreg s2  }
0xa9: {  	[dreg:$0x3] =	wrdreg s4  }
0xaa: {  	[dreg:$0x4] =	wrdreg $0xC0  }
0xab: {  	_ =	task [dreg:s6], $0x5FFFF  }
0xac: {  	[dreg:$0x1] =	wrdreg $0xFFFFFFFF  }
0xad: {  	[dreg:$0x0] =	wrdreg $0x60  }
0xae: {  	[dreg:$0x2] =	wrdreg s24  }
0xaf: {  	[dreg:$0x3] =	wrdreg $0x9  }
0xb0: {  	_ =	task.clear_ibuf [dreg:s6], $0x4FFFF;
	_ =	strace $0x90000049  }
0xb1: {  	s29 =	simm.s32 $0x9;
	_ =	strace $0x8000004B  }
0xb2: {  	_ =	swait.ge [sflag:s29], $0x1  }
0xb3: {  	[sflag:s29] =	ssyncadd.s32 $0xFFFFFFFF  }
0xb4: {  	_ =	strace $0x9000004B  }
0xb5: {  	_ =	sfence  }
0xb6: {  	s30 =	sld [smem:$0x0];
	_ =	sdelay $0x2  }
0xb7: {  	s31 =	sshll.u32 s1, $0xD;
	s1 =	sshrl.u32 s1, $0x2  }
0xb8: {  	s3 =	sand.u32 $0x4000, s31;
	s1 =	sadd.s32 s1, s30  }
0xb9: {  	s0 =	sor.u32 s3, s0;
	s1 =	sshll.u32 s1, $0x11  }
0xba: {  	s0 =	sor.u32 s1, s0  }
0xbb: {  	s0 =	sadd.s32 $0x8F2B, s0  }
0xbc: {  	[sflag:s0] =	ssyncadd.remote.s32 $0x1  }
0xbd: {  	_ =	sfence.sel $0xFFFF  }
0xbe: {  	[dreg:$0x0] =	wrdreg $0xFFFFFFFF;
	(pc) =	sbr.abs _section_cstart, $3  }
0xbf: {  	[dreg:$0x1] =	wrdreg $0xFFFFFFFF  }
0xc0: {  	_ =	task.clear_ibuf [dreg:s6], $0x2FFFF;
	_ =	strace $0x9FFFFFFF  }
0xc1: {  	(tm) =	ssettm $0x7FFFFFFF  }
tec
execute0_lowered:
.L_overlay_start_1:
0x0: {  	(tag) =	ssettag $0x1  }
0x1: {  	s4 =	rddreg [dreg:$0x0]  }
0x2: {  	s0 =	rddreg [dreg:$0x1];
	s1 =	simm.s32 $0x0  }
0x3: {  	s5 =	srdreg.scid;
	s2 =	stileid.u32;
	s9 =	simm.s32 $0x4000  }
0x4: {  	s10 =	simm.s32 $0x6800;
	s11 =	simm.s32 $0x1;
	s12 =	simm.s32 $0x2  }
0x5: {  	s13 =	simm.s32 $0x0;
	[smem:$0x7FF] =	sst s1;
	s3 =	sadd.s32 $0x282800, s4  }
0x6: {  	s5 =	sand.u32 $0x1, s5;
	s6 =	sshll.u32 s2, $0xC;
	s8 =	smul.u32 $0x50000, s2  }
0x7: {  	_ =	strace $0x8000004A;
	s7 =	sshll.u32 s5, $0xB;
	s29 =	ssub.s32 $0x2, s5  }
0x8: {  	s5 =	smul.u32 $0x28000, s5;
	s6 =	sor.u32 s7, s6;
	s30 =	sshrl.u32 s29, $0x1  }
0x9: {  	s8 =	sadd.s32 s8, s4;
	s6 =	sadd.s32 s6, s4;
	s7 =	ssub.s32 s29, s30  }
0xa: {  	s31 =	sadd.s32 s5, s8;
	s8 =	simm.s32 $0x80;
	s4 =	sadd.s32 $0x1A2800, s6  }
0xb: {  	s5 =	smax.u32 s7, $0x1;
	s6 =	sadd.s32 $0x322800, s31;
	s7 =	simm.s32 $0x3  }
.LBB2_1:
0xc: {  	[tilespmem:s1], [sflag:$0x3] =	stream.linear.gather [hbm4b:s4+s1], $0x4000, $0x38;
	[tilespmem:$0x9000] =	vst v63  }
0xd: {  	_ =	swait.ge [sflag:s7], $0x4000  }
0xe: {  	[sflag:s7] =	ssyncset.done $0x0  }
0xf: {  	s14 =	simm.s32 $0x0;
	[sflag:s7] =	ssyncadd.s32 $0xFFFFC000  }
0x10: {  	[tilespmem:s9], [sflag:$0x1] =	stream.indirect.gather [hbm4b:s3+s8], $0x50, s14, s8, $0xb8;
	[tilespmem:$0x9000] =	vst v63  }
0x11: {  	s17 =	simm.s32 $0x80  }
0x12: {  	[tilespmem:s10], [sflag:$0x2] =	stream.indirect.gather [hbm4b:s3+s8], $0x50, s17, s8, $0xb8;
	[tilespmem:$0x9000] =	vst v63  }
0x13: {  	_ =	swait.ge [sflag:s11], $0x2800  }
0x14: {  	[sflag:s11] =	ssyncset.done $0x0  }
0x15: {  	[sflag:s11] =	ssyncadd.s32 $0xFFFFD800  }
0x16: {  	[hbm4b:s6+s1] =	stream.linear.scatter [tilespmem:s9], [sflag:$0x3], $0x2800, $0x38;
	[tilespmem:$0x9000] =	vst v63  }
0x17: {  	_ =	swait.ge [sflag:s7], $0x2800  }
0x18: {  	[sflag:s7] =	ssyncset.done $0x0  }
0x19: {  	s18 =	simm.s32 $0x100;
	[sflag:s7] =	ssyncadd.s32 $0xFFFFD800  }
0x1a: {  	[tilespmem:s9], [sflag:$0x1] =	stream.indirect.gather [hbm4b:s3+s8], $0x50, s18, s8, $0xb8;
	[tilespmem:$0x9000] =	vst v63  }
0x1b: {  	_ =	swait.ge [sflag:s12], $0x2800  }
0x1c: {  	[sflag:s12] =	ssyncset.done $0x0  }
0x1d: {  	s19 =	sadd.s32 $0x500, s6;
	[sflag:s12] =	ssyncadd.s32 $0xFFFFD800  }
0x1e: {  	[hbm4b:s19+s1] =	stream.linear.scatter [tilespmem:s10], [sflag:$0x3], $0x2800, $0x38;
	[tilespmem:$0x9000] =	vst v63  }
0x1f: {  	_ =	swait.ge [sflag:s7], $0x2800  }
0x20: {  	[sflag:s7] =	ssyncset.done $0x0  }
0x21: {  	s20 =	simm.s32 $0x180;
	[sflag:s7] =	ssyncadd.s32 $0xFFFFD800  }
0x22: {  	[tilespmem:s10], [sflag:$0x2] =	stream.indirect.gather [hbm4b:s3+s8], $0x50, s20, s8, $0xb8;
	[tilespmem:$0x9000] =	vst v63  }
0x23: {  	_ =	swait.ge [sflag:s11], $0x2800  }
0x24: {  	[sflag:s11] =	ssyncset.done $0x0  }
0x25: {  	s21 =	sadd.s32 $0xA00, s6;
	[sflag:s11] =	ssyncadd.s32 $0xFFFFD800  }
0x26: {  	[hbm4b:s21+s1] =	stream.linear.scatter [tilespmem:s9], [sflag:$0x3], $0x2800, $0x38;
	[tilespmem:$0x9000] =	vst v63  }
0x27: {  	_ =	swait.ge [sflag:s7], $0x2800  }
0x28: {  	[sflag:s7] =	ssyncset.done $0x0  }
0x29: {  	s22 =	simm.s32 $0x200;
	[sflag:s7] =	ssyncadd.s32 $0xFFFFD800  }
0x2a: {  	[tilespmem:s9], [sflag:$0x1] =	stream.indirect.gather [hbm4b:s3+s8], $0x50, s22, s8, $0xb8;
	[tilespmem:$0x9000] =	vst v63  }
0x2b: {  	_ =	swait.ge [sflag:s12], $0x2800  }
0x2c: {  	[sflag:s12] =	ssyncset.done $0x0  }
0x2d: {  	s23 =	sadd.s32 $0xF00, s6;
	[sflag:s12] =	ssyncadd.s32 $0xFFFFD800  }
0x2e: {  	[hbm4b:s23+s1] =	stream.linear.scatter [tilespmem:s10], [sflag:$0x3], $0x2800, $0x38;
	[tilespmem:$0x9000] =	vst v63  }
0x2f: {  	_ =	swait.ge [sflag:s7], $0x2800  }
0x30: {  	[sflag:s7] =	ssyncset.done $0x0  }
0x31: {  	s24 =	simm.s32 $0x280;
	[sflag:s7] =	ssyncadd.s32 $0xFFFFD800  }
0x32: {  	[tilespmem:s10], [sflag:$0x2] =	stream.indirect.gather [hbm4b:s3+s8], $0x50, s24, s8, $0xb8;
	[tilespmem:$0x9000] =	vst v63  }
0x33: {  	_ =	swait.ge [sflag:s11], $0x2800  }
0x34: {  	[sflag:s11] =	ssyncset.done $0x0  }
0x35: {  	s25 =	sadd.s32 $0x1400, s6;
	[sflag:s11] =	ssyncadd.s32 $0xFFFFD800  }
0x36: {  	[hbm4b:s25+s1] =	stream.linear.scatter [tilespmem:s9], [sflag:$0x3], $0x2800, $0x38;
	[tilespmem:$0x9000] =	vst v63  }
0x37: {  	_ =	swait.ge [sflag:s7], $0x2800  }
0x38: {  	[sflag:s7] =	ssyncset.done $0x0  }
0x39: {  	s26 =	simm.s32 $0x300;
	[sflag:s7] =	ssyncadd.s32 $0xFFFFD800  }
0x3a: {  	[tilespmem:s9], [sflag:$0x1] =	stream.indirect.gather [hbm4b:s3+s8], $0x50, s26, s8, $0xb8;
	[tilespmem:$0x9000] =	vst v63  }
0x3b: {  	_ =	swait.ge [sflag:s12], $0x2800  }
0x3c: {  	[sflag:s12] =	ssyncset.done $0x0  }
0x3d: {  	s28 =	sadd.s32 $0x1900, s6;
	[sflag:s12] =	ssyncadd.s32 $0xFFFFD800  }
0x3e: {  	[hbm4b:s28+s1] =	stream.linear.scatter [tilespmem:s10], [sflag:$0x3], $0x2800, $0x38;
	[tilespmem:$0x9000] =	vst v63  }
0x3f: {  	_ =	swait.ge [sflag:s7], $0x2800  }
0x40: {  	[sflag:s7] =	ssyncset.done $0x0  }
0x41: {  	s29 =	simm.s32 $0x380;
	[sflag:s7] =	ssyncadd.s32 $0xFFFFD800  }
0x42: {  	[tilespmem:s10], [sflag:$0x2] =	stream.indirect.gather [hbm4b:s3+s8], $0x50, s29, s8, $0xb8;
	[tilespmem:$0x9000] =	vst v63  }
0x43: {  	_ =	swait.ge [sflag:s11], $0x2800  }
0x44: {  	[sflag:s11] =	ssyncset.done $0x0  }
0x45: {  	s30 =	sadd.s32 $0x1E00, s6;
	[sflag:s11] =	ssyncadd.s32 $0xFFFFD800  }
0x46: {  	[hbm4b:s30+s1] =	stream.linear.scatter [tilespmem:s9], [sflag:$0x3], $0x2800, $0x38;
	[tilespmem:$0x9000] =	vst v63  }
0x47: {  	_ =	swait.ge [sflag:s7], $0x2800  }
0x48: {  	[sflag:s7] =	ssyncset.done $0x0  }
0x49: {  	s31 =	simm.s32 $0x400;
	[sflag:s7] =	ssyncadd.s32 $0xFFFFD800  }
0x4a: {  	[tilespmem:s9], [sflag:$0x1] =	stream.indirect.gather [hbm4b:s3+s8], $0x50, s31, s8, $0xb8;
	[tilespmem:$0x9000] =	vst v63  }
0x4b: {  	_ =	swait.ge [sflag:s12], $0x2800  }
0x4c: {  	[sflag:s12] =	ssyncset.done $0x0  }
0x4d: {  	s15 =	sadd.s32 $0x2300, s6;
	[sflag:s12] =	ssyncadd.s32 $0xFFFFD800  }
0x4e: {  	[hbm4b:s15+s1] =	stream.linear.scatter [tilespmem:s10], [sflag:$0x3], $0x2800, $0x38;
	[tilespmem:$0x9000] =	vst v63  }
0x4f: {  	_ =	swait.ge [sflag:s7], $0x2800  }
0x50: {  	[sflag:s7] =	ssyncset.done $0x0  }
0x51: {  	s16 =	simm.s32 $0x480;
	[sflag:s7] =	ssyncadd.s32 $0xFFFFD800  }
0x52: {  	[tilespmem:s10], [sflag:$0x2] =	stream.indirect.gather [hbm4b:s3+s8], $0x50, s16, s8, $0xb8;
	[tilespmem:$0x9000] =	vst v63  }
0x53: {  	_ =	swait.ge [sflag:s11], $0x2800  }
0x54: {  	[sflag:s11] =	ssyncset.done $0x0  }
0x55: {  	s17 =	sadd.s32 $0x2800, s6;
	[sflag:s11] =	ssyncadd.s32 $0xFFFFD800  }
0x56: {  	[hbm4b:s17+s1] =	stream.linear.scatter [tilespmem:s9], [sflag:$0x3], $0x2800, $0x38;
	[tilespmem:$0x9000] =	vst v63  }
0x57: {  	_ =	swait.ge [sflag:s7], $0x2800  }
0x58: {  	[sflag:s7] =	ssyncset.done $0x0  }
0x59: {  	s18 =	simm.s32 $0x500;
	[sflag:s7] =	ssyncadd.s32 $0xFFFFD800  }
0x5a: {  	[tilespmem:s9], [sflag:$0x1] =	stream.indirect.gather [hbm4b:s3+s8], $0x50, s18, s8, $0xb8;
	[tilespmem:$0x9000] =	vst v63  }
0x5b: {  	_ =	swait.ge [sflag:s12], $0x2800  }
0x5c: {  	[sflag:s12] =	ssyncset.done $0x0  }
0x5d: {  	s19 =	sadd.s32 $0x2D00, s6;
	[sflag:s12] =	ssyncadd.s32 $0xFFFFD800  }
0x5e: {  	[hbm4b:s19+s1] =	stream.linear.scatter [tilespmem:s10], [sflag:$0x3], $0x2800, $0x38;
	[tilespmem:$0x9000] =	vst v63  }
0x5f: {  	_ =	swait.ge [sflag:s7], $0x2800  }
0x60: {  	[sflag:s7] =	ssyncset.done $0x0  }
0x61: {  	s20 =	simm.s32 $0x580;
	[sflag:s7] =	ssyncadd.s32 $0xFFFFD800  }
0x62: {  	[tilespmem:s10], [sflag:$0x2] =	stream.indirect.gather [hbm4b:s3+s8], $0x50, s20, s8, $0xb8;
	[tilespmem:$0x9000] =	vst v63  }
0x63: {  	_ =	swait.ge [sflag:s11], $0x2800  }
0x64: {  	[sflag:s11] =	ssyncset.done $0x0  }
0x65: {  	s21 =	sadd.s32 $0x3200, s6;
	[sflag:s11] =	ssyncadd.s32 $0xFFFFD800  }
0x66: {  	[hbm4b:s21+s1] =	stream.linear.scatter [tilespmem:s9], [sflag:$0x3], $0x2800, $0x38;
	[tilespmem:$0x9000] =	vst v63  }
0x67: {  	_ =	swait.ge [sflag:s7], $0x2800  }
0x68: {  	[sflag:s7] =	ssyncset.done $0x0  }
0x69: {  	s22 =	simm.s32 $0x600;
	[sflag:s7] =	ssyncadd.s32 $0xFFFFD800  }
0x6a: {  	[tilespmem:s9], [sflag:$0x1] =	stream.indirect.gather [hbm4b:s3+s8], $0x50, s22, s8, $0xb8;
	[tilespmem:$0x9000] =	vst v63  }
0x6b: {  	_ =	swait.ge [sflag:s12], $0x2800  }
0x6c: {  	[sflag:s12] =	ssyncset.done $0x0  }
0x6d: {  	s23 =	sadd.s32 $0x3700, s6;
	[sflag:s12] =	ssyncadd.s32 $0xFFFFD800  }
0x6e: {  	[hbm4b:s23+s1] =	stream.linear.scatter [tilespmem:s10], [sflag:$0x3], $0x2800, $0x38;
	[tilespmem:$0x9000] =	vst v63  }
0x6f: {  	_ =	swait.ge [sflag:s7], $0x2800  }
0x70: {  	[sflag:s7] =	ssyncset.done $0x0  }
0x71: {  	s24 =	simm.s32 $0x680;
	[sflag:s7] =	ssyncadd.s32 $0xFFFFD800  }
0x72: {  	[tilespmem:s10], [sflag:$0x2] =	stream.indirect.gather [hbm4b:s3+s8], $0x50, s24, s8, $0xb8;
	[tilespmem:$0x9000] =	vst v63  }
0x73: {  	_ =	swait.ge [sflag:s11], $0x2800  }
0x74: {  	[sflag:s11] =	ssyncset.done $0x0  }
0x75: {  	s25 =	sadd.s32 $0x3C00, s6;
	[sflag:s11] =	ssyncadd.s32 $0xFFFFD800  }
0x76: {  	[hbm4b:s25+s1] =	stream.linear.scatter [tilespmem:s9], [sflag:$0x3], $0x2800, $0x38;
	[tilespmem:$0x9000] =	vst v63  }
0x77: {  	_ =	swait.ge [sflag:s7], $0x2800  }
0x78: {  	[sflag:s7] =	ssyncset.done $0x0  }
0x79: {  	s26 =	simm.s32 $0x700;
	[sflag:s7] =	ssyncadd.s32 $0xFFFFD800  }
0x7a: {  	[tilespmem:s9], [sflag:$0x1] =	stream.indirect.gather [hbm4b:s3+s8], $0x50, s26, s8, $0xb8;
	[tilespmem:$0x9000] =	vst v63  }
0x7b: {  	_ =	swait.ge [sflag:s12], $0x2800  }
0x7c: {  	[sflag:s12] =	ssyncset.done $0x0  }
0x7d: {  	s28 =	sadd.s32 $0x4100, s6;
	[sflag:s12] =	ssyncadd.s32 $0xFFFFD800  }
0x7e: {  	[hbm4b:s28+s1] =	stream.linear.scatter [tilespmem:s10], [sflag:$0x3], $0x2800, $0x38;
	[tilespmem:$0x9000] =	vst v63  }
0x7f: {  	_ =	swait.ge [sflag:s7], $0x2800  }
0x80: {  	[sflag:s7] =	ssyncset.done $0x0  }
0x81: {  	s29 =	simm.s32 $0x780;
	[sflag:s7] =	ssyncadd.s32 $0xFFFFD800  }
0x82: {  	[tilespmem:s10], [sflag:$0x2] =	stream.indirect.gather [hbm4b:s3+s8], $0x50, s29, s8, $0xb8;
	[tilespmem:$0x9000] =	vst v63  }
0x83: {  	_ =	swait.ge [sflag:s11], $0x2800  }
0x84: {  	[sflag:s11] =	ssyncset.done $0x0  }
0x85: {  	s30 =	sadd.s32 $0x4600, s6;
	[sflag:s11] =	ssyncadd.s32 $0xFFFFD800  }
0x86: {  	[hbm4b:s30+s1] =	stream.linear.scatter [tilespmem:s9], [sflag:$0x3], $0x2800, $0x38;
	[tilespmem:$0x9000] =	vst v63  }
0x87: {  	_ =	swait.ge [sflag:s7], $0x2800  }
0x88: {  	[sflag:s7] =	ssyncset.done $0x0  }
0x89: {  	[sflag:s7] =	ssyncadd.s32 $0xFFFFD800  }
0x8a: {  	_ =	swait.ge [sflag:s12], $0x2800  }
0x8b: {  	[sflag:s12] =	ssyncset.done $0x0  }
0x8c: {  	s31 =	sadd.s32 $0x4B00, s6;
	[sflag:s12] =	ssyncadd.s32 $0xFFFFD800  }
0x8d: {  	[hbm4b:s31+s1] =	stream.linear.scatter [tilespmem:s10], [sflag:$0x3], $0x2800, $0x38;
	[tilespmem:$0x9000] =	vst v63  }
0x8e: {  	s14 =	sadd.s32 $0x5000, s6;
	_ =	swait.ge [sflag:s7], $0x2800  }
0x8f: {  	s15 =	simm.s32 $0x2000;
	s18 =	simm.s32 $0x4000;
	[sflag:s7] =	ssyncset.done $0x0  }
.LBB2_2:
0x90: {  	s17 =	sshra.s32 s15, $0x2  }
0x91: {  	[sflag:s7] =	ssyncadd.s32 $0xFFFFD800;
	s15 =	smov.u32 s18;
	s16 =	sadd.s32 $0x2000, s18  }
0x92: {  	[tilespmem:s9], [sflag:$0x1] =	stream.indirect.gather [hbm4b:s3+s8], $0x50, s17, s8, $0xb8;
	[tilespmem:$0x9000] =	vst v63  }
0x93: {  	p0 =	sne.s32 s18, $0xE000;
	s18 =	sadd.s32 $0x80, s17  }
0x94: {  	[tilespmem:s10], [sflag:$0x2] =	stream.indirect.gather [hbm4b:s3+s8], $0x50, s18, s8, $0xb8;
	[tilespmem:$0x9000] =	vst v63  }
0x95: {  	_ =	swait.ge [sflag:s11], $0x2800  }
0x96: {  	[sflag:s11] =	ssyncset.done $0x0  }
0x97: {  	[sflag:s11] =	ssyncadd.s32 $0xFFFFD800  }
0x98: {  	[hbm4b:s14+s1] =	stream.linear.scatter [tilespmem:s9], [sflag:$0x3], $0x2800, $0x38;
	[tilespmem:$0x9000] =	vst v63  }
0x99: {  	_ =	swait.ge [sflag:s7], $0x2800  }
0x9a: {  	[sflag:s7] =	ssyncset.done $0x0  }
0x9b: {  	s18 =	sadd.s32 $0x100, s17;
	[sflag:s7] =	ssyncadd.s32 $0xFFFFD800  }
0x9c: {  	[tilespmem:s9], [sflag:$0x1] =	stream.indirect.gather [hbm4b:s3+s8], $0x50, s18, s8, $0xb8;
	[tilespmem:$0x9000] =	vst v63  }
0x9d: {  	_ =	swait.ge [sflag:s12], $0x2800  }
0x9e: {  	[sflag:s12] =	ssyncset.done $0x0  }
0x9f: {  	s18 =	sadd.s32 $0x500, s14;
	[sflag:s12] =	ssyncadd.s32 $0xFFFFD800  }
0xa0: {  	[hbm4b:s18+s1] =	stream.linear.scatter [tilespmem:s10], [sflag:$0x3], $0x2800, $0x38;
	[tilespmem:$0x9000] =	vst v63  }
0xa1: {  	_ =	swait.ge [sflag:s7], $0x2800  }
0xa2: {  	[sflag:s7] =	ssyncset.done $0x0  }
0xa3: {  	s18 =	sadd.s32 $0x180, s17;
	[sflag:s7] =	ssyncadd.s32 $0xFFFFD800  }
0xa4: {  	[tilespmem:s10], [sflag:$0x2] =	stream.indirect.gather [hbm4b:s3+s8], $0x50, s18, s8, $0xb8;
	[tilespmem:$0x9000] =	vst v63  }
0xa5: {  	_ =	swait.ge [sflag:s11], $0x2800  }
0xa6: {  	[sflag:s11] =	ssyncset.done $0x0  }
0xa7: {  	s18 =	sadd.s32 $0xA00, s14;
	[sflag:s11] =	ssyncadd.s32 $0xFFFFD800  }
0xa8: {  	[hbm4b:s18+s1] =	stream.linear.scatter [tilespmem:s9], [sflag:$0x3], $0x2800, $0x38;
	[tilespmem:$0x9000] =	vst v63  }
0xa9: {  	_ =	swait.ge [sflag:s7], $0x2800  }
0xaa: {  	[sflag:s7] =	ssyncset.done $0x0  }
0xab: {  	s18 =	sadd.s32 $0x200, s17;
	[sflag:s7] =	ssyncadd.s32 $0xFFFFD800  }
0xac: {  	[tilespmem:s9], [sflag:$0x1] =	stream.indirect.gather [hbm4b:s3+s8], $0x50, s18, s8, $0xb8;
	[tilespmem:$0x9000] =	vst v63  }
0xad: {  	_ =	swait.ge [sflag:s12], $0x2800  }
0xae: {  	[sflag:s12] =	ssyncset.done $0x0  }
0xaf: {  	s18 =	sadd.s32 $0xF00, s14;
	[sflag:s12] =	ssyncadd.s32 $0xFFFFD800  }
0xb0: {  	[hbm4b:s18+s1] =	stream.linear.scatter [tilespmem:s10], [sflag:$0x3], $0x2800, $0x38;
	[tilespmem:$0x9000] =	vst v63  }
0xb1: {  	_ =	swait.ge [sflag:s7], $0x2800  }
0xb2: {  	[sflag:s7] =	ssyncset.done $0x0  }
0xb3: {  	s18 =	sadd.s32 $0x280, s17;
	[sflag:s7] =	ssyncadd.s32 $0xFFFFD800  }
0xb4: {  	[tilespmem:s10], [sflag:$0x2] =	stream.indirect.gather [hbm4b:s3+s8], $0x50, s18, s8, $0xb8;
	[tilespmem:$0x9000] =	vst v63  }
0xb5: {  	_ =	swait.ge [sflag:s11], $0x2800  }
0xb6: {  	[sflag:s11] =	ssyncset.done $0x0  }
0xb7: {  	s18 =	sadd.s32 $0x1400, s14;
	[sflag:s11] =	ssyncadd.s32 $0xFFFFD800  }
0xb8: {  	[hbm4b:s18+s1] =	stream.linear.scatter [tilespmem:s9], [sflag:$0x3], $0x2800, $0x38;
	[tilespmem:$0x9000] =	vst v63  }
0xb9: {  	_ =	swait.ge [sflag:s7], $0x2800  }
0xba: {  	[sflag:s7] =	ssyncset.done $0x0  }
0xbb: {  	s18 =	sadd.s32 $0x300, s17;
	[sflag:s7] =	ssyncadd.s32 $0xFFFFD800  }
0xbc: {  	[tilespmem:s9], [sflag:$0x1] =	stream.indirect.gather [hbm4b:s3+s8], $0x50, s18, s8, $0xb8;
	[tilespmem:$0x9000] =	vst v63  }
0xbd: {  	_ =	swait.ge [sflag:s12], $0x2800  }
0xbe: {  	[sflag:s12] =	ssyncset.done $0x0  }
0xbf: {  	s18 =	sadd.s32 $0x1900, s14;
	[sflag:s12] =	ssyncadd.s32 $0xFFFFD800  }
0xc0: {  	[hbm4b:s18+s1] =	stream.linear.scatter [tilespmem:s10], [sflag:$0x3], $0x2800, $0x38;
	[tilespmem:$0x9000] =	vst v63  }
0xc1: {  	_ =	swait.ge [sflag:s7], $0x2800  }
0xc2: {  	[sflag:s7] =	ssyncset.done $0x0  }
0xc3: {  	s18 =	sadd.s32 $0x380, s17;
	[sflag:s7] =	ssyncadd.s32 $0xFFFFD800  }
0xc4: {  	[tilespmem:s10], [sflag:$0x2] =	stream.indirect.gather [hbm4b:s3+s8], $0x50, s18, s8, $0xb8;
	[tilespmem:$0x9000] =	vst v63  }
0xc5: {  	_ =	swait.ge [sflag:s11], $0x2800  }
0xc6: {  	[sflag:s11] =	ssyncset.done $0x0  }
0xc7: {  	s18 =	sadd.s32 $0x1E00, s14;
	[sflag:s11] =	ssyncadd.s32 $0xFFFFD800  }
0xc8: {  	[hbm4b:s18+s1] =	stream.linear.scatter [tilespmem:s9], [sflag:$0x3], $0x2800, $0x38;
	[tilespmem:$0x9000] =	vst v63  }
0xc9: {  	_ =	swait.ge [sflag:s7], $0x2800  }
0xca: {  	[sflag:s7] =	ssyncset.done $0x0  }
0xcb: {  	s18 =	sadd.s32 $0x400, s17;
	[sflag:s7] =	ssyncadd.s32 $0xFFFFD800  }
0xcc: {  	[tilespmem:s9], [sflag:$0x1] =	stream.indirect.gather [hbm4b:s3+s8], $0x50, s18, s8, $0xb8;
	[tilespmem:$0x9000] =	vst v63  }
0xcd: {  	_ =	swait.ge [sflag:s12], $0x2800  }
0xce: {  	[sflag:s12] =	ssyncset.done $0x0  }
0xcf: {  	s18 =	sadd.s32 $0x2300, s14;
	[sflag:s12] =	ssyncadd.s32 $0xFFFFD800  }
0xd0: {  	[hbm4b:s18+s1] =	stream.linear.scatter [tilespmem:s10], [sflag:$0x3], $0x2800, $0x38;
	[tilespmem:$0x9000] =	vst v63  }
0xd1: {  	_ =	swait.ge [sflag:s7], $0x2800  }
0xd2: {  	[sflag:s7] =	ssyncset.done $0x0  }
0xd3: {  	s18 =	sadd.s32 $0x480, s17;
	[sflag:s7] =	ssyncadd.s32 $0xFFFFD800  }
0xd4: {  	[tilespmem:s10], [sflag:$0x2] =	stream.indirect.gather [hbm4b:s3+s8], $0x50, s18, s8, $0xb8;
	[tilespmem:$0x9000] =	vst v63  }
0xd5: {  	_ =	swait.ge [sflag:s11], $0x2800  }
0xd6: {  	[sflag:s11] =	ssyncset.done $0x0  }
0xd7: {  	s18 =	sadd.s32 $0x2800, s14;
	[sflag:s11] =	ssyncadd.s32 $0xFFFFD800  }
0xd8: {  	[hbm4b:s18+s1] =	stream.linear.scatter [tilespmem:s9], [sflag:$0x3], $0x2800, $0x38;
	[tilespmem:$0x9000] =	vst v63  }
0xd9: {  	_ =	swait.ge [sflag:s7], $0x2800  }
0xda: {  	[sflag:s7] =	ssyncset.done $0x0  }
0xdb: {  	s18 =	sadd.s32 $0x500, s17;
	[sflag:s7] =	ssyncadd.s32 $0xFFFFD800  }
0xdc: {  	[tilespmem:s9], [sflag:$0x1] =	stream.indirect.gather [hbm4b:s3+s8], $0x50, s18, s8, $0xb8;
	[tilespmem:$0x9000] =	vst v63  }
0xdd: {  	_ =	swait.ge [sflag:s12], $0x2800  }
0xde: {  	[sflag:s12] =	ssyncset.done $0x0  }
0xdf: {  	s18 =	sadd.s32 $0x2D00, s14;
	[sflag:s12] =	ssyncadd.s32 $0xFFFFD800  }
0xe0: {  	[hbm4b:s18+s1] =	stream.linear.scatter [tilespmem:s10], [sflag:$0x3], $0x2800, $0x38;
	[tilespmem:$0x9000] =	vst v63  }
0xe1: {  	_ =	swait.ge [sflag:s7], $0x2800  }
0xe2: {  	[sflag:s7] =	ssyncset.done $0x0  }
0xe3: {  	s18 =	sadd.s32 $0x580, s17;
	[sflag:s7] =	ssyncadd.s32 $0xFFFFD800  }
0xe4: {  	[tilespmem:s10], [sflag:$0x2] =	stream.indirect.gather [hbm4b:s3+s8], $0x50, s18, s8, $0xb8;
	[tilespmem:$0x9000] =	vst v63  }
0xe5: {  	_ =	swait.ge [sflag:s11], $0x2800  }
0xe6: {  	[sflag:s11] =	ssyncset.done $0x0  }
0xe7: {  	s18 =	sadd.s32 $0x3200, s14;
	[sflag:s11] =	ssyncadd.s32 $0xFFFFD800  }
0xe8: {  	[hbm4b:s18+s1] =	stream.linear.scatter [tilespmem:s9], [sflag:$0x3], $0x2800, $0x38;
	[tilespmem:$0x9000] =	vst v63  }
0xe9: {  	_ =	swait.ge [sflag:s7], $0x2800  }
0xea: {  	[sflag:s7] =	ssyncset.done $0x0  }
0xeb: {  	s18 =	sadd.s32 $0x600, s17;
	[sflag:s7] =	ssyncadd.s32 $0xFFFFD800  }
0xec: {  	[tilespmem:s9], [sflag:$0x1] =	stream.indirect.gather [hbm4b:s3+s8], $0x50, s18, s8, $0xb8;
	[tilespmem:$0x9000] =	vst v63  }
0xed: {  	_ =	swait.ge [sflag:s12], $0x2800  }
0xee: {  	[sflag:s12] =	ssyncset.done $0x0  }
0xef: {  	s18 =	sadd.s32 $0x3700, s14;
	[sflag:s12] =	ssyncadd.s32 $0xFFFFD800  }
0xf0: {  	[hbm4b:s18+s1] =	stream.linear.scatter [tilespmem:s10], [sflag:$0x3], $0x2800, $0x38;
	[tilespmem:$0x9000] =	vst v63  }
0xf1: {  	_ =	swait.ge [sflag:s7], $0x2800  }
0xf2: {  	[sflag:s7] =	ssyncset.done $0x0  }
0xf3: {  	s18 =	sadd.s32 $0x680, s17;
	[sflag:s7] =	ssyncadd.s32 $0xFFFFD800  }
0xf4: {  	[tilespmem:s10], [sflag:$0x2] =	stream.indirect.gather [hbm4b:s3+s8], $0x50, s18, s8, $0xb8;
	[tilespmem:$0x9000] =	vst v63  }
0xf5: {  	_ =	swait.ge [sflag:s11], $0x2800  }
0xf6: {  	[sflag:s11] =	ssyncset.done $0x0  }
0xf7: {  	s18 =	sadd.s32 $0x3C00, s14;
	[sflag:s11] =	ssyncadd.s32 $0xFFFFD800  }
0xf8: {  	[hbm4b:s18+s1] =	stream.linear.scatter [tilespmem:s9], [sflag:$0x3], $0x2800, $0x38;
	[tilespmem:$0x9000] =	vst v63  }
0xf9: {  	_ =	swait.ge [sflag:s7], $0x2800  }
0xfa: {  	[sflag:s7] =	ssyncset.done $0x0  }
0xfb: {  	s18 =	sadd.s32 $0x700, s17;
	[sflag:s7] =	ssyncadd.s32 $0xFFFFD800  }
0xfc: {  	[tilespmem:s9], [sflag:$0x1] =	stream.indirect.gather [hbm4b:s3+s8], $0x50, s18, s8, $0xb8;
	[tilespmem:$0x9000] =	vst v63  }
0xfd: {  	_ =	swait.ge [sflag:s12], $0x2800  }
0xfe: {  	[sflag:s12] =	ssyncset.done $0x0  }
0xff: {  	s18 =	sadd.s32 $0x4100, s14;
	[sflag:s12] =	ssyncadd.s32 $0xFFFFD800  }
0x100: {  	[hbm4b:s18+s1] =	stream.linear.scatter [tilespmem:s10], [sflag:$0x3], $0x2800, $0x38;
	[tilespmem:$0x9000] =	vst v63  }
0x101: {  	_ =	swait.ge [sflag:s7], $0x2800  }
0x102: {  	[sflag:s7] =	ssyncset.done $0x0  }
0x103: {  	s17 =	sadd.s32 $0x780, s17;
	[sflag:s7] =	ssyncadd.s32 $0xFFFFD800  }
0x104: {  	[tilespmem:s10], [sflag:$0x2] =	stream.indirect.gather [hbm4b:s3+s8], $0x50, s17, s8, $0xb8;
	[tilespmem:$0x9000] =	vst v63  }
0x105: {  	_ =	swait.ge [sflag:s11], $0x2800  }
0x106: {  	[sflag:s11] =	ssyncset.done $0x0  }
0x107: {  	s17 =	sadd.s32 $0x4600, s14;
	[sflag:s11] =	ssyncadd.s32 $0xFFFFD800  }
0x108: {  	[hbm4b:s17+s1] =	stream.linear.scatter [tilespmem:s9], [sflag:$0x3], $0x2800, $0x38;
	[tilespmem:$0x9000] =	vst v63  }
0x109: {  	_ =	swait.ge [sflag:s7], $0x2800  }
0x10a: {  	[sflag:s7] =	ssyncset.done $0x0  }
0x10b: {  	[sflag:s7] =	ssyncadd.s32 $0xFFFFD800  }
0x10c: {  	_ =	swait.ge [sflag:s12], $0x2800  }
.Ltmp0:
0x10d: {  	[sflag:s12] =	ssyncset.done $0x0;
	(pc) =	sbr.rel @p0 .LBB2_2-.Ltmp0, $4  }
0x10e: {  	s17 =	sadd.s32 $0x4B00, s14;
	[sflag:s12] =	ssyncadd.s32 $0xFFFFD800  }
0x10f: {  	[hbm4b:s17+s1] =	stream.linear.scatter [tilespmem:s10], [sflag:$0x3], $0x2800, $0x38;
	[tilespmem:$0x9000] =	vst v63  }
0x110: {  	_ =	swait.ge [sflag:s7], $0x2800  }
0x111: {  	s18 =	smov.u32 s16;
	s14 =	sadd.s32 $0x5000, s14;
	[sflag:s7] =	ssyncset.done $0x0  }
0x112: {  	s15 =	sshra.s32 s15, $0x2;
	[sflag:s7] =	ssyncadd.s32 $0xFFFFD800  }
0x113: {  	[tilespmem:s9], [sflag:$0x1] =	stream.indirect.gather [hbm4b:s3+s8], $0x50, s15, s8, $0xb8;
	[tilespmem:$0x9000] =	vst v63  }
0x114: {  	s16 =	sadd.s32 $0x80, s15  }
0x115: {  	[tilespmem:s10], [sflag:$0x2] =	stream.indirect.gather [hbm4b:s3+s8], $0x50, s16, s8, $0xb8;
	[tilespmem:$0x9000] =	vst v63  }
0x116: {  	_ =	swait.ge [sflag:s11], $0x2800  }
0x117: {  	[sflag:s11] =	ssyncset.done $0x0  }
0x118: {  	[sflag:s11] =	ssyncadd.s32 $0xFFFFD800  }
0x119: {  	[hbm4b:s14+s1] =	stream.linear.scatter [tilespmem:s9], [sflag:$0x3], $0x2800, $0x38;
	[tilespmem:$0x9000] =	vst v63  }
0x11a: {  	_ =	swait.ge [sflag:s7], $0x2800  }
0x11b: {  	[sflag:s7] =	ssyncset.done $0x0  }
0x11c: {  	s17 =	sadd.s32 $0x100, s15;
	[sflag:s7] =	ssyncadd.s32 $0xFFFFD800  }
0x11d: {  	[tilespmem:s9], [sflag:$0x1] =	stream.indirect.gather [hbm4b:s3+s8], $0x50, s17, s8, $0xb8;
	[tilespmem:$0x9000] =	vst v63  }
0x11e: {  	_ =	swait.ge [sflag:s12], $0x2800  }
0x11f: {  	[sflag:s12] =	ssyncset.done $0x0  }
0x120: {  	s18 =	sadd.s32 $0x500, s14;
	[sflag:s12] =	ssyncadd.s32 $0xFFFFD800  }
0x121: {  	[hbm4b:s18+s1] =	stream.linear.scatter [tilespmem:s10], [sflag:$0x3], $0x2800, $0x38;
	[tilespmem:$0x9000] =	vst v63  }
0x122: {  	_ =	swait.ge [sflag:s7], $0x2800  }
0x123: {  	[sflag:s7] =	ssyncset.done $0x0  }
0x124: {  	s19 =	sadd.s32 $0x180, s15;
	[sflag:s7] =	ssyncadd.s32 $0xFFFFD800  }
0x125: {  	[tilespmem:s10], [sflag:$0x2] =	stream.indirect.gather [hbm4b:s3+s8], $0x50, s19, s8, $0xb8;
	[tilespmem:$0x9000] =	vst v63  }
0x126: {  	_ =	swait.ge [sflag:s11], $0x2800  }
0x127: {  	[sflag:s11] =	ssyncset.done $0x0  }
0x128: {  	s20 =	sadd.s32 $0xA00, s14;
	[sflag:s11] =	ssyncadd.s32 $0xFFFFD800  }
0x129: {  	[hbm4b:s20+s1] =	stream.linear.scatter [tilespmem:s9], [sflag:$0x3], $0x2800, $0x38;
	[tilespmem:$0x9000] =	vst v63  }
0x12a: {  	_ =	swait.ge [sflag:s7], $0x2800  }
0x12b: {  	[sflag:s7] =	ssyncset.done $0x0  }
0x12c: {  	s21 =	sadd.s32 $0x200, s15;
	[sflag:s7] =	ssyncadd.s32 $0xFFFFD800  }
0x12d: {  	[tilespmem:s9], [sflag:$0x1] =	stream.indirect.gather [hbm4b:s3+s8], $0x50, s21, s8, $0xb8;
	[tilespmem:$0x9000] =	vst v63  }
0x12e: {  	_ =	swait.ge [sflag:s12], $0x2800  }
0x12f: {  	[sflag:s12] =	ssyncset.done $0x0  }
0x130: {  	s22 =	sadd.s32 $0xF00, s14;
	[sflag:s12] =	ssyncadd.s32 $0xFFFFD800  }
0x131: {  	[hbm4b:s22+s1] =	stream.linear.scatter [tilespmem:s10], [sflag:$0x3], $0x2800, $0x38;
	[tilespmem:$0x9000] =	vst v63  }
0x132: {  	_ =	swait.ge [sflag:s7], $0x2800  }
0x133: {  	[sflag:s7] =	ssyncset.done $0x0  }
0x134: {  	s23 =	sadd.s32 $0x280, s15;
	[sflag:s7] =	ssyncadd.s32 $0xFFFFD800  }
0x135: {  	[tilespmem:s10], [sflag:$0x2] =	stream.indirect.gather [hbm4b:s3+s8], $0x50, s23, s8, $0xb8;
	[tilespmem:$0x9000] =	vst v63  }
0x136: {  	_ =	swait.ge [sflag:s11], $0x2800  }
0x137: {  	[sflag:s11] =	ssyncset.done $0x0  }
0x138: {  	s24 =	sadd.s32 $0x1400, s14;
	[sflag:s11] =	ssyncadd.s32 $0xFFFFD800  }
0x139: {  	[hbm4b:s24+s1] =	stream.linear.scatter [tilespmem:s9], [sflag:$0x3], $0x2800, $0x38;
	[tilespmem:$0x9000] =	vst v63  }
0x13a: {  	_ =	swait.ge [sflag:s7], $0x2800  }
0x13b: {  	[sflag:s7] =	ssyncset.done $0x0  }
0x13c: {  	s25 =	sadd.s32 $0x300, s15;
	[sflag:s7] =	ssyncadd.s32 $0xFFFFD800  }
0x13d: {  	[tilespmem:s9], [sflag:$0x1] =	stream.indirect.gather [hbm4b:s3+s8], $0x50, s25, s8, $0xb8;
	[tilespmem:$0x9000] =	vst v63  }
0x13e: {  	_ =	swait.ge [sflag:s12], $0x2800  }
0x13f: {  	[sflag:s12] =	ssyncset.done $0x0  }
0x140: {  	s26 =	sadd.s32 $0x1900, s14;
	[sflag:s12] =	ssyncadd.s32 $0xFFFFD800  }
0x141: {  	[hbm4b:s26+s1] =	stream.linear.scatter [tilespmem:s10], [sflag:$0x3], $0x2800, $0x38;
	[tilespmem:$0x9000] =	vst v63  }
0x142: {  	_ =	swait.ge [sflag:s7], $0x2800  }
0x143: {  	[sflag:s7] =	ssyncset.done $0x0  }
0x144: {  	s28 =	sadd.s32 $0x380, s15;
	[sflag:s7] =	ssyncadd.s32 $0xFFFFD800  }
0x145: {  	[tilespmem:s10], [sflag:$0x2] =	stream.indirect.gather [hbm4b:s3+s8], $0x50, s28, s8, $0xb8;
	[tilespmem:$0x9000] =	vst v63  }
0x146: {  	_ =	swait.ge [sflag:s11], $0x2800  }
0x147: {  	[sflag:s11] =	ssyncset.done $0x0  }
0x148: {  	s29 =	sadd.s32 $0x1E00, s14;
	[sflag:s11] =	ssyncadd.s32 $0xFFFFD800  }
0x149: {  	[hbm4b:s29+s1] =	stream.linear.scatter [tilespmem:s9], [sflag:$0x3], $0x2800, $0x38;
	[tilespmem:$0x9000] =	vst v63  }
0x14a: {  	_ =	swait.ge [sflag:s7], $0x2800  }
0x14b: {  	[sflag:s7] =	ssyncset.done $0x0  }
0x14c: {  	s30 =	sadd.s32 $0x400, s15;
	[sflag:s7] =	ssyncadd.s32 $0xFFFFD800  }
0x14d: {  	[tilespmem:s9], [sflag:$0x1] =	stream.indirect.gather [hbm4b:s3+s8], $0x50, s30, s8, $0xb8;
	[tilespmem:$0x9000] =	vst v63  }
0x14e: {  	_ =	swait.ge [sflag:s12], $0x2800  }
0x14f: {  	[sflag:s12] =	ssyncset.done $0x0  }
0x150: {  	s31 =	sadd.s32 $0x2300, s14;
	[sflag:s12] =	ssyncadd.s32 $0xFFFFD800  }
0x151: {  	[hbm4b:s31+s1] =	stream.linear.scatter [tilespmem:s10], [sflag:$0x3], $0x2800, $0x38;
	[tilespmem:$0x9000] =	vst v63  }
0x152: {  	_ =	swait.ge [sflag:s7], $0x2800  }
0x153: {  	[sflag:s7] =	ssyncset.done $0x0  }
0x154: {  	s17 =	sadd.s32 $0x480, s15;
	[sflag:s7] =	ssyncadd.s32 $0xFFFFD800  }
0x155: {  	[tilespmem:s10], [sflag:$0x2] =	stream.indirect.gather [hbm4b:s3+s8], $0x50, s17, s8, $0xb8;
	[tilespmem:$0x9000] =	vst v63  }
0x156: {  	_ =	swait.ge [sflag:s11], $0x2800  }
0x157: {  	[sflag:s11] =	ssyncset.done $0x0  }
0x158: {  	s18 =	sadd.s32 $0x2800, s14;
	[sflag:s11] =	ssyncadd.s32 $0xFFFFD800  }
0x159: {  	[hbm4b:s18+s1] =	stream.linear.scatter [tilespmem:s9], [sflag:$0x3], $0x2800, $0x38;
	[tilespmem:$0x9000] =	vst v63  }
0x15a: {  	_ =	swait.ge [sflag:s7], $0x2800  }
0x15b: {  	[sflag:s7] =	ssyncset.done $0x0  }
0x15c: {  	s19 =	sadd.s32 $0x500, s15;
	[sflag:s7] =	ssyncadd.s32 $0xFFFFD800  }
0x15d: {  	[tilespmem:s9], [sflag:$0x1] =	stream.indirect.gather [hbm4b:s3+s8], $0x50, s19, s8, $0xb8;
	[tilespmem:$0x9000] =	vst v63  }
0x15e: {  	_ =	swait.ge [sflag:s12], $0x2800  }
0x15f: {  	[sflag:s12] =	ssyncset.done $0x0  }
0x160: {  	s20 =	sadd.s32 $0x2D00, s14;
	[sflag:s12] =	ssyncadd.s32 $0xFFFFD800  }
0x161: {  	[hbm4b:s20+s1] =	stream.linear.scatter [tilespmem:s10], [sflag:$0x3], $0x2800, $0x38;
	[tilespmem:$0x9000] =	vst v63  }
0x162: {  	_ =	swait.ge [sflag:s7], $0x2800  }
0x163: {  	[sflag:s7] =	ssyncset.done $0x0  }
0x164: {  	s21 =	sadd.s32 $0x580, s15;
	[sflag:s7] =	ssyncadd.s32 $0xFFFFD800  }
0x165: {  	[tilespmem:s10], [sflag:$0x2] =	stream.indirect.gather [hbm4b:s3+s8], $0x50, s21, s8, $0xb8;
	[tilespmem:$0x9000] =	vst v63  }
0x166: {  	_ =	swait.ge [sflag:s11], $0x2800  }
0x167: {  	[sflag:s11] =	ssyncset.done $0x0  }
0x168: {  	s22 =	sadd.s32 $0x3200, s14;
	[sflag:s11] =	ssyncadd.s32 $0xFFFFD800  }
0x169: {  	[hbm4b:s22+s1] =	stream.linear.scatter [tilespmem:s9], [sflag:$0x3], $0x2800, $0x38;
	[tilespmem:$0x9000] =	vst v63  }
0x16a: {  	_ =	swait.ge [sflag:s7], $0x2800  }
0x16b: {  	[sflag:s7] =	ssyncset.done $0x0  }
0x16c: {  	s23 =	sadd.s32 $0x600, s15;
	[sflag:s7] =	ssyncadd.s32 $0xFFFFD800  }
0x16d: {  	[tilespmem:s9], [sflag:$0x1] =	stream.indirect.gather [hbm4b:s3+s8], $0x50, s23, s8, $0xb8;
	[tilespmem:$0x9000] =	vst v63  }
0x16e: {  	_ =	swait.ge [sflag:s12], $0x2800  }
0x16f: {  	[sflag:s12] =	ssyncset.done $0x0  }
0x170: {  	s24 =	sadd.s32 $0x3700, s14;
	[sflag:s12] =	ssyncadd.s32 $0xFFFFD800  }
0x171: {  	[hbm4b:s24+s1] =	stream.linear.scatter [tilespmem:s10], [sflag:$0x3], $0x2800, $0x38;
	[tilespmem:$0x9000] =	vst v63  }
0x172: {  	_ =	swait.ge [sflag:s7], $0x2800  }
0x173: {  	[sflag:s7] =	ssyncset.done $0x0  }
0x174: {  	s25 =	sadd.s32 $0x680, s15;
	[sflag:s7] =	ssyncadd.s32 $0xFFFFD800  }
0x175: {  	[tilespmem:s10], [sflag:$0x2] =	stream.indirect.gather [hbm4b:s3+s8], $0x50, s25, s8, $0xb8;
	[tilespmem:$0x9000] =	vst v63  }
0x176: {  	_ =	swait.ge [sflag:s11], $0x2800  }
0x177: {  	[sflag:s11] =	ssyncset.done $0x0  }
0x178: {  	s26 =	sadd.s32 $0x3C00, s14;
	[sflag:s11] =	ssyncadd.s32 $0xFFFFD800  }
0x179: {  	[hbm4b:s26+s1] =	stream.linear.scatter [tilespmem:s9], [sflag:$0x3], $0x2800, $0x38;
	[tilespmem:$0x9000] =	vst v63  }
0x17a: {  	_ =	swait.ge [sflag:s7], $0x2800  }
0x17b: {  	[sflag:s7] =	ssyncset.done $0x0  }
0x17c: {  	s28 =	sadd.s32 $0x700, s15;
	[sflag:s7] =	ssyncadd.s32 $0xFFFFD800  }
0x17d: {  	[tilespmem:s9], [sflag:$0x1] =	stream.indirect.gather [hbm4b:s3+s8], $0x50, s28, s8, $0xb8;
	[tilespmem:$0x9000] =	vst v63  }
0x17e: {  	_ =	swait.ge [sflag:s12], $0x2800  }
0x17f: {  	[sflag:s12] =	ssyncset.done $0x0  }
0x180: {  	s29 =	sadd.s32 $0x4100, s14;
	[sflag:s12] =	ssyncadd.s32 $0xFFFFD800  }
0x181: {  	[hbm4b:s29+s1] =	stream.linear.scatter [tilespmem:s10], [sflag:$0x3], $0x2800, $0x38;
	[tilespmem:$0x9000] =	vst v63  }
0x182: {  	_ =	swait.ge [sflag:s7], $0x2800  }
0x183: {  	[sflag:s7] =	ssyncset.done $0x0  }
0x184: {  	s15 =	sadd.s32 $0x780, s15;
	[sflag:s7] =	ssyncadd.s32 $0xFFFFD800  }
0x185: {  	[tilespmem:s10], [sflag:$0x2] =	stream.indirect.gather [hbm4b:s3+s8], $0x50, s15, s8, $0xb8;
	[tilespmem:$0x9000] =	vst v63  }
0x186: {  	_ =	swait.ge [sflag:s11], $0x2800  }
0x187: {  	[sflag:s11] =	ssyncset.done $0x0  }
0x188: {  	s30 =	sadd.s32 $0x4600, s14;
	[sflag:s11] =	ssyncadd.s32 $0xFFFFD800  }
0x189: {  	[hbm4b:s30+s1] =	stream.linear.scatter [tilespmem:s9], [sflag:$0x3], $0x2800, $0x38;
	[tilespmem:$0x9000] =	vst v63  }
0x18a: {  	_ =	swait.ge [sflag:s7], $0x2800  }
0x18b: {  	[sflag:s7] =	ssyncset.done $0x0  }
0x18c: {  	[sflag:s7] =	ssyncadd.s32 $0xFFFFD800  }
0x18d: {  	s13 =	sadd.s32 $0x1, s13;
	_ =	swait.ge [sflag:s12], $0x2800  }
0x18e: {  	p0 =	sne.s32 s13, s5;
	[sflag:s12] =	ssyncset.done $0x0  }
.Ltmp1:
0x18f: {  	s31 =	sadd.s32 $0x4B00, s14;
	[sflag:s12] =	ssyncadd.s32 $0xFFFFD800;
	(pc) =	sbr.rel @p0 .LBB2_1-.Ltmp1, $4  }
0x190: {  	[hbm4b:s31+s1] =	stream.linear.scatter [tilespmem:s10], [sflag:$0x3], $0x2800, $0x38;
	[tilespmem:$0x9000] =	vst v63  }
0x191: {  	_ =	swait.ge [sflag:s7], $0x2800  }
0x192: {  	[sflag:s7] =	ssyncset.done $0x0  }
0x193: {  	[sflag:s7] =	ssyncadd.s32 $0xFFFFD800  }
0x194: {  	_ =	sfence.sel $0x180000  }
0x195: {  	[bflag:$0x0] =	sbarrier.arrive $0xFFFF  }
0x196: {  	p0 =	sne.s32 s2, $0x0;
	_ =	strace $0x9000004A  }
0x197: {  	s0 =	sadd.s32 @!p0 $0x100000, s0;
	[bflag:$0x2] =	sbarrier.arrive $0xFFFF  }
0x198: {  	[sflag:s0] =	ssyncadd.tile.s32 @!p0 $0x1;
	_ =	shalt  }
.Lfunc_end2:
_tile_overlayer_lowered:
.L_overlay_start_2:
0x199: {  	(tag) =	ssettag $0x2  }
0x19a: {  	s0 =	rddreg [dreg:$0x0];
	s2 =	stileid.u32  }
0x19b: {  	s1 =	rddreg [dreg:$0x1];
	p0 =	sne.s32 s2, $0x0  }
0x19c: {  	s3 =	rddreg [dreg:$0x2];
	[bflag:$0x3] =	sbarrier.arrive $0xFFFF;
	s2 =	simm.s32 @!p0 $0x1C03  }
0x19d: {  	[timem:s3], [sflag:s2] =	dma.local @!p0 [hbm:s0], s1  }
0x19e: {  	s0 =	simm.s32 @!p0 $0x3  }
0x19f: {  	_ =	swait.ge @!p0 [sflag:s0], s1  }
0x1a0: {  	s1 =	ssub.s32 @!p0 $0x0, s1;
	[sflag:s0] =	ssyncset.done @!p0 $0x0  }
0x1a1: {  	[sflag:s0] =	ssyncadd.s32 @!p0 s1  }
0x1a2: {  	[bflag:$0x3] =	sbarrier.arrive $0xFFFF  }
0x1a3: {  	_ =	shalt  }

</sc_bundles>
